<compile_context>
chip_gen: v7x
topology: tpu7x:2x2x1
jax: 0.10.2.dev20260603
libtpu: 0.0.44.dev20260713+nightly
codegen_flags: <defaults>
</compile_context>

<pallas_src>
import functools

import jax
import jax.numpy as jnp
from jax import lax
from jax.experimental import pallas as pl
from jax.experimental.pallas import tpu as pltpu
from jax.experimental.pallas import tpu_sc as plsc

N = 10000
E = 320000
D_IN = 128
HID = 64
D_OUT = 128

NC = 2
NS = 16
NW = NC * NS
L = 16
EW = E // NW
C = 80
K = EW // C
N2 = 10240
NT = N2 // NS

_mesh = plsc.VectorSubcoreMesh(core_axis_name="c", subcore_axis_name="s")


def _f32(*shape):
    return jax.ShapeDtypeStruct(shape, jnp.float32)



def _gather_add_body(a_hbm, b_hbm, dst_hbm, src_hbm, p_hbm,
                     dst_v, src_v, ra0, rb0, ra1, rb1, sem0, sem1):
    wid = lax.axis_index("s") * NC + lax.axis_index("c")
    base = wid * EW
    pltpu.sync_copy(dst_hbm.at[wid], dst_v)
    pltpu.sync_copy(src_hbm.at[wid], src_v)

    bufs = ((ra0, rb0, sem0), (ra1, rb1, sem1))

    def start(j, ra, rb, sem):
        pltpu.async_copy(a_hbm.at[dst_v.at[j]], ra, sem)
        pltpu.async_copy(b_hbm.at[src_v.at[j]], rb, sem)

    def drain(ra, rb, sem):
        pltpu.make_async_copy(a_hbm.at[pl.ds(0, C)], ra, sem).wait()
        pltpu.make_async_copy(b_hbm.at[pl.ds(0, C)], rb, sem).wait()

    def process(j, ra, rb, sem):
        drain(ra, rb, sem)

        @plsc.parallel_loop(0, C, 1, unroll=4)
        def _(r):
            for u in range(HID // L):
                sl = pl.ds(u * L, L)
                ra[r, sl] = ra[r, sl] + rb[r, sl]

        pltpu.sync_copy(ra, p_hbm.at[pl.ds(base + j * C, C)])

    start(0, *bufs[0])
    start(1, *bufs[1])

    @pl.loop(0, K - 1, step=2)
    def _(g):
        for b in range(2):
            j = g + b
            ra, rb, sem = bufs[b]
            process(j, ra, rb, sem)

            @pl.when(j + 2 < K)
            def _():
                start(j + 2, ra, rb, sem)

    process(K - 1, *bufs[(K - 1) % 2])


def _gather_add(a, b, dst3, src3):
    fn = pl.kernel(
        _gather_add_body,
        out_type=[_f32(E, HID)],
        mesh=_mesh,
        compiler_params=pltpu.CompilerParams(use_tc_tiling_on_sc=False),
        scratch_types=[
            pltpu.VMEM((K, C), jnp.int32),
            pltpu.VMEM((K, C), jnp.int32),
            pltpu.VMEM((C, HID), jnp.float32),
            pltpu.VMEM((C, HID), jnp.float32),
            pltpu.VMEM((C, HID), jnp.float32),
            pltpu.VMEM((C, HID), jnp.float32),
            pltpu.SemaphoreType.DMA,
            pltpu.SemaphoreType.DMA,
        ],
    )
    return fn(a, b, dst3, src3)[0]


def _scatter_body(with_deg, m_hbm, dst_hbm, out_hbm, deg_hbm,
                  dst_v, rows0, rows1, zbuf, onesv, zdeg, acc_sh, deg_sh,
                  sem0, sem1):
    cid = lax.axis_index("c")
    sid = lax.axis_index("s")
    wid = sid * NC + cid
    base = wid * EW

    zero16 = jnp.zeros((L,), jnp.float32)

    def zrow(r, c2):
        for u in range(HID // L):
            zbuf[r, pl.ds(u * L, L)] = zero16
        return c2

    lax.fori_loop(0, NT, zrow, 0)
    pltpu.sync_copy(zbuf, acc_sh.at[pl.ds(sid * NT, NT)])

    if with_deg:
        one16 = jnp.ones((L,), jnp.float32)

        def orow(r, c2):
            onesv[r, :] = one16
            return c2

        lax.fori_loop(0, C, orow, 0)

        def zdrow(r, c2):
            zdeg[r, :] = zero16
            return c2

        lax.fori_loop(0, NT, zdrow, 0)
        pltpu.sync_copy(zdeg, deg_sh.at[pl.ds(sid * NT, NT)])

    plsc.subcore_barrier()

    pltpu.sync_copy(dst_hbm.at[wid], dst_v)

    bufs = ((rows0, sem0), (rows1, sem1))

    def start(j, rows, sem):
        pltpu.async_copy(m_hbm.at[pl.ds(base + j * C, C)], rows, sem)

    def process(j, rows, sem):
        pltpu.make_async_copy(m_hbm.at[pl.ds(0, C)], rows, sem).wait()
        pltpu.sync_copy(rows, acc_sh.at[dst_v.at[j]], add=True)
        if with_deg:
            pltpu.sync_copy(onesv, deg_sh.at[dst_v.at[j]], add=True)

    start(0, *bufs[0])
    start(1, *bufs[1])

    @pl.loop(0, K - 1, step=2)
    def _(g):
        for b in range(2):
            j = g + b
            rows, sem = bufs[b]
            process(j, rows, sem)

            @pl.when(j + 2 < K)
            def _():
                start(j + 2, rows, sem)

    process(K - 1, *bufs[(K - 1) % 2])

    plsc.subcore_barrier()

    sl = pl.ds(sid * NT, NT)
    pltpu.sync_copy(acc_sh.at[sl], zbuf)
    pltpu.sync_copy(zbuf, out_hbm.at[cid, sl])
    if with_deg:
        pltpu.sync_copy(deg_sh.at[sl], zdeg)
        pltpu.sync_copy(zdeg, deg_hbm.at[cid, sl])


def _scatter(m, dst3, with_deg):
    fn = pl.kernel(
        functools.partial(_scatter_body, with_deg),
        out_type=[_f32(NC, N2, HID), _f32(NC, N2, L)],
        mesh=_mesh,
        compiler_params=pltpu.CompilerParams(use_tc_tiling_on_sc=False),
        scratch_types=[
            pltpu.VMEM((K, C), jnp.int32),
            pltpu.VMEM((C, HID), jnp.float32),
            pltpu.VMEM((C, HID), jnp.float32),
            pltpu.VMEM((NT, HID), jnp.float32),
            pltpu.VMEM((C, L), jnp.float32),
            pltpu.VMEM((NT, L), jnp.float32),
            pltpu.VMEM_SHARED((N2, HID), jnp.float32),
            pltpu.VMEM_SHARED((N2, L), jnp.float32),
            pltpu.SemaphoreType.DMA,
            pltpu.SemaphoreType.DMA,
        ],
    )
    return fn(m, dst3)



def _proj_body(x_ref, wd_ref, wb_ref, b_ref, a_ref, bproj_ref):
    xv = x_ref[...]
    a_ref[...] = jnp.dot(xv, wd_ref[...],
                         preferred_element_type=jnp.float32) + b_ref[...]
    bproj_ref[...] = jnp.dot(xv, wb_ref[...],
                             preferred_element_type=jnp.float32)


def _proj(x, wd, wb, b):
    d = x.shape[1]
    bn = 2000
    grid = (N // bn,)
    return pl.pallas_call(
        _proj_body,
        grid=grid,
        in_specs=[
            pl.BlockSpec((bn, d), lambda i: (i, 0)),
            pl.BlockSpec((d, HID), lambda i: (0, 0)),
            pl.BlockSpec((d, HID), lambda i: (0, 0)),
            pl.BlockSpec((1, HID), lambda i: (0, 0)),
        ],
        out_specs=[
            pl.BlockSpec((bn, HID), lambda i: (i, 0)),
            pl.BlockSpec((bn, HID), lambda i: (i, 0)),
        ],
        out_shape=[_f32(N, HID), _f32(N, HID)],
    )(x, wd, wb, b.reshape(1, HID))


def _mlp_body(p_ref, w2_ref, b2_ref, w3_ref, b3_ref, m_ref):
    h = jnp.maximum(p_ref[...], 0.0)
    h = jnp.dot(h, w2_ref[...], preferred_element_type=jnp.float32) + b2_ref[...]
    h = jnp.maximum(h, 0.0)
    h = jnp.dot(h, w3_ref[...], preferred_element_type=jnp.float32) + b3_ref[...]
    m_ref[...] = jnp.maximum(h, 0.0)


def _edge_mlp(p, w2d, b2d, w3d, b3d):
    e2 = E // 2
    be = 4000
    p2 = p.reshape(e2, 2 * HID)
    out = pl.pallas_call(
        _mlp_body,
        grid=(e2 // be,),
        in_specs=[
            pl.BlockSpec((be, 2 * HID), lambda i: (i, 0)),
            pl.BlockSpec((2 * HID, 2 * HID), lambda i: (0, 0)),
            pl.BlockSpec((1, 2 * HID), lambda i: (0, 0)),
            pl.BlockSpec((2 * HID, 2 * HID), lambda i: (0, 0)),
            pl.BlockSpec((1, 2 * HID), lambda i: (0, 0)),
        ],
        out_specs=pl.BlockSpec((be, 2 * HID), lambda i: (i, 0)),
        out_shape=_f32(e2, 2 * HID),
    )(p2, w2d, b2d.reshape(1, 2 * HID), w3d, b3d.reshape(1, 2 * HID))
    return out.reshape(E, HID)


def _node1_body(s_ref, deg_ref, w4_ref, b4_ref, vd_ref, vb_ref, bv_ref,
                a_ref, b_ref):
    s = s_ref[0] + s_ref[1]
    deg = deg_ref[0, :, 0:1] + deg_ref[1, :, 0:1]
    agg = jnp.dot(s, w4_ref[...], preferred_element_type=jnp.float32)
    y = jnp.maximum(agg + deg * b4_ref[...], 0.0)
    a_ref[...] = jnp.dot(y, vd_ref[...],
                         preferred_element_type=jnp.float32) + bv_ref[...]
    b_ref[...] = jnp.dot(y, vb_ref[...], preferred_element_type=jnp.float32)


def _node1(s, deg, w4, b4, vd, vb, bv):
    bn = 2000
    return pl.pallas_call(
        _node1_body,
        grid=(N // bn,),
        in_specs=[
            pl.BlockSpec((NC, bn, HID), lambda i: (0, i, 0)),
            pl.BlockSpec((NC, bn, L), lambda i: (0, i, 0)),
            pl.BlockSpec((HID, HID), lambda i: (0, 0)),
            pl.BlockSpec((1, HID), lambda i: (0, 0)),
            pl.BlockSpec((HID, HID), lambda i: (0, 0)),
            pl.BlockSpec((HID, HID), lambda i: (0, 0)),
            pl.BlockSpec((1, HID), lambda i: (0, 0)),
        ],
        out_specs=[
            pl.BlockSpec((bn, HID), lambda i: (i, 0)),
            pl.BlockSpec((bn, HID), lambda i: (i, 0)),
        ],
        out_shape=[_f32(N, HID), _f32(N, HID)],
    )(s, deg, w4, b4.reshape(1, HID), vd, vb, bv.reshape(1, HID))


def _final_body(s_ref, deg_ref, w4_ref, b4_ref, o_ref):
    s = s_ref[0] + s_ref[1]
    deg = deg_ref[0, :, 0:1] + deg_ref[1, :, 0:1]
    agg = jnp.dot(s, w4_ref[...], preferred_element_type=jnp.float32)
    o_ref[...] = agg + deg * b4_ref[...]


def _final(s, deg, w4, b4):
    bn = 2000
    return pl.pallas_call(
        _final_body,
        grid=(N // bn,),
        in_specs=[
            pl.BlockSpec((NC, bn, HID), lambda i: (0, i, 0)),
            pl.BlockSpec((NC, bn, L), lambda i: (0, i, 0)),
            pl.BlockSpec((HID, D_OUT), lambda i: (0, 0)),
            pl.BlockSpec((1, D_OUT), lambda i: (0, 0)),
        ],
        out_specs=pl.BlockSpec((bn, D_OUT), lambda i: (i, 0)),
        out_shape=_f32(N, D_OUT),
    )(s, deg, w4, b4.reshape(1, D_OUT))



def _blockdiag(w):
    z = jnp.zeros_like(w)
    return jnp.concatenate(
        [jnp.concatenate([w, z], axis=1), jnp.concatenate([z, w], axis=1)],
        axis=0)


def kernel(x, edge_index, params):
    p1 = params["conv1"]
    p2 = params["conv2"]
    (w1, b1), (w2, b2), (w3, b3), (w4, b4) = p1
    (v1, c1), (v2, c2), (v3, c3), (v4, c4) = p2

    w1a, w1b = w1[:D_IN], w1[D_IN:]
    wd1 = w1a - w1b
    v1a, v1b = v1[:HID], v1[HID:]
    vd1 = v1a - v1b

    w2d, w3d = _blockdiag(w2), _blockdiag(w3)
    v2d, v3d = _blockdiag(v2), _blockdiag(v3)
    b2d = jnp.concatenate([b2, b2])
    b3d = jnp.concatenate([b3, b3])
    c2d = jnp.concatenate([c2, c2])
    c3d = jnp.concatenate([c3, c3])

    src3 = edge_index[0].reshape(NW, K, C)
    dst3 = edge_index[1].reshape(NW, K, C)

    a1, bp1 = _proj(x, wd1, w1b, b1)
    pre1 = _gather_add(a1, bp1, dst3, src3)
    m1 = _edge_mlp(pre1, w2d, b2d, w3d, b3d)
    s1, deg = _scatter(m1, dst3, with_deg=True)

    a2, bp2 = _node1(s1, deg, w4, b4, vd1, v1b, c1)
    pre2 = _gather_add(a2, bp2, dst3, src3)
    m2 = _edge_mlp(pre2, v2d, c2d, v3d, c3d)
    s2, _ = _scatter(m2, dst3, with_deg=False)

    return _final(s2, deg, v4, c4)

# --- scband reference (transcript-rebuilt; emitter-appended) ---
"""Pipeline reference for scband-edge-conv-encoder-31748398252834 (READ-ONLY COPY).

The authoritative reference and input builder live on the scoring server;
editing this copy changes nothing except your own understanding.
"""

import jax, jax.numpy as jnp
import numpy as np

N = 10000
E = 320000
D_IN = 128
HID = 64
D_OUT = 128


def _linear_params(key, fan_in, fan_out):
    kw, kb = jax.random.split(key)
    bound = 1.0 / np.sqrt(fan_in)
    W = jax.random.uniform(kw, (fan_in, fan_out), minval=-bound, maxval=bound, dtype=jnp.float32)
    b = jax.random.uniform(kb, (fan_out,), minval=-bound, maxval=bound, dtype=jnp.float32)
    return (W, b)


def _mlp_params(key, d_in, hid, d_out, num_layers=2):
    keys = jax.random.split(key, num_layers + 2)
    p = [_linear_params(keys[0], d_in, hid)]
    for i in range(num_layers):
        p.append(_linear_params(keys[1 + i], hid, hid))
    p.append(_linear_params(keys[-1], hid, d_out))
    return p


def setup_inputs(seed: int = 0) -> dict:
    key = jax.random.key(seed)
    kx, ke, k1, k2 = jax.random.split(key, 4)
    x = jax.random.normal(kx, (N, D_IN), dtype=jnp.float32)
    edge_index = jax.random.randint(ke, (2, E), 0, N, dtype=jnp.int32)
    params = {
        "conv1": _mlp_params(k1, 2 * D_IN, HID, HID),
        "conv2": _mlp_params(k2, 2 * HID, HID, D_OUT),
    }
    return {"x": x, "edge_index": edge_index, "params": params}


def _mlp(h, p):
    W, b = p[0]
    h = jax.nn.relu(h @ W + b)
    for W, b in p[1:-1]:
        h = jax.nn.relu(h @ W + b)
    W, b = p[-1]
    return h @ W + b


def _edge_conv(x, edge_index, p):
    # PyG EdgeConv: message = nn(cat([x_i, x_j - x_i])), aggregated at dst (edge_index[1])
    src = edge_index[0]
    dst = edge_index[1]
    x_i = x[dst]
    x_j = x[src]
    m = _mlp(jnp.concatenate([x_i, x_j - x_i], axis=-1), p)
    return jax.ops.segment_sum(m, dst, num_segments=x.shape[0])


def reference(x, edge_index, params):
    h = jax.nn.relu(_edge_conv(x, edge_index, params["conv1"]))
    h = _edge_conv(h, edge_index, params["conv2"])
    return h

if __name__ == "__main__":
    import jax
    _d = setup_inputs()
    print(jax.jit(kernel)(*tuple(_d.values())))

</pallas_src>

<mosaic_0001>
#map = affine_map<(d0, d1) -> (0, 0)>
#map1 = affine_map<(d0, d1) -> (0, 0, 0)>
module attributes {stable_mosaic.version = 14 : i64} {
  func.func @_gather_add_body(%arg0: i32, %arg1: i32, %arg2: memref<10000x64xf32, #tpu.memory_space<hbm>>, %arg3: memref<10000x64xf32, #tpu.memory_space<hbm>>, %arg4: memref<32x125x80xi32, #tpu.memory_space<hbm>>, %arg5: memref<32x125x80xi32, #tpu.memory_space<hbm>>, %arg6: memref<320000x64xf32, #tpu.memory_space<hbm>>, %arg7: memref<125x80xi32, #tpu.memory_space<vmem>>, %arg8: memref<125x80xi32, #tpu.memory_space<vmem>>, %arg9: memref<80x64xf32, #tpu.memory_space<vmem>>, %arg10: memref<80x64xf32, #tpu.memory_space<vmem>>, %arg11: memref<80x64xf32, #tpu.memory_space<vmem>>, %arg12: memref<80x64xf32, #tpu.memory_space<vmem>>, %arg13: memref<!tpu.dma_semaphore, #tpu.memory_space<semaphore_mem>>, %arg14: memref<!tpu.dma_semaphore, #tpu.memory_space<semaphore_mem>>) attributes {dimension_semantics = [#tpu.dimension_semantics<core_parallel>, #tpu.dimension_semantics<subcore_parallel>], iteration_bounds = array<i64: 2, 16>, scalar_prefetch = 0 : i64, scratch_operands = 8 : i64, tpu.core_type = #tpu.core_type<sc_vector_subcore>, window_params = [{transform_indices = #map}, {transform_indices = #map}, {transform_indices = #map1}, {transform_indices = #map1}, {transform_indices = #map}]} {
    %mul3A = arith.constant 2 : i32
    %mul3A_0 = arith.muli %arg1, %mul3A : i32
    %add3A = arith.addi %mul3A_0, %arg0 : i32
    %mul3A_1 = arith.constant 10000 : i32
    %mul3A_2 = arith.muli %add3A, %mul3A_1 : i32
    "tpu.region"() ({
      %run_scoped3A = tpu.sem_alloc : memref<!tpu.dma_semaphore, #tpu.memory_space<semaphore_mem>>
      %dma_start3A_49 = arith.constant 0 : i32
      %dma_start3A_50 = arith.constant 0 : i32
      %dma_start3A_51 = tpu.memref_slice %arg4[%add3A, %dma_start3A_49, %dma_start3A_50] : memref<32x125x80xi32, #tpu.memory_space<hbm>> -> memref<1x125x80xi32, #tpu.memory_space<hbm>>
      %dma_start3A_52 = tpu.memref_squeeze %dma_start3A_51 : memref<1x125x80xi32, #tpu.memory_space<hbm>> -> memref<125x80xi32, #tpu.memory_space<hbm>>
      %dma_start3A_53 = arith.constant 0 : i32
      %dma_start3A_54 = arith.constant 0 : i32
      %dma_start3A_55 = tpu.memref_slice %arg4[%add3A, %dma_start3A_53, %dma_start3A_54] : memref<32x125x80xi32, #tpu.memory_space<hbm>> -> memref<1x125x80xi32, #tpu.memory_space<hbm>>
      %dma_start3A_56 = tpu.memref_squeeze %dma_start3A_55 : memref<1x125x80xi32, #tpu.memory_space<hbm>> -> memref<125x80xi32, #tpu.memory_space<hbm>>
      tpu.enqueue_dma source(%dma_start3A_56 : memref<125x80xi32, #tpu.memory_space<hbm>>) target(%arg7 : memref<125x80xi32, #tpu.memory_space<vmem>>) target_semaphore(%run_scoped3A : memref<!tpu.dma_semaphore, #tpu.memory_space<semaphore_mem>>)
      %dma_wait3A_57 = arith.constant 0 : i32
      %dma_wait3A_58 = arith.constant 0 : i32
      %dma_wait3A_59 = tpu.memref_slice %arg4[%add3A, %dma_wait3A_57, %dma_wait3A_58] : memref<32x125x80xi32, #tpu.memory_space<hbm>> -> memref<1x125x80xi32, #tpu.memory_space<hbm>>
      %dma_wait3A_60 = tpu.memref_squeeze %dma_wait3A_59 : memref<1x125x80xi32, #tpu.memory_space<hbm>> -> memref<125x80xi32, #tpu.memory_space<hbm>>
      %dma_wait3A_61 = arith.constant 0 : i32
      %dma_wait3A_62 = arith.constant 0 : i32
      %dma_wait3A_63 = tpu.memref_slice %arg4[%add3A, %dma_wait3A_61, %dma_wait3A_62] : memref<32x125x80xi32, #tpu.memory_space<hbm>> -> memref<1x125x80xi32, #tpu.memory_space<hbm>>
      %dma_wait3A_64 = tpu.memref_squeeze %dma_wait3A_63 : memref<1x125x80xi32, #tpu.memory_space<hbm>> -> memref<125x80xi32, #tpu.memory_space<hbm>>
      tpu.wait_dma2 semaphore(%run_scoped3A : memref<!tpu.dma_semaphore, #tpu.memory_space<semaphore_mem>>) src(%dma_wait3A_64 : memref<125x80xi32, #tpu.memory_space<hbm>>) dst(%arg7 : memref<125x80xi32, #tpu.memory_space<vmem>>)
      tpu.yield
    }) : () -> ()
    "tpu.region"() ({
      %run_scoped3A = tpu.sem_alloc : memref<!tpu.dma_semaphore, #tpu.memory_space<semaphore_mem>>
      %dma_start3A_49 = arith.constant 0 : i32
      %dma_start3A_50 = arith.constant 0 : i32
      %dma_start3A_51 = tpu.memref_slice %arg5[%add3A, %dma_start3A_49, %dma_start3A_50] : memref<32x125x80xi32, #tpu.memory_space<hbm>> -> memref<1x125x80xi32, #tpu.memory_space<hbm>>
      %dma_start3A_52 = tpu.memref_squeeze %dma_start3A_51 : memref<1x125x80xi32, #tpu.memory_space<hbm>> -> memref<125x80xi32, #tpu.memory_space<hbm>>
      %dma_start3A_53 = arith.constant 0 : i32
      %dma_start3A_54 = arith.constant 0 : i32
      %dma_start3A_55 = tpu.memref_slice %arg5[%add3A, %dma_start3A_53, %dma_start3A_54] : memref<32x125x80xi32, #tpu.memory_space<hbm>> -> memref<1x125x80xi32, #tpu.memory_space<hbm>>
      %dma_start3A_56 = tpu.memref_squeeze %dma_start3A_55 : memref<1x125x80xi32, #tpu.memory_space<hbm>> -> memref<125x80xi32, #tpu.memory_space<hbm>>
      tpu.enqueue_dma source(%dma_start3A_56 : memref<125x80xi32, #tpu.memory_space<hbm>>) target(%arg8 : memref<125x80xi32, #tpu.memory_space<vmem>>) target_semaphore(%run_scoped3A : memref<!tpu.dma_semaphore, #tpu.memory_space<semaphore_mem>>)
      %dma_wait3A_57 = arith.constant 0 : i32
      %dma_wait3A_58 = arith.constant 0 : i32
      %dma_wait3A_59 = tpu.memref_slice %arg5[%add3A, %dma_wait3A_57, %dma_wait3A_58] : memref<32x125x80xi32, #tpu.memory_space<hbm>> -> memref<1x125x80xi32, #tpu.memory_space<hbm>>
      %dma_wait3A_60 = tpu.memref_squeeze %dma_wait3A_59 : memref<1x125x80xi32, #tpu.memory_space<hbm>> -> memref<125x80xi32, #tpu.memory_space<hbm>>
      %dma_wait3A_61 = arith.constant 0 : i32
      %dma_wait3A_62 = arith.constant 0 : i32
      %dma_wait3A_63 = tpu.memref_slice %arg5[%add3A, %dma_wait3A_61, %dma_wait3A_62] : memref<32x125x80xi32, #tpu.memory_space<hbm>> -> memref<1x125x80xi32, #tpu.memory_space<hbm>>
      %dma_wait3A_64 = tpu.memref_squeeze %dma_wait3A_63 : memref<1x125x80xi32, #tpu.memory_space<hbm>> -> memref<125x80xi32, #tpu.memory_space<hbm>>
      tpu.wait_dma2 semaphore(%run_scoped3A : memref<!tpu.dma_semaphore, #tpu.memory_space<semaphore_mem>>) src(%dma_wait3A_64 : memref<125x80xi32, #tpu.memory_space<hbm>>) dst(%arg8 : memref<125x80xi32, #tpu.memory_space<vmem>>)
      tpu.yield
    }) : () -> ()
    %dma_start3A = arith.constant 0 : i32
    %dma_start3A_3 = arith.constant 0 : i32
    %dma_start3A_4 = tpu.memref_slice %arg7[%dma_start3A, %dma_start3A_3] : memref<125x80xi32, #tpu.memory_space<vmem>> -> memref<1x80xi32, #tpu.memory_space<vmem>>
    %dma_start3A_5 = tpu.memref_squeeze %dma_start3A_4 : memref<1x80xi32, #tpu.memory_space<vmem>> -> memref<80xi32, #tpu.memory_space<vmem>>
    %dma_start3A_6 = arith.constant 0 : i32
    %dma_start3A_7 = arith.constant 0 : i32
    %dma_start3A_8 = tpu.memref_slice %arg2[%dma_start3A_6, %dma_start3A_7] : memref<10000x64xf32, #tpu.memory_space<hbm>> -> memref<10000x64xf32, #tpu.memory_space<hbm>>
    tpu.enqueue_indirect_dma source(%dma_start3A_8 : memref<10000x64xf32, #tpu.memory_space<hbm>>) target(%arg9 : memref<80x64xf32, #tpu.memory_space<vmem>>) offsets(%dma_start3A_5 : memref<80xi32, #tpu.memory_space<vmem>>) semaphore(%arg13 : memref<!tpu.dma_semaphore, #tpu.memory_space<semaphore_mem>>)
    %dma_start3A_9 = arith.constant 0 : i32
    %dma_start3A_10 = arith.constant 0 : i32
    %dma_start3A_11 = tpu.memref_slice %arg8[%dma_start3A_9, %dma_start3A_10] : memref<125x80xi32, #tpu.memory_space<vmem>> -> memref<1x80xi32, #tpu.memory_space<vmem>>
    %dma_start3A_12 = tpu.memref_squeeze %dma_start3A_11 : memref<1x80xi32, #tpu.memory_space<vmem>> -> memref<80xi32, #tpu.memory_space<vmem>>
    %dma_start3A_13 = arith.constant 0 : i32
    %dma_start3A_14 = arith.constant 0 : i32
    %dma_start3A_15 = tpu.memref_slice %arg3[%dma_start3A_13, %dma_start3A_14] : memref<10000x64xf32, #tpu.memory_space<hbm>> -> memref<10000x64xf32, #tpu.memory_space<hbm>>
    tpu.enqueue_indirect_dma source(%dma_start3A_15 : memref<10000x64xf32, #tpu.memory_space<hbm>>) target(%arg10 : memref<80x64xf32, #tpu.memory_space<vmem>>) offsets(%dma_start3A_12 : memref<80xi32, #tpu.memory_space<vmem>>) semaphore(%arg13 : memref<!tpu.dma_semaphore, #tpu.memory_space<semaphore_mem>>)
    %dma_start3A_16 = arith.constant 1 : i32
    %dma_start3A_17 = arith.constant 0 : i32
    %dma_start3A_18 = tpu.memref_slice %arg7[%dma_start3A_16, %dma_start3A_17] : memref<125x80xi32, #tpu.memory_space<vmem>> -> memref<1x80xi32, #tpu.memory_space<vmem>>
    %dma_start3A_19 = tpu.memref_squeeze %dma_start3A_18 : memref<1x80xi32, #tpu.memory_space<vmem>> -> memref<80xi32, #tpu.memory_space<vmem>>
    %dma_start3A_20 = arith.constant 0 : i32
    %dma_start3A_21 = arith.constant 0 : i32
    %dma_start3A_22 = tpu.memref_slice %arg2[%dma_start3A_20, %dma_start3A_21] : memref<10000x64xf32, #tpu.memory_space<hbm>> -> memref<10000x64xf32, #tpu.memory_space<hbm>>
    tpu.enqueue_indirect_dma source(%dma_start3A_22 : memref<10000x64xf32, #tpu.memory_space<hbm>>) target(%arg11 : memref<80x64xf32, #tpu.memory_space<vmem>>) offsets(%dma_start3A_19 : memref<80xi32, #tpu.memory_space<vmem>>) semaphore(%arg14 : memref<!tpu.dma_semaphore, #tpu.memory_space<semaphore_mem>>)
    %dma_start3A_23 = arith.constant 1 : i32
    %dma_start3A_24 = arith.constant 0 : i32
    %dma_start3A_25 = tpu.memref_slice %arg8[%dma_start3A_23, %dma_start3A_24] : memref<125x80xi32, #tpu.memory_space<vmem>> -> memref<1x80xi32, #tpu.memory_space<vmem>>
    %dma_start3A_26 = tpu.memref_squeeze %dma_start3A_25 : memref<1x80xi32, #tpu.memory_space<vmem>> -> memref<80xi32, #tpu.memory_space<vmem>>
    %dma_start3A_27 = arith.constant 0 : i32
    %dma_start3A_28 = arith.constant 0 : i32
    %dma_start3A_29 = tpu.memref_slice %arg3[%dma_start3A_27, %dma_start3A_28] : memref<10000x64xf32, #tpu.memory_space<hbm>> -> memref<10000x64xf32, #tpu.memory_space<hbm>>
    tpu.enqueue_indirect_dma source(%dma_start3A_29 : memref<10000x64xf32, #tpu.memory_space<hbm>>) target(%arg12 : memref<80x64xf32, #tpu.memory_space<vmem>>) offsets(%dma_start3A_26 : memref<80xi32, #tpu.memory_space<vmem>>) semaphore(%arg14 : memref<!tpu.dma_semaphore, #tpu.memory_space<semaphore_mem>>)
    %scan3A = arith.constant 0 : i32
    %scan3A_30 = arith.constant 62 : i32
    %scan3A_31 = arith.addi %scan3A, %scan3A_30 : i32
    %scan3A_32 = arith.constant 1 : i32
    scf.for %scan3A_49 = %scan3A to %scan3A_31 step %scan3A_32  : i32 {
      %mul3A_50 = arith.constant 2 : i32
      %mul3A_51 = arith.muli %scan3A_49, %mul3A_50 : i32
      %add3A_52 = arith.constant 0 : i32
      %add3A_53 = arith.addi %add3A_52, %mul3A_51 : i32
      %add3A_54 = arith.constant 0 : i32
      %add3A_55 = arith.addi %add3A_53, %add3A_54 : i32
      %dma_wait3A_56 = arith.constant 0 : i32
      %dma_wait3A_57 = arith.constant 0 : i32
      %dma_wait3A_58 = tpu.memref_slice %arg2[%dma_wait3A_56, %dma_wait3A_57] : memref<10000x64xf32, #tpu.memory_space<hbm>> -> memref<80x64xf32, #tpu.memory_space<hbm>>
      %dma_wait3A_59 = arith.constant 0 : i32
      %dma_wait3A_60 = arith.constant 0 : i32
      %dma_wait3A_61 = tpu.memref_slice %arg2[%dma_wait3A_59, %dma_wait3A_60] : memref<10000x64xf32, #tpu.memory_space<hbm>> -> memref<80x64xf32, #tpu.memory_space<hbm>>
      tpu.wait_dma2 semaphore(%arg13 : memref<!tpu.dma_semaphore, #tpu.memory_space<semaphore_mem>>) src(%dma_wait3A_61 : memref<80x64xf32, #tpu.memory_space<hbm>>) dst(%arg9 : memref<80x64xf32, #tpu.memory_space<vmem>>)
      %dma_wait3A_62 = arith.constant 0 : i32
      %dma_wait3A_63 = arith.constant 0 : i32
      %dma_wait3A_64 = tpu.memref_slice %arg3[%dma_wait3A_62, %dma_wait3A_63] : memref<10000x64xf32, #tpu.memory_space<hbm>> -> memref<80x64xf32, #tpu.memory_space<hbm>>
      %dma_wait3A_65 = arith.constant 0 : i32
      %dma_wait3A_66 = arith.constant 0 : i32
      %dma_wait3A_67 = tpu.memref_slice %arg3[%dma_wait3A_65, %dma_wait3A_66] : memref<10000x64xf32, #tpu.memory_space<hbm>> -> memref<80x64xf32, #tpu.memory_space<hbm>>
      tpu.wait_dma2 semaphore(%arg13 : memref<!tpu.dma_semaphore, #tpu.memory_space<semaphore_mem>>) src(%dma_wait3A_67 : memref<80x64xf32, #tpu.memory_space<hbm>>) dst(%arg10 : memref<80x64xf32, #tpu.memory_space<vmem>>)
      %parallel_loop3A_68 = arith.constant 0 : i32
      %parallel_loop3A_69 = arith.constant 80 : i32
      %parallel_loop3A_70 = arith.constant 1 : i32
      scf.for %parallel_loop3A_105 = %parallel_loop3A_68 to %parallel_loop3A_69 step %parallel_loop3A_70  : i32 {
        %parallel_loop3A_106 = arith.index_cast %parallel_loop3A_105 : i32 to index
        %parallel_loop3A_107 = arith.constant 0 : index
        %parallel_loop3A_108 = tpu.vector_load %arg9[%parallel_loop3A_106, %parallel_loop3A_107] {strides = array<i32>} : memref<80x64xf32, #tpu.memory_space<vmem>>, vector<1x16xf32>,
        %parallel_loop3A_109 = vector.shape_cast %parallel_loop3A_108 : vector<1x16xf32> to vector<16xf32>
        %parallel_loop3A_110 = arith.index_cast %parallel_loop3A_105 : i32 to index
        %parallel_loop3A_111 = arith.constant 0 : index
        %parallel_loop3A_112 = tpu.vector_load %arg10[%parallel_loop3A_110, %parallel_loop3A_111] {strides = array<i32>} : memref<80x64xf32, #tpu.memory_space<vmem>>, vector<1x16xf32>,
        %parallel_loop3A_113 = vector.shape_cast %parallel_loop3A_112 : vector<1x16xf32> to vector<16xf32>
        %parallel_loop3A_114 = arith.addf %parallel_loop3A_109, %parallel_loop3A_113 : vector<16xf32>
        %parallel_loop3A_115 = arith.index_cast %parallel_loop3A_105 : i32 to index
        %parallel_loop3A_116 = arith.constant 0 : index
        %parallel_loop3A_117 = tpu.vector_load %arg9[%parallel_loop3A_115, %parallel_loop3A_116] {strides = array<i32>} : memref<80x64xf32, #tpu.memory_space<vmem>>, vector<1x16xf32>,
        %parallel_loop3A_118 = vector.shape_cast %parallel_loop3A_117 : vector<1x16xf32> to vector<16xf32>
        %parallel_loop3A_119 = vector.shape_cast %parallel_loop3A_114 : vector<16xf32> to vector<1x16xf32>
        tpu.vector_store %arg9[%parallel_loop3A_115, %parallel_loop3A_116], %parallel_loop3A_119 {strides = array<i32>} : memref<80x64xf32, #tpu.memory_space<vmem>>, vector<1x16xf32>,
        %parallel_loop3A_120 = arith.index_cast %parallel_loop3A_105 : i32 to index
        %parallel_loop3A_121 = arith.constant 16 : index
        %parallel_loop3A_122 = tpu.vector_load %arg9[%parallel_loop3A_120, %parallel_loop3A_121] {strides = array<i32>} : memref<80x64xf32, #tpu.memory_space<vmem>>, vector<1x16xf32>,
        %parallel_loop3A_123 = vector.shape_cast %parallel_loop3A_122 : vector<1x16xf32> to vector<16xf32>
        %parallel_loop3A_124 = arith.index_cast %parallel_loop3A_105 : i32 to index
        %parallel_loop3A_125 = arith.constant 16 : index
        %parallel_loop3A_126 = tpu.vector_load %arg10[%parallel_loop3A_124, %parallel_loop3A_125] {strides = array<i32>} : memref<80x64xf32, #tpu.memory_space<vmem>>, vector<1x16xf32>,
        %parallel_loop3A_127 = vector.shape_cast %parallel_loop3A_126 : vector<1x16xf32> to vector<16xf32>
        %parallel_loop3A_128 = arith.addf %parallel_loop3A_123, %parallel_loop3A_127 : vector<16xf32>
        %parallel_loop3A_129 = arith.index_cast %parallel_loop3A_105 : i32 to index
        %parallel_loop3A_130 = arith.constant 16 : index
        %parallel_loop3A_131 = tpu.vector_load %arg9[%parallel_loop3A_129, %parallel_loop3A_130] {strides = array<i32>} : memref<80x64xf32, #tpu.memory_space<vmem>>, vector<1x16xf32>,
        %parallel_loop3A_132 = vector.shape_cast %parallel_loop3A_131 : vector<1x16xf32> to vector<16xf32>
        %parallel_loop3A_133 = vector.shape_cast %parallel_loop3A_128 : vector<16xf32> to vector<1x16xf32>
        tpu.vector_store %arg9[%parallel_loop3A_129, %parallel_loop3A_130], %parallel_loop3A_133 {strides = array<i32>} : memref<80x64xf32, #tpu.memory_space<vmem>>, vector<1x16xf32>,
        %parallel_loop3A_134 = arith.index_cast %parallel_loop3A_105 : i32 to index
        %parallel_loop3A_135 = arith.constant 32 : index
        %parallel_loop3A_136 = tpu.vector_load %arg9[%parallel_loop3A_134, %parallel_loop3A_135] {strides = array<i32>} : memref<80x64xf32, #tpu.memory_space<vmem>>, vector<1x16xf32>,
        %parallel_loop3A_137 = vector.shape_cast %parallel_loop3A_136 : vector<1x16xf32> to vector<16xf32>
        %parallel_loop3A_138 = arith.index_cast %parallel_loop3A_105 : i32 to index
        %parallel_loop3A_139 = arith.constant 32 : index
        %parallel_loop3A_140 = tpu.vector_load %arg10[%parallel_loop3A_138, %parallel_loop3A_139] {strides = array<i32>} : memref<80x64xf32, #tpu.memory_space<vmem>>, vector<1x16xf32>,
        %parallel_loop3A_141 = vector.shape_cast %parallel_loop3A_140 : vector<1x16xf32> to vector<16xf32>
        %parallel_loop3A_142 = arith.addf %parallel_loop3A_137, %parallel_loop3A_141 : vector<16xf32>
        %parallel_loop3A_143 = arith.index_cast %parallel_loop3A_105 : i32 to index
        %parallel_loop3A_144 = arith.constant 32 : index
        %parallel_loop3A_145 = tpu.vector_load %arg9[%parallel_loop3A_143, %parallel_loop3A_144] {strides = array<i32>} : memref<80x64xf32, #tpu.memory_space<vmem>>, vector<1x16xf32>,
        %parallel_loop3A_146 = vector.shape_cast %parallel_loop3A_145 : vector<1x16xf32> to vector<16xf32>
        %parallel_loop3A_147 = vector.shape_cast %parallel_loop3A_142 : vector<16xf32> to vector<1x16xf32>
        tpu.vector_store %arg9[%parallel_loop3A_143, %parallel_loop3A_144], %parallel_loop3A_147 {strides = array<i32>} : memref<80x64xf32, #tpu.memory_space<vmem>>, vector<1x16xf32>,
        %parallel_loop3A_148 = arith.index_cast %parallel_loop3A_105 : i32 to index
        %parallel_loop3A_149 = arith.constant 48 : index
        %parallel_loop3A_150 = tpu.vector_load %arg9[%parallel_loop3A_148, %parallel_loop3A_149] {strides = array<i32>} : memref<80x64xf32, #tpu.memory_space<vmem>>, vector<1x16xf32>,
        %parallel_loop3A_151 = vector.shape_cast %parallel_loop3A_150 : vector<1x16xf32> to vector<16xf32>
        %parallel_loop3A_152 = arith.index_cast %parallel_loop3A_105 : i32 to index
        %parallel_loop3A_153 = arith.constant 48 : index
        %parallel_loop3A_154 = tpu.vector_load %arg10[%parallel_loop3A_152, %parallel_loop3A_153] {strides = array<i32>} : memref<80x64xf32, #tpu.memory_space<vmem>>, vector<1x16xf32>,
        %parallel_loop3A_155 = vector.shape_cast %parallel_loop3A_154 : vector<1x16xf32> to vector<16xf32>
        %parallel_loop3A_156 = arith.addf %parallel_loop3A_151, %parallel_loop3A_155 : vector<16xf32>
        %parallel_loop3A_157 = arith.index_cast %parallel_loop3A_105 : i32 to index
        %parallel_loop3A_158 = arith.constant 48 : index
        %parallel_loop3A_159 = tpu.vector_load %arg9[%parallel_loop3A_157, %parallel_loop3A_158] {strides = array<i32>} : memref<80x64xf32, #tpu.memory_space<vmem>>, vector<1x16xf32>,
        %parallel_loop3A_160 = vector.shape_cast %parallel_loop3A_159 : vector<1x16xf32> to vector<16xf32>
        %parallel_loop3A_161 = vector.shape_cast %parallel_loop3A_156 : vector<16xf32> to vector<1x16xf32>
        tpu.vector_store %arg9[%parallel_loop3A_157, %parallel_loop3A_158], %parallel_loop3A_161 {strides = array<i32>} : memref<80x64xf32, #tpu.memory_space<vmem>>, vector<1x16xf32>,
      } {sc.loop_unroll_factor = 4 : i64, sc.parallel_access}
      %mul3A_71 = arith.constant 80 : i32
      %mul3A_72 = arith.muli %add3A_55, %mul3A_71 : i32
      %add3A_73 = arith.addi %mul3A_2, %mul3A_72 : i32
      "tpu.region"() ({
        %run_scoped3A = tpu.sem_alloc : memref<!tpu.dma_semaphore, #tpu.memory_space<semaphore_mem>>
        %dma_start3A_105 = arith.constant 0 : i32
        %dma_start3A_106 = tpu.memref_slice %arg6[%add3A_73, %dma_start3A_105] : memref<320000x64xf32, #tpu.memory_space<hbm>> -> memref<80x64xf32, #tpu.memory_space<hbm>>
        %dma_start3A_107 = arith.constant 0 : i32
        %dma_start3A_108 = tpu.memref_slice %arg6[%add3A_73, %dma_start3A_107] : memref<320000x64xf32, #tpu.memory_space<hbm>> -> memref<80x64xf32, #tpu.memory_space<hbm>>
        tpu.enqueue_dma source(%arg9 : memref<80x64xf32, #tpu.memory_space<vmem>>) target(%dma_start3A_108 : memref<80x64xf32, #tpu.memory_space<hbm>>) target_semaphore(%run_scoped3A : memref<!tpu.dma_semaphore, #tpu.memory_space<semaphore_mem>>)
        %dma_wait3A_109 = arith.constant 0 : i32
        %dma_wait3A_110 = tpu.memref_slice %arg6[%add3A_73, %dma_wait3A_109] : memref<320000x64xf32, #tpu.memory_space<hbm>> -> memref<80x64xf32, #tpu.memory_space<hbm>>
        %dma_wait3A_111 = arith.constant 0 : i32
        %dma_wait3A_112 = tpu.memref_slice %arg6[%add3A_73, %dma_wait3A_111] : memref<320000x64xf32, #tpu.memory_space<hbm>> -> memref<80x64xf32, #tpu.memory_space<hbm>>
        tpu.wait_dma2 semaphore(%run_scoped3A : memref<!tpu.dma_semaphore, #tpu.memory_space<semaphore_mem>>) src(%arg9 : memref<80x64xf32, #tpu.memory_space<vmem>>) dst(%dma_wait3A_112 : memref<80x64xf32, #tpu.memory_space<hbm>>)
        tpu.yield
      }) : () -> ()
      %add3A_74 = arith.constant 2 : i32
      %add3A_75 = arith.addi %add3A_55, %add3A_74 : i32
      %lt3A = arith.constant 125 : i32
      %lt3A_76 = arith.cmpi slt, %add3A_75, %lt3A : i32
      %convert_element_type3A = arith.extui %lt3A_76 : i1 to i32
      %cond3A = arith.constant 0 : i32
      %cond3A_77 = arith.cmpi ne, %convert_element_type3A, %cond3A : i32
      scf.if %cond3A_77 {
        %add3A_105 = arith.constant 2 : i32
        %add3A_106 = arith.addi %add3A_55, %add3A_105 : i32
        %dma_start3A_107 = arith.constant 0 : i32
        %dma_start3A_108 = tpu.memref_slice %arg7[%add3A_106, %dma_start3A_107] : memref<125x80xi32, #tpu.memory_space<vmem>> -> memref<1x80xi32, #tpu.memory_space<vmem>>
        %dma_start3A_109 = tpu.memref_squeeze %dma_start3A_108 : memref<1x80xi32, #tpu.memory_space<vmem>> -> memref<80xi32, #tpu.memory_space<vmem>>
        %dma_start3A_110 = arith.constant 0 : i32
        %dma_start3A_111 = arith.constant 0 : i32
        %dma_start3A_112 = tpu.memref_slice %arg2[%dma_start3A_110, %dma_start3A_111] : memref<10000x64xf32, #tpu.memory_space<hbm>> -> memref<10000x64xf32, #tpu.memory_space<hbm>>
        tpu.enqueue_indirect_dma source(%dma_start3A_112 : memref<10000x64xf32, #tpu.memory_space<hbm>>) target(%arg9 : memref<80x64xf32, #tpu.memory_space<vmem>>) offsets(%dma_start3A_109 : memref<80xi32, #tpu.memory_space<vmem>>) semaphore(%arg13 : memref<!tpu.dma_semaphore, #tpu.memory_space<semaphore_mem>>)
        %dma_start3A_113 = arith.constant 0 : i32
        %dma_start3A_114 = tpu.memref_slice %arg8[%add3A_106, %dma_start3A_113] : memref<125x80xi32, #tpu.memory_space<vmem>> -> memref<1x80xi32, #tpu.memory_space<vmem>>
        %dma_start3A_115 = tpu.memref_squeeze %dma_start3A_114 : memref<1x80xi32, #tpu.memory_space<vmem>> -> memref<80xi32, #tpu.memory_space<vmem>>
        %dma_start3A_116 = arith.constant 0 : i32
        %dma_start3A_117 = arith.constant 0 : i32
        %dma_start3A_118 = tpu.memref_slice %arg3[%dma_start3A_116, %dma_start3A_117] : memref<10000x64xf32, #tpu.memory_space<hbm>> -> memref<10000x64xf32, #tpu.memory_space<hbm>>
        tpu.enqueue_indirect_dma source(%dma_start3A_118 : memref<10000x64xf32, #tpu.memory_space<hbm>>) target(%arg10 : memref<80x64xf32, #tpu.memory_space<vmem>>) offsets(%dma_start3A_115 : memref<80xi32, #tpu.memory_space<vmem>>) semaphore(%arg13 : memref<!tpu.dma_semaphore, #tpu.memory_space<semaphore_mem>>)
      } else {
      }
      %add3A_78 = arith.constant 1 : i32
      %add3A_79 = arith.addi %add3A_53, %add3A_78 : i32
      %dma_wait3A_80 = arith.constant 0 : i32
      %dma_wait3A_81 = arith.constant 0 : i32
      %dma_wait3A_82 = tpu.memref_slice %arg2[%dma_wait3A_80, %dma_wait3A_81] : memref<10000x64xf32, #tpu.memory_space<hbm>> -> memref<80x64xf32, #tpu.memory_space<hbm>>
      %dma_wait3A_83 = arith.constant 0 : i32
      %dma_wait3A_84 = arith.constant 0 : i32
      %dma_wait3A_85 = tpu.memref_slice %arg2[%dma_wait3A_83, %dma_wait3A_84] : memref<10000x64xf32, #tpu.memory_space<hbm>> -> memref<80x64xf32, #tpu.memory_space<hbm>>
      tpu.wait_dma2 semaphore(%arg14 : memref<!tpu.dma_semaphore, #tpu.memory_space<semaphore_mem>>) src(%dma_wait3A_85 : memref<80x64xf32, #tpu.memory_space<hbm>>) dst(%arg11 : memref<80x64xf32, #tpu.memory_space<vmem>>)
      %dma_wait3A_86 = arith.constant 0 : i32
      %dma_wait3A_87 = arith.constant 0 : i32
      %dma_wait3A_88 = tpu.memref_slice %arg3[%dma_wait3A_86, %dma_wait3A_87] : memref<10000x64xf32, #tpu.memory_space<hbm>> -> memref<80x64xf32, #tpu.memory_space<hbm>>
      %dma_wait3A_89 = arith.constant 0 : i32
      %dma_wait3A_90 = arith.constant 0 : i32
      %dma_wait3A_91 = tpu.memref_slice %arg3[%dma_wait3A_89, %dma_wait3A_90] : memref<10000x64xf32, #tpu.memory_space<hbm>> -> memref<80x64xf32, #tpu.memory_space<hbm>>
      tpu.wait_dma2 semaphore(%arg14 : memref<!tpu.dma_semaphore, #tpu.memory_space<semaphore_mem>>) src(%dma_wait3A_91 : memref<80x64xf32, #tpu.memory_space<hbm>>) dst(%arg12 : memref<80x64xf32, #tpu.memory_space<vmem>>)
      %parallel_loop3A_92 = arith.constant 0 : i32
      %parallel_loop3A_93 = arith.constant 80 : i32
      %parallel_loop3A_94 = arith.constant 1 : i32
      scf.for %parallel_loop3A_105 = %parallel_loop3A_92 to %parallel_loop3A_93 step %parallel_loop3A_94  : i32 {
        %parallel_loop3A_106 = arith.index_cast %parallel_loop3A_105 : i32 to index
        %parallel_loop3A_107 = arith.constant 0 : index
        %parallel_loop3A_108 = tpu.vector_load %arg11[%parallel_loop3A_106, %parallel_loop3A_107] {strides = array<i32>} : memref<80x64xf32, #tpu.memory_space<vmem>>, vector<1x16xf32>,
        %parallel_loop3A_109 = vector.shape_cast %parallel_loop3A_108 : vector<1x16xf32> to vector<16xf32>
        %parallel_loop3A_110 = arith.index_cast %parallel_loop3A_105 : i32 to index
        %parallel_loop3A_111 = arith.constant 0 : index
        %parallel_loop3A_112 = tpu.vector_load %arg12[%parallel_loop3A_110, %parallel_loop3A_111] {strides = array<i32>} : memref<80x64xf32, #tpu.memory_space<vmem>>, vector<1x16xf32>,
        %parallel_loop3A_113 = vector.shape_cast %parallel_loop3A_112 : vector<1x16xf32> to vector<16xf32>
        %parallel_loop3A_114 = arith.addf %parallel_loop3A_109, %parallel_loop3A_113 : vector<16xf32>
        %parallel_loop3A_115 = arith.index_cast %parallel_loop3A_105 : i32 to index
        %parallel_loop3A_116 = arith.constant 0 : index
        %parallel_loop3A_117 = tpu.vector_load %arg11[%parallel_loop3A_115, %parallel_loop3A_116] {strides = array<i32>} : memref<80x64xf32, #tpu.memory_space<vmem>>, vector<1x16xf32>,
        %parallel_loop3A_118 = vector.shape_cast %parallel_loop3A_117 : vector<1x16xf32> to vector<16xf32>
        %parallel_loop3A_119 = vector.shape_cast %parallel_loop3A_114 : vector<16xf32> to vector<1x16xf32>
        tpu.vector_store %arg11[%parallel_loop3A_115, %parallel_loop3A_116], %parallel_loop3A_119 {strides = array<i32>} : memref<80x64xf32, #tpu.memory_space<vmem>>, vector<1x16xf32>,
        %parallel_loop3A_120 = arith.index_cast %parallel_loop3A_105 : i32 to index
        %parallel_loop3A_121 = arith.constant 16 : index
        %parallel_loop3A_122 = tpu.vector_load %arg11[%parallel_loop3A_120, %parallel_loop3A_121] {strides = array<i32>} : memref<80x64xf32, #tpu.memory_space<vmem>>, vector<1x16xf32>,
        %parallel_loop3A_123 = vector.shape_cast %parallel_loop3A_122 : vector<1x16xf32> to vector<16xf32>
        %parallel_loop3A_124 = arith.index_cast %parallel_loop3A_105 : i32 to index
        %parallel_loop3A_125 = arith.constant 16 : index
        %parallel_loop3A_126 = tpu.vector_load %arg12[%parallel_loop3A_124, %parallel_loop3A_125] {strides = array<i32>} : memref<80x64xf32, #tpu.memory_space<vmem>>, vector<1x16xf32>,
        %parallel_loop3A_127 = vector.shape_cast %parallel_loop3A_126 : vector<1x16xf32> to vector<16xf32>
        %parallel_loop3A_128 = arith.addf %parallel_loop3A_123, %parallel_loop3A_127 : vector<16xf32>
        %parallel_loop3A_129 = arith.index_cast %parallel_loop3A_105 : i32 to index
        %parallel_loop3A_130 = arith.constant 16 : index
        %parallel_loop3A_131 = tpu.vector_load %arg11[%parallel_loop3A_129, %parallel_loop3A_130] {strides = array<i32>} : memref<80x64xf32, #tpu.memory_space<vmem>>, vector<1x16xf32>,
        %parallel_loop3A_132 = vector.shape_cast %parallel_loop3A_131 : vector<1x16xf32> to vector<16xf32>
        %parallel_loop3A_133 = vector.shape_cast %parallel_loop3A_128 : vector<16xf32> to vector<1x16xf32>
        tpu.vector_store %arg11[%parallel_loop3A_129, %parallel_loop3A_130], %parallel_loop3A_133 {strides = array<i32>} : memref<80x64xf32, #tpu.memory_space<vmem>>, vector<1x16xf32>,
        %parallel_loop3A_134 = arith.index_cast %parallel_loop3A_105 : i32 to index
        %parallel_loop3A_135 = arith.constant 32 : index
        %parallel_loop3A_136 = tpu.vector_load %arg11[%parallel_loop3A_134, %parallel_loop3A_135] {strides = array<i32>} : memref<80x64xf32, #tpu.memory_space<vmem>>, vector<1x16xf32>,
        %parallel_loop3A_137 = vector.shape_cast %parallel_loop3A_136 : vector<1x16xf32> to vector<16xf32>
        %parallel_loop3A_138 = arith.index_cast %parallel_loop3A_105 : i32 to index
        %parallel_loop3A_139 = arith.constant 32 : index
        %parallel_loop3A_140 = tpu.vector_load %arg12[%parallel_loop3A_138, %parallel_loop3A_139] {strides = array<i32>} : memref<80x64xf32, #tpu.memory_space<vmem>>, vector<1x16xf32>,
        %parallel_loop3A_141 = vector.shape_cast %parallel_loop3A_140 : vector<1x16xf32> to vector<16xf32>
        %parallel_loop3A_142 = arith.addf %parallel_loop3A_137, %parallel_loop3A_141 : vector<16xf32>
        %parallel_loop3A_143 = arith.index_cast %parallel_loop3A_105 : i32 to index
        %parallel_loop3A_144 = arith.constant 32 : index
        %parallel_loop3A_145 = tpu.vector_load %arg11[%parallel_loop3A_143, %parallel_loop3A_144] {strides = array<i32>} : memref<80x64xf32, #tpu.memory_space<vmem>>, vector<1x16xf32>,
        %parallel_loop3A_146 = vector.shape_cast %parallel_loop3A_145 : vector<1x16xf32> to vector<16xf32>
        %parallel_loop3A_147 = vector.shape_cast %parallel_loop3A_142 : vector<16xf32> to vector<1x16xf32>
        tpu.vector_store %arg11[%parallel_loop3A_143, %parallel_loop3A_144], %parallel_loop3A_147 {strides = array<i32>} : memref<80x64xf32, #tpu.memory_space<vmem>>, vector<1x16xf32>,
        %parallel_loop3A_148 = arith.index_cast %parallel_loop3A_105 : i32 to index
        %parallel_loop3A_149 = arith.constant 48 : index
        %parallel_loop3A_150 = tpu.vector_load %arg11[%parallel_loop3A_148, %parallel_loop3A_149] {strides = array<i32>} : memref<80x64xf32, #tpu.memory_space<vmem>>, vector<1x16xf32>,
        %parallel_loop3A_151 = vector.shape_cast %parallel_loop3A_150 : vector<1x16xf32> to vector<16xf32>
        %parallel_loop3A_152 = arith.index_cast %parallel_loop3A_105 : i32 to index
        %parallel_loop3A_153 = arith.constant 48 : index
        %parallel_loop3A_154 = tpu.vector_load %arg12[%parallel_loop3A_152, %parallel_loop3A_153] {strides = array<i32>} : memref<80x64xf32, #tpu.memory_space<vmem>>, vector<1x16xf32>,
        %parallel_loop3A_155 = vector.shape_cast %parallel_loop3A_154 : vector<1x16xf32> to vector<16xf32>
        %parallel_loop3A_156 = arith.addf %parallel_loop3A_151, %parallel_loop3A_155 : vector<16xf32>
        %parallel_loop3A_157 = arith.index_cast %parallel_loop3A_105 : i32 to index
        %parallel_loop3A_158 = arith.constant 48 : index
        %parallel_loop3A_159 = tpu.vector_load %arg11[%parallel_loop3A_157, %parallel_loop3A_158] {strides = array<i32>} : memref<80x64xf32, #tpu.memory_space<vmem>>, vector<1x16xf32>,
        %parallel_loop3A_160 = vector.shape_cast %parallel_loop3A_159 : vector<1x16xf32> to vector<16xf32>
        %parallel_loop3A_161 = vector.shape_cast %parallel_loop3A_156 : vector<16xf32> to vector<1x16xf32>
        tpu.vector_store %arg11[%parallel_loop3A_157, %parallel_loop3A_158], %parallel_loop3A_161 {strides = array<i32>} : memref<80x64xf32, #tpu.memory_space<vmem>>, vector<1x16xf32>,
      } {sc.loop_unroll_factor = 4 : i64, sc.parallel_access}
      %mul3A_95 = arith.constant 80 : i32
      %mul3A_96 = arith.muli %add3A_79, %mul3A_95 : i32
      %add3A_97 = arith.addi %mul3A_2, %mul3A_96 : i32
      "tpu.region"() ({
        %run_scoped3A = tpu.sem_alloc : memref<!tpu.dma_semaphore, #tpu.memory_space<semaphore_mem>>
        %dma_start3A_105 = arith.constant 0 : i32
        %dma_start3A_106 = tpu.memref_slice %arg6[%add3A_97, %dma_start3A_105] : memref<320000x64xf32, #tpu.memory_space<hbm>> -> memref<80x64xf32, #tpu.memory_space<hbm>>
        %dma_start3A_107 = arith.constant 0 : i32
        %dma_start3A_108 = tpu.memref_slice %arg6[%add3A_97, %dma_start3A_107] : memref<320000x64xf32, #tpu.memory_space<hbm>> -> memref<80x64xf32, #tpu.memory_space<hbm>>
        tpu.enqueue_dma source(%arg11 : memref<80x64xf32, #tpu.memory_space<vmem>>) target(%dma_start3A_108 : memref<80x64xf32, #tpu.memory_space<hbm>>) target_semaphore(%run_scoped3A : memref<!tpu.dma_semaphore, #tpu.memory_space<semaphore_mem>>)
        %dma_wait3A_109 = arith.constant 0 : i32
        %dma_wait3A_110 = tpu.memref_slice %arg6[%add3A_97, %dma_wait3A_109] : memref<320000x64xf32, #tpu.memory_space<hbm>> -> memref<80x64xf32, #tpu.memory_space<hbm>>
        %dma_wait3A_111 = arith.constant 0 : i32
        %dma_wait3A_112 = tpu.memref_slice %arg6[%add3A_97, %dma_wait3A_111] : memref<320000x64xf32, #tpu.memory_space<hbm>> -> memref<80x64xf32, #tpu.memory_space<hbm>>
        tpu.wait_dma2 semaphore(%run_scoped3A : memref<!tpu.dma_semaphore, #tpu.memory_space<semaphore_mem>>) src(%arg11 : memref<80x64xf32, #tpu.memory_space<vmem>>) dst(%dma_wait3A_112 : memref<80x64xf32, #tpu.memory_space<hbm>>)
        tpu.yield
      }) : () -> ()
      %add3A_98 = arith.constant 2 : i32
      %add3A_99 = arith.addi %add3A_79, %add3A_98 : i32
      %lt3A_100 = arith.constant 125 : i32
      %lt3A_101 = arith.cmpi slt, %add3A_99, %lt3A_100 : i32
      %convert_element_type3A_102 = arith.extui %lt3A_101 : i1 to i32
      %cond3A_103 = arith.constant 0 : i32
      %cond3A_104 = arith.cmpi ne, %convert_element_type3A_102, %cond3A_103 : i32
      scf.if %cond3A_104 {
        %add3A_105 = arith.constant 2 : i32
        %add3A_106 = arith.addi %add3A_79, %add3A_105 : i32
        %dma_start3A_107 = arith.constant 0 : i32
        %dma_start3A_108 = tpu.memref_slice %arg7[%add3A_106, %dma_start3A_107] : memref<125x80xi32, #tpu.memory_space<vmem>> -> memref<1x80xi32, #tpu.memory_space<vmem>>
        %dma_start3A_109 = tpu.memref_squeeze %dma_start3A_108 : memref<1x80xi32, #tpu.memory_space<vmem>> -> memref<80xi32, #tpu.memory_space<vmem>>
        %dma_start3A_110 = arith.constant 0 : i32
        %dma_start3A_111 = arith.constant 0 : i32
        %dma_start3A_112 = tpu.memref_slice %arg2[%dma_start3A_110, %dma_start3A_111] : memref<10000x64xf32, #tpu.memory_space<hbm>> -> memref<10000x64xf32, #tpu.memory_space<hbm>>
        tpu.enqueue_indirect_dma source(%dma_start3A_112 : memref<10000x64xf32, #tpu.memory_space<hbm>>) target(%arg11 : memref<80x64xf32, #tpu.memory_space<vmem>>) offsets(%dma_start3A_109 : memref<80xi32, #tpu.memory_space<vmem>>) semaphore(%arg14 : memref<!tpu.dma_semaphore, #tpu.memory_space<semaphore_mem>>)
        %dma_start3A_113 = arith.constant 0 : i32
        %dma_start3A_114 = tpu.memref_slice %arg8[%add3A_106, %dma_start3A_113] : memref<125x80xi32, #tpu.memory_space<vmem>> -> memref<1x80xi32, #tpu.memory_space<vmem>>
        %dma_start3A_115 = tpu.memref_squeeze %dma_start3A_114 : memref<1x80xi32, #tpu.memory_space<vmem>> -> memref<80xi32, #tpu.memory_space<vmem>>
        %dma_start3A_116 = arith.constant 0 : i32
        %dma_start3A_117 = arith.constant 0 : i32
        %dma_start3A_118 = tpu.memref_slice %arg3[%dma_start3A_116, %dma_start3A_117] : memref<10000x64xf32, #tpu.memory_space<hbm>> -> memref<10000x64xf32, #tpu.memory_space<hbm>>
        tpu.enqueue_indirect_dma source(%dma_start3A_118 : memref<10000x64xf32, #tpu.memory_space<hbm>>) target(%arg12 : memref<80x64xf32, #tpu.memory_space<vmem>>) offsets(%dma_start3A_115 : memref<80xi32, #tpu.memory_space<vmem>>) semaphore(%arg14 : memref<!tpu.dma_semaphore, #tpu.memory_space<semaphore_mem>>)
      } else {
      }
    }
    %scan3A_33 = arith.constant 62 : i32
    %dma_wait3A = arith.constant 0 : i32
    %dma_wait3A_34 = arith.constant 0 : i32
    %dma_wait3A_35 = tpu.memref_slice %arg2[%dma_wait3A, %dma_wait3A_34] : memref<10000x64xf32, #tpu.memory_space<hbm>> -> memref<80x64xf32, #tpu.memory_space<hbm>>
    %dma_wait3A_36 = arith.constant 0 : i32
    %dma_wait3A_37 = arith.constant 0 : i32
    %dma_wait3A_38 = tpu.memref_slice %arg2[%dma_wait3A_36, %dma_wait3A_37] : memref<10000x64xf32, #tpu.memory_space<hbm>> -> memref<80x64xf32, #tpu.memory_space<hbm>>
    tpu.wait_dma2 semaphore(%arg13 : memref<!tpu.dma_semaphore, #tpu.memory_space<semaphore_mem>>) src(%dma_wait3A_38 : memref<80x64xf32, #tpu.memory_space<hbm>>) dst(%arg9 : memref<80x64xf32, #tpu.memory_space<vmem>>)
    %dma_wait3A_39 = arith.constant 0 : i32
    %dma_wait3A_40 = arith.constant 0 : i32
    %dma_wait3A_41 = tpu.memref_slice %arg3[%dma_wait3A_39, %dma_wait3A_40] : memref<10000x64xf32, #tpu.memory_space<hbm>> -> memref<80x64xf32, #tpu.memory_space<hbm>>
    %dma_wait3A_42 = arith.constant 0 : i32
    %dma_wait3A_43 = arith.constant 0 : i32
    %dma_wait3A_44 = tpu.memref_slice %arg3[%dma_wait3A_42, %dma_wait3A_43] : memref<10000x64xf32, #tpu.memory_space<hbm>> -> memref<80x64xf32, #tpu.memory_space<hbm>>
    tpu.wait_dma2 semaphore(%arg13 : memref<!tpu.dma_semaphore, #tpu.memory_space<semaphore_mem>>) src(%dma_wait3A_44 : memref<80x64xf32, #tpu.memory_space<hbm>>) dst(%arg10 : memref<80x64xf32, #tpu.memory_space<vmem>>)
    %parallel_loop3A = arith.constant 0 : i32
    %parallel_loop3A_45 = arith.constant 80 : i32
    %parallel_loop3A_46 = arith.constant 1 : i32
    scf.for %parallel_loop3A_49 = %parallel_loop3A to %parallel_loop3A_45 step %parallel_loop3A_46  : i32 {
      %parallel_loop3A_50 = arith.index_cast %parallel_loop3A_49 : i32 to index
      %parallel_loop3A_51 = arith.constant 0 : index
      %parallel_loop3A_52 = tpu.vector_load %arg9[%parallel_loop3A_50, %parallel_loop3A_51] {strides = array<i32>} : memref<80x64xf32, #tpu.memory_space<vmem>>, vector<1x16xf32>,
      %parallel_loop3A_53 = vector.shape_cast %parallel_loop3A_52 : vector<1x16xf32> to vector<16xf32>
      %parallel_loop3A_54 = arith.index_cast %parallel_loop3A_49 : i32 to index
      %parallel_loop3A_55 = arith.constant 0 : index
      %parallel_loop3A_56 = tpu.vector_load %arg10[%parallel_loop3A_54, %parallel_loop3A_55] {strides = array<i32>} : memref<80x64xf32, #tpu.memory_space<vmem>>, vector<1x16xf32>,
      %parallel_loop3A_57 = vector.shape_cast %parallel_loop3A_56 : vector<1x16xf32> to vector<16xf32>
      %parallel_loop3A_58 = arith.addf %parallel_loop3A_53, %parallel_loop3A_57 : vector<16xf32>
      %parallel_loop3A_59 = arith.index_cast %parallel_loop3A_49 : i32 to index
      %parallel_loop3A_60 = arith.constant 0 : index
      %parallel_loop3A_61 = tpu.vector_load %arg9[%parallel_loop3A_59, %parallel_loop3A_60] {strides = array<i32>} : memref<80x64xf32, #tpu.memory_space<vmem>>, vector<1x16xf32>,
      %parallel_loop3A_62 = vector.shape_cast %parallel_loop3A_61 : vector<1x16xf32> to vector<16xf32>
      %parallel_loop3A_63 = vector.shape_cast %parallel_loop3A_58 : vector<16xf32> to vector<1x16xf32>
      tpu.vector_store %arg9[%parallel_loop3A_59, %parallel_loop3A_60], %parallel_loop3A_63 {strides = array<i32>} : memref<80x64xf32, #tpu.memory_space<vmem>>, vector<1x16xf32>,
      %parallel_loop3A_64 = arith.index_cast %parallel_loop3A_49 : i32 to index
      %parallel_loop3A_65 = arith.constant 16 : index
      %parallel_loop3A_66 = tpu.vector_load %arg9[%parallel_loop3A_64, %parallel_loop3A_65] {strides = array<i32>} : memref<80x64xf32, #tpu.memory_space<vmem>>, vector<1x16xf32>,
      %parallel_loop3A_67 = vector.shape_cast %parallel_loop3A_66 : vector<1x16xf32> to vector<16xf32>
      %parallel_loop3A_68 = arith.index_cast %parallel_loop3A_49 : i32 to index
      %parallel_loop3A_69 = arith.constant 16 : index
      %parallel_loop3A_70 = tpu.vector_load %arg10[%parallel_loop3A_68, %parallel_loop3A_69] {strides = array<i32>} : memref<80x64xf32, #tpu.memory_space<vmem>>, vector<1x16xf32>,
      %parallel_loop3A_71 = vector.shape_cast %parallel_loop3A_70 : vector<1x16xf32> to vector<16xf32>
      %parallel_loop3A_72 = arith.addf %parallel_loop3A_67, %parallel_loop3A_71 : vector<16xf32>
      %parallel_loop3A_73 = arith.index_cast %parallel_loop3A_49 : i32 to index
      %parallel_loop3A_74 = arith.constant 16 : index
      %parallel_loop3A_75 = tpu.vector_load %arg9[%parallel_loop3A_73, %parallel_loop3A_74] {strides = array<i32>} : memref<80x64xf32, #tpu.memory_space<vmem>>, vector<1x16xf32>,
      %parallel_loop3A_76 = vector.shape_cast %parallel_loop3A_75 : vector<1x16xf32> to vector<16xf32>
      %parallel_loop3A_77 = vector.shape_cast %parallel_loop3A_72 : vector<16xf32> to vector<1x16xf32>
      tpu.vector_store %arg9[%parallel_loop3A_73, %parallel_loop3A_74], %parallel_loop3A_77 {strides = array<i32>} : memref<80x64xf32, #tpu.memory_space<vmem>>, vector<1x16xf32>,
      %parallel_loop3A_78 = arith.index_cast %parallel_loop3A_49 : i32 to index
      %parallel_loop3A_79 = arith.constant 32 : index
      %parallel_loop3A_80 = tpu.vector_load %arg9[%parallel_loop3A_78, %parallel_loop3A_79] {strides = array<i32>} : memref<80x64xf32, #tpu.memory_space<vmem>>, vector<1x16xf32>,
      %parallel_loop3A_81 = vector.shape_cast %parallel_loop3A_80 : vector<1x16xf32> to vector<16xf32>
      %parallel_loop3A_82 = arith.index_cast %parallel_loop3A_49 : i32 to index
      %parallel_loop3A_83 = arith.constant 32 : index
      %parallel_loop3A_84 = tpu.vector_load %arg10[%parallel_loop3A_82, %parallel_loop3A_83] {strides = array<i32>} : memref<80x64xf32, #tpu.memory_space<vmem>>, vector<1x16xf32>,
      %parallel_loop3A_85 = vector.shape_cast %parallel_loop3A_84 : vector<1x16xf32> to vector<16xf32>
      %parallel_loop3A_86 = arith.addf %parallel_loop3A_81, %parallel_loop3A_85 : vector<16xf32>
      %parallel_loop3A_87 = arith.index_cast %parallel_loop3A_49 : i32 to index
      %parallel_loop3A_88 = arith.constant 32 : index
      %parallel_loop3A_89 = tpu.vector_load %arg9[%parallel_loop3A_87, %parallel_loop3A_88] {strides = array<i32>} : memref<80x64xf32, #tpu.memory_space<vmem>>, vector<1x16xf32>,
      %parallel_loop3A_90 = vector.shape_cast %parallel_loop3A_89 : vector<1x16xf32> to vector<16xf32>
      %parallel_loop3A_91 = vector.shape_cast %parallel_loop3A_86 : vector<16xf32> to vector<1x16xf32>
      tpu.vector_store %arg9[%parallel_loop3A_87, %parallel_loop3A_88], %parallel_loop3A_91 {strides = array<i32>} : memref<80x64xf32, #tpu.memory_space<vmem>>, vector<1x16xf32>,
      %parallel_loop3A_92 = arith.index_cast %parallel_loop3A_49 : i32 to index
      %parallel_loop3A_93 = arith.constant 48 : index
      %parallel_loop3A_94 = tpu.vector_load %arg9[%parallel_loop3A_92, %parallel_loop3A_93] {strides = array<i32>} : memref<80x64xf32, #tpu.memory_space<vmem>>, vector<1x16xf32>,
      %parallel_loop3A_95 = vector.shape_cast %parallel_loop3A_94 : vector<1x16xf32> to vector<16xf32>
      %parallel_loop3A_96 = arith.index_cast %parallel_loop3A_49 : i32 to index
      %parallel_loop3A_97 = arith.constant 48 : index
      %parallel_loop3A_98 = tpu.vector_load %arg10[%parallel_loop3A_96, %parallel_loop3A_97] {strides = array<i32>} : memref<80x64xf32, #tpu.memory_space<vmem>>, vector<1x16xf32>,
      %parallel_loop3A_99 = vector.shape_cast %parallel_loop3A_98 : vector<1x16xf32> to vector<16xf32>
      %parallel_loop3A_100 = arith.addf %parallel_loop3A_95, %parallel_loop3A_99 : vector<16xf32>
      %parallel_loop3A_101 = arith.index_cast %parallel_loop3A_49 : i32 to index
      %parallel_loop3A_102 = arith.constant 48 : index
      %parallel_loop3A_103 = tpu.vector_load %arg9[%parallel_loop3A_101, %parallel_loop3A_102] {strides = array<i32>} : memref<80x64xf32, #tpu.memory_space<vmem>>, vector<1x16xf32>,
      %parallel_loop3A_104 = vector.shape_cast %parallel_loop3A_103 : vector<1x16xf32> to vector<16xf32>
      %parallel_loop3A_105 = vector.shape_cast %parallel_loop3A_100 : vector<16xf32> to vector<1x16xf32>
      tpu.vector_store %arg9[%parallel_loop3A_101, %parallel_loop3A_102], %parallel_loop3A_105 {strides = array<i32>} : memref<80x64xf32, #tpu.memory_space<vmem>>, vector<1x16xf32>,
    } {sc.loop_unroll_factor = 4 : i64, sc.parallel_access}
    %add3A_47 = arith.constant 9920 : i32
    %add3A_48 = arith.addi %mul3A_2, %add3A_47 : i32
    "tpu.region"() ({
      %run_scoped3A = tpu.sem_alloc : memref<!tpu.dma_semaphore, #tpu.memory_space<semaphore_mem>>
      %dma_start3A_49 = arith.constant 0 : i32
      %dma_start3A_50 = tpu.memref_slice %arg6[%add3A_48, %dma_start3A_49] : memref<320000x64xf32, #tpu.memory_space<hbm>> -> memref<80x64xf32, #tpu.memory_space<hbm>>
      %dma_start3A_51 = arith.constant 0 : i32
      %dma_start3A_52 = tpu.memref_slice %arg6[%add3A_48, %dma_start3A_51] : memref<320000x64xf32, #tpu.memory_space<hbm>> -> memref<80x64xf32, #tpu.memory_space<hbm>>
      tpu.enqueue_dma source(%arg9 : memref<80x64xf32, #tpu.memory_space<vmem>>) target(%dma_start3A_52 : memref<80x64xf32, #tpu.memory_space<hbm>>) target_semaphore(%run_scoped3A : memref<!tpu.dma_semaphore, #tpu.memory_space<semaphore_mem>>)
      %dma_wait3A_53 = arith.constant 0 : i32
      %dma_wait3A_54 = tpu.memref_slice %arg6[%add3A_48, %dma_wait3A_53] : memref<320000x64xf32, #tpu.memory_space<hbm>> -> memref<80x64xf32, #tpu.memory_space<hbm>>
      %dma_wait3A_55 = arith.constant 0 : i32
      %dma_wait3A_56 = tpu.memref_slice %arg6[%add3A_48, %dma_wait3A_55] : memref<320000x64xf32, #tpu.memory_space<hbm>> -> memref<80x64xf32, #tpu.memory_space<hbm>>
      tpu.wait_dma2 semaphore(%run_scoped3A : memref<!tpu.dma_semaphore, #tpu.memory_space<semaphore_mem>>) src(%arg9 : memref<80x64xf32, #tpu.memory_space<vmem>>) dst(%dma_wait3A_56 : memref<80x64xf32, #tpu.memory_space<hbm>>)
      tpu.yield
    }) : () -> ()
    return
  }
}

#map = affine_map<(d0, d1) -> (0, 0)>
#map1 = affine_map<(d0, d1) -> (0, 0, 0)>
module attributes {stable_mosaic.version = 14 : i64} {
  func.func @_gather_add_body(%arg0: i32, %arg1: i32, %arg2: memref<10000x64xf32, #tpu.memory_space<hbm>>, %arg3: memref<10000x64xf32, #tpu.memory_space<hbm>>, %arg4: memref<32x125x80xi32, #tpu.memory_space<hbm>>, %arg5: memref<32x125x80xi32, #tpu.memory_space<hbm>>, %arg6: memref<320000x64xf32, #tpu.memory_space<hbm>>, %arg7: memref<125x80xi32, #tpu.memory_space<vmem>>, %arg8: memref<125x80xi32, #tpu.memory_space<vmem>>, %arg9: memref<80x64xf32, #tpu.memory_space<vmem>>, %arg10: memref<80x64xf32, #tpu.memory_space<vmem>>, %arg11: memref<80x64xf32, #tpu.memory_space<vmem>>, %arg12: memref<80x64xf32, #tpu.memory_space<vmem>>, %arg13: memref<!tpu.dma_semaphore, #tpu.memory_space<semaphore_mem>>, %arg14: memref<!tpu.dma_semaphore, #tpu.memory_space<semaphore_mem>>) attributes {dimension_semantics = [#tpu.dimension_semantics<core_parallel>, #tpu.dimension_semantics<subcore_parallel>], iteration_bounds = array<i64: 2, 16>, scalar_prefetch = 0 : i64, scratch_operands = 8 : i64, tpu.core_type = #tpu.core_type<sc_vector_subcore>, window_params = [{transform_indices = #map}, {transform_indices = #map}, {transform_indices = #map1}, {transform_indices = #map1}, {transform_indices = #map}]} {
    %mul3A = arith.constant 2 : i32
    %mul3A_0 = arith.muli %arg1, %mul3A : i32
    %add3A = arith.addi %mul3A_0, %arg0 : i32
    %mul3A_1 = arith.constant 10000 : i32
    %mul3A_2 = arith.muli %add3A, %mul3A_1 : i32
    "tpu.region"() ({
      %run_scoped3A = tpu.sem_alloc : memref<!tpu.dma_semaphore, #tpu.memory_space<semaphore_mem>>
      %dma_start3A_49 = arith.constant 0 : i32
      %dma_start3A_50 = arith.constant 0 : i32
      %dma_start3A_51 = tpu.memref_slice %arg4[%add3A, %dma_start3A_49, %dma_start3A_50] : memref<32x125x80xi32, #tpu.memory_space<hbm>> -> memref<1x125x80xi32, #tpu.memory_space<hbm>>
      %dma_start3A_52 = tpu.memref_squeeze %dma_start3A_51 : memref<1x125x80xi32, #tpu.memory_space<hbm>> -> memref<125x80xi32, #tpu.memory_space<hbm>>
      %dma_start3A_53 = arith.constant 0 : i32
      %dma_start3A_54 = arith.constant 0 : i32
      %dma_start3A_55 = tpu.memref_slice %arg4[%add3A, %dma_start3A_53, %dma_start3A_54] : memref<32x125x80xi32, #tpu.memory_space<hbm>> -> memref<1x125x80xi32, #tpu.memory_space<hbm>>
      %dma_start3A_56 = tpu.memref_squeeze %dma_start3A_55 : memref<1x125x80xi32, #tpu.memory_space<hbm>> -> memref<125x80xi32, #tpu.memory_space<hbm>>
      tpu.enqueue_dma source(%dma_start3A_56 : memref<125x80xi32, #tpu.memory_space<hbm>>) target(%arg7 : memref<125x80xi32, #tpu.memory_space<vmem>>) target_semaphore(%run_scoped3A : memref<!tpu.dma_semaphore, #tpu.memory_space<semaphore_mem>>)
      %dma_wait3A_57 = arith.constant 0 : i32
      %dma_wait3A_58 = arith.constant 0 : i32
      %dma_wait3A_59 = tpu.memref_slice %arg4[%add3A, %dma_wait3A_57, %dma_wait3A_58] : memref<32x125x80xi32, #tpu.memory_space<hbm>> -> memref<1x125x80xi32, #tpu.memory_space<hbm>>
      %dma_wait3A_60 = tpu.memref_squeeze %dma_wait3A_59 : memref<1x125x80xi32, #tpu.memory_space<hbm>> -> memref<125x80xi32, #tpu.memory_space<hbm>>
      %dma_wait3A_61 = arith.constant 0 : i32
      %dma_wait3A_62 = arith.constant 0 : i32
      %dma_wait3A_63 = tpu.memref_slice %arg4[%add3A, %dma_wait3A_61, %dma_wait3A_62] : memref<32x125x80xi32, #tpu.memory_space<hbm>> -> memref<1x125x80xi32, #tpu.memory_space<hbm>>
      %dma_wait3A_64 = tpu.memref_squeeze %dma_wait3A_63 : memref<1x125x80xi32, #tpu.memory_space<hbm>> -> memref<125x80xi32, #tpu.memory_space<hbm>>
      tpu.wait_dma2 semaphore(%run_scoped3A : memref<!tpu.dma_semaphore, #tpu.memory_space<semaphore_mem>>) src(%dma_wait3A_64 : memref<125x80xi32, #tpu.memory_space<hbm>>) dst(%arg7 : memref<125x80xi32, #tpu.memory_space<vmem>>)
      tpu.yield
    }) : () -> ()
    "tpu.region"() ({
      %run_scoped3A = tpu.sem_alloc : memref<!tpu.dma_semaphore, #tpu.memory_space<semaphore_mem>>
      %dma_start3A_49 = arith.constant 0 : i32
      %dma_start3A_50 = arith.constant 0 : i32
      %dma_start3A_51 = tpu.memref_slice %arg5[%add3A, %dma_start3A_49, %dma_start3A_50] : memref<32x125x80xi32, #tpu.memory_space<hbm>> -> memref<1x125x80xi32, #tpu.memory_space<hbm>>
      %dma_start3A_52 = tpu.memref_squeeze %dma_start3A_51 : memref<1x125x80xi32, #tpu.memory_space<hbm>> -> memref<125x80xi32, #tpu.memory_space<hbm>>
      %dma_start3A_53 = arith.constant 0 : i32
      %dma_start3A_54 = arith.constant 0 : i32
      %dma_start3A_55 = tpu.memref_slice %arg5[%add3A, %dma_start3A_53, %dma_start3A_54] : memref<32x125x80xi32, #tpu.memory_space<hbm>> -> memref<1x125x80xi32, #tpu.memory_space<hbm>>
      %dma_start3A_56 = tpu.memref_squeeze %dma_start3A_55 : memref<1x125x80xi32, #tpu.memory_space<hbm>> -> memref<125x80xi32, #tpu.memory_space<hbm>>
      tpu.enqueue_dma source(%dma_start3A_56 : memref<125x80xi32, #tpu.memory_space<hbm>>) target(%arg8 : memref<125x80xi32, #tpu.memory_space<vmem>>) target_semaphore(%run_scoped3A : memref<!tpu.dma_semaphore, #tpu.memory_space<semaphore_mem>>)
      %dma_wait3A_57 = arith.constant 0 : i32
      %dma_wait3A_58 = arith.constant 0 : i32
      %dma_wait3A_59 = tpu.memref_slice %arg5[%add3A, %dma_wait3A_57, %dma_wait3A_58] : memref<32x125x80xi32, #tpu.memory_space<hbm>> -> memref<1x125x80xi32, #tpu.memory_space<hbm>>
      %dma_wait3A_60 = tpu.memref_squeeze %dma_wait3A_59 : memref<1x125x80xi32, #tpu.memory_space<hbm>> -> memref<125x80xi32, #tpu.memory_space<hbm>>
      %dma_wait3A_61 = arith.constant 0 : i32
      %dma_wait3A_62 = arith.constant 0 : i32
      %dma_wait3A_63 = tpu.memref_slice %arg5[%add3A, %dma_wait3A_61, %dma_wait3A_62] : memref<32x125x80xi32, #tpu.memory_space<hbm>> -> memref<1x125x80xi32, #tpu.memory_space<hbm>>
      %dma_wait3A_64 = tpu.memref_squeeze %dma_wait3A_63 : memref<1x125x80xi32, #tpu.memory_space<hbm>> -> memref<125x80xi32, #tpu.memory_space<hbm>>
      tpu.wait_dma2 semaphore(%run_scoped3A : memref<!tpu.dma_semaphore, #tpu.memory_space<semaphore_mem>>) src(%dma_wait3A_64 : memref<125x80xi32, #tpu.memory_space<hbm>>) dst(%arg8 : memref<125x80xi32, #tpu.memory_space<vmem>>)
      tpu.yield
    }) : () -> ()
    %dma_start3A = arith.constant 0 : i32
    %dma_start3A_3 = arith.constant 0 : i32
    %dma_start3A_4 = tpu.memref_slice %arg7[%dma_start3A, %dma_start3A_3] : memref<125x80xi32, #tpu.memory_space<vmem>> -> memref<1x80xi32, #tpu.memory_space<vmem>>
    %dma_start3A_5 = tpu.memref_squeeze %dma_start3A_4 : memref<1x80xi32, #tpu.memory_space<vmem>> -> memref<80xi32, #tpu.memory_space<vmem>>
    %dma_start3A_6 = arith.constant 0 : i32
    %dma_start3A_7 = arith.constant 0 : i32
    %dma_start3A_8 = tpu.memref_slice %arg2[%dma_start3A_6, %dma_start3A_7] : memref<10000x64xf32, #tpu.memory_space<hbm>> -> memref<10000x64xf32, #tpu.memory_space<hbm>>
    tpu.enqueue_indirect_dma source(%dma_start3A_8 : memref<10000x64xf32, #tpu.memory_space<hbm>>) target(%arg9 : memref<80x64xf32, #tpu.memory_space<vmem>>) offsets(%dma_start3A_5 : memref<80xi32, #tpu.memory_space<vmem>>) semaphore(%arg13 : memref<!tpu.dma_semaphore, #tpu.memory_space<semaphore_mem>>)
    %dma_start3A_9 = arith.constant 0 : i32
    %dma_start3A_10 = arith.constant 0 : i32
    %dma_start3A_11 = tpu.memref_slice %arg8[%dma_start3A_9, %dma_start3A_10] : memref<125x80xi32, #tpu.memory_space<vmem>> -> memref<1x80xi32, #tpu.memory_space<vmem>>
    %dma_start3A_12 = tpu.memref_squeeze %dma_start3A_11 : memref<1x80xi32, #tpu.memory_space<vmem>> -> memref<80xi32, #tpu.memory_space<vmem>>
    %dma_start3A_13 = arith.constant 0 : i32
    %dma_start3A_14 = arith.constant 0 : i32
    %dma_start3A_15 = tpu.memref_slice %arg3[%dma_start3A_13, %dma_start3A_14] : memref<10000x64xf32, #tpu.memory_space<hbm>> -> memref<10000x64xf32, #tpu.memory_space<hbm>>
    tpu.enqueue_indirect_dma source(%dma_start3A_15 : memref<10000x64xf32, #tpu.memory_space<hbm>>) target(%arg10 : memref<80x64xf32, #tpu.memory_space<vmem>>) offsets(%dma_start3A_12 : memref<80xi32, #tpu.memory_space<vmem>>) semaphore(%arg13 : memref<!tpu.dma_semaphore, #tpu.memory_space<semaphore_mem>>)
    %dma_start3A_16 = arith.constant 1 : i32
    %dma_start3A_17 = arith.constant 0 : i32
    %dma_start3A_18 = tpu.memref_slice %arg7[%dma_start3A_16, %dma_start3A_17] : memref<125x80xi32, #tpu.memory_space<vmem>> -> memref<1x80xi32, #tpu.memory_space<vmem>>
    %dma_start3A_19 = tpu.memref_squeeze %dma_start3A_18 : memref<1x80xi32, #tpu.memory_space<vmem>> -> memref<80xi32, #tpu.memory_space<vmem>>
    %dma_start3A_20 = arith.constant 0 : i32
    %dma_start3A_21 = arith.constant 0 : i32
    %dma_start3A_22 = tpu.memref_slice %arg2[%dma_start3A_20, %dma_start3A_21] : memref<10000x64xf32, #tpu.memory_space<hbm>> -> memref<10000x64xf32, #tpu.memory_space<hbm>>
    tpu.enqueue_indirect_dma source(%dma_start3A_22 : memref<10000x64xf32, #tpu.memory_space<hbm>>) target(%arg11 : memref<80x64xf32, #tpu.memory_space<vmem>>) offsets(%dma_start3A_19 : memref<80xi32, #tpu.memory_space<vmem>>) semaphore(%arg14 : memref<!tpu.dma_semaphore, #tpu.memory_space<semaphore_mem>>)
    %dma_start3A_23 = arith.constant 1 : i32
    %dma_start3A_24 = arith.constant 0 : i32
    %dma_start3A_25 = tpu.memref_slice %arg8[%dma_start3A_23, %dma_start3A_24] : memref<125x80xi32, #tpu.memory_space<vmem>> -> memref<1x80xi32, #tpu.memory_space<vmem>>
    %dma_start3A_26 = tpu.memref_squeeze %dma_start3A_25 : memref<1x80xi32, #tpu.memory_space<vmem>> -> memref<80xi32, #tpu.memory_space<vmem>>
    %dma_start3A_27 = arith.constant 0 : i32
    %dma_start3A_28 = arith.constant 0 : i32
    %dma_start3A_29 = tpu.memref_slice %arg3[%dma_start3A_27, %dma_start3A_28] : memref<10000x64xf32, #tpu.memory_space<hbm>> -> memref<10000x64xf32, #tpu.memory_space<hbm>>
    tpu.enqueue_indirect_dma source(%dma_start3A_29 : memref<10000x64xf32, #tpu.memory_space<hbm>>) target(%arg12 : memref<80x64xf32, #tpu.memory_space<vmem>>) offsets(%dma_start3A_26 : memref<80xi32, #tpu.memory_space<vmem>>) semaphore(%arg14 : memref<!tpu.dma_semaphore, #tpu.memory_space<semaphore_mem>>)
    %scan3A = arith.constant 0 : i32
    %scan3A_30 = arith.constant 62 : i32
    %scan3A_31 = arith.addi %scan3A, %scan3A_30 : i32
    %scan3A_32 = arith.constant 1 : i32
    scf.for %scan3A_49 = %scan3A to %scan3A_31 step %scan3A_32  : i32 {
      %mul3A_50 = arith.constant 2 : i32
      %mul3A_51 = arith.muli %scan3A_49, %mul3A_50 : i32
      %add3A_52 = arith.constant 0 : i32
      %add3A_53 = arith.addi %add3A_52, %mul3A_51 : i32
      %add3A_54 = arith.constant 0 : i32
      %add3A_55 = arith.addi %add3A_53, %add3A_54 : i32
      %dma_wait3A_56 = arith.constant 0 : i32
      %dma_wait3A_57 = arith.constant 0 : i32
      %dma_wait3A_58 = tpu.memref_slice %arg2[%dma_wait3A_56, %dma_wait3A_57] : memref<10000x64xf32, #tpu.memory_space<hbm>> -> memref<80x64xf32, #tpu.memory_space<hbm>>
      %dma_wait3A_59 = arith.constant 0 : i32
      %dma_wait3A_60 = arith.constant 0 : i32
      %dma_wait3A_61 = tpu.memref_slice %arg2[%dma_wait3A_59, %dma_wait3A_60] : memref<10000x64xf32, #tpu.memory_space<hbm>> -> memref<80x64xf32, #tpu.memory_space<hbm>>
      tpu.wait_dma2 semaphore(%arg13 : memref<!tpu.dma_semaphore, #tpu.memory_space<semaphore_mem>>) src(%dma_wait3A_61 : memref<80x64xf32, #tpu.memory_space<hbm>>) dst(%arg9 : memref<80x64xf32, #tpu.memory_space<vmem>>)
      %dma_wait3A_62 = arith.constant 0 : i32
      %dma_wait3A_63 = arith.constant 0 : i32
      %dma_wait3A_64 = tpu.memref_slice %arg3[%dma_wait3A_62, %dma_wait3A_63] : memref<10000x64xf32, #tpu.memory_space<hbm>> -> memref<80x64xf32, #tpu.memory_space<hbm>>
      %dma_wait3A_65 = arith.constant 0 : i32
      %dma_wait3A_66 = arith.constant 0 : i32
      %dma_wait3A_67 = tpu.memref_slice %arg3[%dma_wait3A_65, %dma_wait3A_66] : memref<10000x64xf32, #tpu.memory_space<hbm>> -> memref<80x64xf32, #tpu.memory_space<hbm>>
      tpu.wait_dma2 semaphore(%arg13 : memref<!tpu.dma_semaphore, #tpu.memory_space<semaphore_mem>>) src(%dma_wait3A_67 : memref<80x64xf32, #tpu.memory_space<hbm>>) dst(%arg10 : memref<80x64xf32, #tpu.memory_space<vmem>>)
      %parallel_loop3A_68 = arith.constant 0 : i32
      %parallel_loop3A_69 = arith.constant 80 : i32
      %parallel_loop3A_70 = arith.constant 1 : i32
      scf.for %parallel_loop3A_105 = %parallel_loop3A_68 to %parallel_loop3A_69 step %parallel_loop3A_70  : i32 {
        %parallel_loop3A_106 = arith.index_cast %parallel_loop3A_105 : i32 to index
        %parallel_loop3A_107 = arith.constant 0 : index
        %parallel_loop3A_108 = tpu.vector_load %arg9[%parallel_loop3A_106, %parallel_loop3A_107] {strides = array<i32>} : memref<80x64xf32, #tpu.memory_space<vmem>>, vector<1x16xf32>,
        %parallel_loop3A_109 = vector.shape_cast %parallel_loop3A_108 : vector<1x16xf32> to vector<16xf32>
        %parallel_loop3A_110 = arith.index_cast %parallel_loop3A_105 : i32 to index
        %parallel_loop3A_111 = arith.constant 0 : index
        %parallel_loop3A_112 = tpu.vector_load %arg10[%parallel_loop3A_110, %parallel_loop3A_111] {strides = array<i32>} : memref<80x64xf32, #tpu.memory_space<vmem>>, vector<1x16xf32>,
        %parallel_loop3A_113 = vector.shape_cast %parallel_loop3A_112 : vector<1x16xf32> to vector<16xf32>
        %parallel_loop3A_114 = arith.addf %parallel_loop3A_109, %parallel_loop3A_113 : vector<16xf32>
        %parallel_loop3A_115 = arith.index_cast %parallel_loop3A_105 : i32 to index
        %parallel_loop3A_116 = arith.constant 0 : index
        %parallel_loop3A_117 = tpu.vector_load %arg9[%parallel_loop3A_115, %parallel_loop3A_116] {strides = array<i32>} : memref<80x64xf32, #tpu.memory_space<vmem>>, vector<1x16xf32>,
        %parallel_loop3A_118 = vector.shape_cast %parallel_loop3A_117 : vector<1x16xf32> to vector<16xf32>
        %parallel_loop3A_119 = vector.shape_cast %parallel_loop3A_114 : vector<16xf32> to vector<1x16xf32>
        tpu.vector_store %arg9[%parallel_loop3A_115, %parallel_loop3A_116], %parallel_loop3A_119 {strides = array<i32>} : memref<80x64xf32, #tpu.memory_space<vmem>>, vector<1x16xf32>,
        %parallel_loop3A_120 = arith.index_cast %parallel_loop3A_105 : i32 to index
        %parallel_loop3A_121 = arith.constant 16 : index
        %parallel_loop3A_122 = tpu.vector_load %arg9[%parallel_loop3A_120, %parallel_loop3A_121] {strides = array<i32>} : memref<80x64xf32, #tpu.memory_space<vmem>>, vector<1x16xf32>,
        %parallel_loop3A_123 = vector.shape_cast %parallel_loop3A_122 : vector<1x16xf32> to vector<16xf32>
        %parallel_loop3A_124 = arith.index_cast %parallel_loop3A_105 : i32 to index
        %parallel_loop3A_125 = arith.constant 16 : index
        %parallel_loop3A_126 = tpu.vector_load %arg10[%parallel_loop3A_124, %parallel_loop3A_125] {strides = array<i32>} : memref<80x64xf32, #tpu.memory_space<vmem>>, vector<1x16xf32>,
        %parallel_loop3A_127 = vector.shape_cast %parallel_loop3A_126 : vector<1x16xf32> to vector<16xf32>
        %parallel_loop3A_128 = arith.addf %parallel_loop3A_123, %parallel_loop3A_127 : vector<16xf32>
        %parallel_loop3A_129 = arith.index_cast %parallel_loop3A_105 : i32 to index
        %parallel_loop3A_130 = arith.constant 16 : index
        %parallel_loop3A_131 = tpu.vector_load %arg9[%parallel_loop3A_129, %parallel_loop3A_130] {strides = array<i32>} : memref<80x64xf32, #tpu.memory_space<vmem>>, vector<1x16xf32>,
        %parallel_loop3A_132 = vector.shape_cast %parallel_loop3A_131 : vector<1x16xf32> to vector<16xf32>
        %parallel_loop3A_133 = vector.shape_cast %parallel_loop3A_128 : vector<16xf32> to vector<1x16xf32>
        tpu.vector_store %arg9[%parallel_loop3A_129, %parallel_loop3A_130], %parallel_loop3A_133 {strides = array<i32>} : memref<80x64xf32, #tpu.memory_space<vmem>>, vector<1x16xf32>,
        %parallel_loop3A_134 = arith.index_cast %parallel_loop3A_105 : i32 to index
        %parallel_loop3A_135 = arith.constant 32 : index
        %parallel_loop3A_136 = tpu.vector_load %arg9[%parallel_loop3A_134, %parallel_loop3A_135] {strides = array<i32>} : memref<80x64xf32, #tpu.memory_space<vmem>>, vector<1x16xf32>,
        %parallel_loop3A_137 = vector.shape_cast %parallel_loop3A_136 : vector<1x16xf32> to vector<16xf32>
        %parallel_loop3A_138 = arith.index_cast %parallel_loop3A_105 : i32 to index
        %parallel_loop3A_139 = arith.constant 32 : index
        %parallel_loop3A_140 = tpu.vector_load %arg10[%parallel_loop3A_138, %parallel_loop3A_139] {strides = array<i32>} : memref<80x64xf32, #tpu.memory_space<vmem>>, vector<1x16xf32>,
        %parallel_loop3A_141 = vector.shape_cast %parallel_loop3A_140 : vector<1x16xf32> to vector<16xf32>
        %parallel_loop3A_142 = arith.addf %parallel_loop3A_137, %parallel_loop3A_141 : vector<16xf32>
        %parallel_loop3A_143 = arith.index_cast %parallel_loop3A_105 : i32 to index
        %parallel_loop3A_144 = arith.constant 32 : index
        %parallel_loop3A_145 = tpu.vector_load %arg9[%parallel_loop3A_143, %parallel_loop3A_144] {strides = array<i32>} : memref<80x64xf32, #tpu.memory_space<vmem>>, vector<1x16xf32>,
        %parallel_loop3A_146 = vector.shape_cast %parallel_loop3A_145 : vector<1x16xf32> to vector<16xf32>
        %parallel_loop3A_147 = vector.shape_cast %parallel_loop3A_142 : vector<16xf32> to vector<1x16xf32>
        tpu.vector_store %arg9[%parallel_loop3A_143, %parallel_loop3A_144], %parallel_loop3A_147 {strides = array<i32>} : memref<80x64xf32, #tpu.memory_space<vmem>>, vector<1x16xf32>,
        %parallel_loop3A_148 = arith.index_cast %parallel_loop3A_105 : i32 to index
        %parallel_loop3A_149 = arith.constant 48 : index
        %parallel_loop3A_150 = tpu.vector_load %arg9[%parallel_loop3A_148, %parallel_loop3A_149] {strides = array<i32>} : memref<80x64xf32, #tpu.memory_space<vmem>>, vector<1x16xf32>,
        %parallel_loop3A_151 = vector.shape_cast %parallel_loop3A_150 : vector<1x16xf32> to vector<16xf32>
        %parallel_loop3A_152 = arith.index_cast %parallel_loop3A_105 : i32 to index
        %parallel_loop3A_153 = arith.constant 48 : index
        %parallel_loop3A_154 = tpu.vector_load %arg10[%parallel_loop3A_152, %parallel_loop3A_153] {strides = array<i32>} : memref<80x64xf32, #tpu.memory_space<vmem>>, vector<1x16xf32>,
        %parallel_loop3A_155 = vector.shape_cast %parallel_loop3A_154 : vector<1x16xf32> to vector<16xf32>
        %parallel_loop3A_156 = arith.addf %parallel_loop3A_151, %parallel_loop3A_155 : vector<16xf32>
        %parallel_loop3A_157 = arith.index_cast %parallel_loop3A_105 : i32 to index
        %parallel_loop3A_158 = arith.constant 48 : index
        %parallel_loop3A_159 = tpu.vector_load %arg9[%parallel_loop3A_157, %parallel_loop3A_158] {strides = array<i32>} : memref<80x64xf32, #tpu.memory_space<vmem>>, vector<1x16xf32>,
        %parallel_loop3A_160 = vector.shape_cast %parallel_loop3A_159 : vector<1x16xf32> to vector<16xf32>
        %parallel_loop3A_161 = vector.shape_cast %parallel_loop3A_156 : vector<16xf32> to vector<1x16xf32>
        tpu.vector_store %arg9[%parallel_loop3A_157, %parallel_loop3A_158], %parallel_loop3A_161 {strides = array<i32>} : memref<80x64xf32, #tpu.memory_space<vmem>>, vector<1x16xf32>,
      } {sc.loop_unroll_factor = 4 : i64, sc.parallel_access}
      %mul3A_71 = arith.constant 80 : i32
      %mul3A_72 = arith.muli %add3A_55, %mul3A_71 : i32
      %add3A_73 = arith.addi %mul3A_2, %mul3A_72 : i32
      "tpu.region"() ({
        %run_scoped3A = tpu.sem_alloc : memref<!tpu.dma_semaphore, #tpu.memory_space<semaphore_mem>>
        %dma_start3A_105 = arith.constant 0 : i32
        %dma_start3A_106 = tpu.memref_slice %arg6[%add3A_73, %dma_start3A_105] : memref<320000x64xf32, #tpu.memory_space<hbm>> -> memref<80x64xf32, #tpu.memory_space<hbm>>
        %dma_start3A_107 = arith.constant 0 : i32
        %dma_start3A_108 = tpu.memref_slice %arg6[%add3A_73, %dma_start3A_107] : memref<320000x64xf32, #tpu.memory_space<hbm>> -> memref<80x64xf32, #tpu.memory_space<hbm>>
        tpu.enqueue_dma source(%arg9 : memref<80x64xf32, #tpu.memory_space<vmem>>) target(%dma_start3A_108 : memref<80x64xf32, #tpu.memory_space<hbm>>) target_semaphore(%run_scoped3A : memref<!tpu.dma_semaphore, #tpu.memory_space<semaphore_mem>>)
        %dma_wait3A_109 = arith.constant 0 : i32
        %dma_wait3A_110 = tpu.memref_slice %arg6[%add3A_73, %dma_wait3A_109] : memref<320000x64xf32, #tpu.memory_space<hbm>> -> memref<80x64xf32, #tpu.memory_space<hbm>>
        %dma_wait3A_111 = arith.constant 0 : i32
        %dma_wait3A_112 = tpu.memref_slice %arg6[%add3A_73, %dma_wait3A_111] : memref<320000x64xf32, #tpu.memory_space<hbm>> -> memref<80x64xf32, #tpu.memory_space<hbm>>
        tpu.wait_dma2 semaphore(%run_scoped3A : memref<!tpu.dma_semaphore, #tpu.memory_space<semaphore_mem>>) src(%arg9 : memref<80x64xf32, #tpu.memory_space<vmem>>) dst(%dma_wait3A_112 : memref<80x64xf32, #tpu.memory_space<hbm>>)
        tpu.yield
      }) : () -> ()
      %add3A_74 = arith.constant 2 : i32
      %add3A_75 = arith.addi %add3A_55, %add3A_74 : i32
      %lt3A = arith.constant 125 : i32
      %lt3A_76 = arith.cmpi slt, %add3A_75, %lt3A : i32
      %convert_element_type3A = arith.extui %lt3A_76 : i1 to i32
      %cond3A = arith.constant 0 : i32
      %cond3A_77 = arith.cmpi ne, %convert_element_type3A, %cond3A : i32
      scf.if %cond3A_77 {
        %add3A_105 = arith.constant 2 : i32
        %add3A_106 = arith.addi %add3A_55, %add3A_105 : i32
        %dma_start3A_107 = arith.constant 0 : i32
        %dma_start3A_108 = tpu.memref_slice %arg7[%add3A_106, %dma_start3A_107] : memref<125x80xi32, #tpu.memory_space<vmem>> -> memref<1x80xi32, #tpu.memory_space<vmem>>
        %dma_start3A_109 = tpu.memref_squeeze %dma_start3A_108 : memref<1x80xi32, #tpu.memory_space<vmem>> -> memref<80xi32, #tpu.memory_space<vmem>>
        %dma_start3A_110 = arith.constant 0 : i32
        %dma_start3A_111 = arith.constant 0 : i32
        %dma_start3A_112 = tpu.memref_slice %arg2[%dma_start3A_110, %dma_start3A_111] : memref<10000x64xf32, #tpu.memory_space<hbm>> -> memref<10000x64xf32, #tpu.memory_space<hbm>>
        tpu.enqueue_indirect_dma source(%dma_start3A_112 : memref<10000x64xf32, #tpu.memory_space<hbm>>) target(%arg9 : memref<80x64xf32, #tpu.memory_space<vmem>>) offsets(%dma_start3A_109 : memref<80xi32, #tpu.memory_space<vmem>>) semaphore(%arg13 : memref<!tpu.dma_semaphore, #tpu.memory_space<semaphore_mem>>)
        %dma_start3A_113 = arith.constant 0 : i32
        %dma_start3A_114 = tpu.memref_slice %arg8[%add3A_106, %dma_start3A_113] : memref<125x80xi32, #tpu.memory_space<vmem>> -> memref<1x80xi32, #tpu.memory_space<vmem>>
        %dma_start3A_115 = tpu.memref_squeeze %dma_start3A_114 : memref<1x80xi32, #tpu.memory_space<vmem>> -> memref<80xi32, #tpu.memory_space<vmem>>
        %dma_start3A_116 = arith.constant 0 : i32
        %dma_start3A_117 = arith.constant 0 : i32
        %dma_start3A_118 = tpu.memref_slice %arg3[%dma_start3A_116, %dma_start3A_117] : memref<10000x64xf32, #tpu.memory_space<hbm>> -> memref<10000x64xf32, #tpu.memory_space<hbm>>
        tpu.enqueue_indirect_dma source(%dma_start3A_118 : memref<10000x64xf32, #tpu.memory_space<hbm>>) target(%arg10 : memref<80x64xf32, #tpu.memory_space<vmem>>) offsets(%dma_start3A_115 : memref<80xi32, #tpu.memory_space<vmem>>) semaphore(%arg13 : memref<!tpu.dma_semaphore, #tpu.memory_space<semaphore_mem>>)
      } else {
      }
      %add3A_78 = arith.constant 1 : i32
      %add3A_79 = arith.addi %add3A_53, %add3A_78 : i32
      %dma_wait3A_80 = arith.constant 0 : i32
      %dma_wait3A_81 = arith.constant 0 : i32
      %dma_wait3A_82 = tpu.memref_slice %arg2[%dma_wait3A_80, %dma_wait3A_81] : memref<10000x64xf32, #tpu.memory_space<hbm>> -> memref<80x64xf32, #tpu.memory_space<hbm>>
      %dma_wait3A_83 = arith.constant 0 : i32
      %dma_wait3A_84 = arith.constant 0 : i32
      %dma_wait3A_85 = tpu.memref_slice %arg2[%dma_wait3A_83, %dma_wait3A_84] : memref<10000x64xf32, #tpu.memory_space<hbm>> -> memref<80x64xf32, #tpu.memory_space<hbm>>
      tpu.wait_dma2 semaphore(%arg14 : memref<!tpu.dma_semaphore, #tpu.memory_space<semaphore_mem>>) src(%dma_wait3A_85 : memref<80x64xf32, #tpu.memory_space<hbm>>) dst(%arg11 : memref<80x64xf32, #tpu.memory_space<vmem>>)
      %dma_wait3A_86 = arith.constant 0 : i32
      %dma_wait3A_87 = arith.constant 0 : i32
      %dma_wait3A_88 = tpu.memref_slice %arg3[%dma_wait3A_86, %dma_wait3A_87] : memref<10000x64xf32, #tpu.memory_space<hbm>> -> memref<80x64xf32, #tpu.memory_space<hbm>>
      %dma_wait3A_89 = arith.constant 0 : i32
      %dma_wait3A_90 = arith.constant 0 : i32
      %dma_wait3A_91 = tpu.memref_slice %arg3[%dma_wait3A_89, %dma_wait3A_90] : memref<10000x64xf32, #tpu.memory_space<hbm>> -> memref<80x64xf32, #tpu.memory_space<hbm>>
      tpu.wait_dma2 semaphore(%arg14 : memref<!tpu.dma_semaphore, #tpu.memory_space<semaphore_mem>>) src(%dma_wait3A_91 : memref<80x64xf32, #tpu.memory_space<hbm>>) dst(%arg12 : memref<80x64xf32, #tpu.memory_space<vmem>>)
      %parallel_loop3A_92 = arith.constant 0 : i32
      %parallel_loop3A_93 = arith.constant 80 : i32
      %parallel_loop3A_94 = arith.constant 1 : i32
      scf.for %parallel_loop3A_105 = %parallel_loop3A_92 to %parallel_loop3A_93 step %parallel_loop3A_94  : i32 {
        %parallel_loop3A_106 = arith.index_cast %parallel_loop3A_105 : i32 to index
        %parallel_loop3A_107 = arith.constant 0 : index
        %parallel_loop3A_108 = tpu.vector_load %arg11[%parallel_loop3A_106, %parallel_loop3A_107] {strides = array<i32>} : memref<80x64xf32, #tpu.memory_space<vmem>>, vector<1x16xf32>,
        %parallel_loop3A_109 = vector.shape_cast %parallel_loop3A_108 : vector<1x16xf32> to vector<16xf32>
        %parallel_loop3A_110 = arith.index_cast %parallel_loop3A_105 : i32 to index
        %parallel_loop3A_111 = arith.constant 0 : index
        %parallel_loop3A_112 = tpu.vector_load %arg12[%parallel_loop3A_110, %parallel_loop3A_111] {strides = array<i32>} : memref<80x64xf32, #tpu.memory_space<vmem>>, vector<1x16xf32>,
        %parallel_loop3A_113 = vector.shape_cast %parallel_loop3A_112 : vector<1x16xf32> to vector<16xf32>
        %parallel_loop3A_114 = arith.addf %parallel_loop3A_109, %parallel_loop3A_113 : vector<16xf32>
        %parallel_loop3A_115 = arith.index_cast %parallel_loop3A_105 : i32 to index
        %parallel_loop3A_116 = arith.constant 0 : index
        %parallel_loop3A_117 = tpu.vector_load %arg11[%parallel_loop3A_115, %parallel_loop3A_116] {strides = array<i32>} : memref<80x64xf32, #tpu.memory_space<vmem>>, vector<1x16xf32>,
        %parallel_loop3A_118 = vector.shape_cast %parallel_loop3A_117 : vector<1x16xf32> to vector<16xf32>
        %parallel_loop3A_119 = vector.shape_cast %parallel_loop3A_114 : vector<16xf32> to vector<1x16xf32>
        tpu.vector_store %arg11[%parallel_loop3A_115, %parallel_loop3A_116], %parallel_loop3A_119 {strides = array<i32>} : memref<80x64xf32, #tpu.memory_space<vmem>>, vector<1x16xf32>,
        %parallel_loop3A_120 = arith.index_cast %parallel_loop3A_105 : i32 to index
        %parallel_loop3A_121 = arith.constant 16 : index
        %parallel_loop3A_122 = tpu.vector_load %arg11[%parallel_loop3A_120, %parallel_loop3A_121] {strides = array<i32>} : memref<80x64xf32, #tpu.memory_space<vmem>>, vector<1x16xf32>,
        %parallel_loop3A_123 = vector.shape_cast %parallel_loop3A_122 : vector<1x16xf32> to vector<16xf32>
        %parallel_loop3A_124 = arith.index_cast %parallel_loop3A_105 : i32 to index
        %parallel_loop3A_125 = arith.constant 16 : index
        %parallel_loop3A_126 = tpu.vector_load %arg12[%parallel_loop3A_124, %parallel_loop3A_125] {strides = array<i32>} : memref<80x64xf32, #tpu.memory_space<vmem>>, vector<1x16xf32>,
        %parallel_loop3A_127 = vector.shape_cast %parallel_loop3A_126 : vector<1x16xf32> to vector<16xf32>
        %parallel_loop3A_128 = arith.addf %parallel_loop3A_123, %parallel_loop3A_127 : vector<16xf32>
        %parallel_loop3A_129 = arith.index_cast %parallel_loop3A_105 : i32 to index
        %parallel_loop3A_130 = arith.constant 16 : index
        %parallel_loop3A_131 = tpu.vector_load %arg11[%parallel_loop3A_129, %parallel_loop3A_130] {strides = array<i32>} : memref<80x64xf32, #tpu.memory_space<vmem>>, vector<1x16xf32>,
        %parallel_loop3A_132 = vector.shape_cast %parallel_loop3A_131 : vector<1x16xf32> to vector<16xf32>
        %parallel_loop3A_133 = vector.shape_cast %parallel_loop3A_128 : vector<16xf32> to vector<1x16xf32>
        tpu.vector_store %arg11[%parallel_loop3A_129, %parallel_loop3A_130], %parallel_loop3A_133 {strides = array<i32>} : memref<80x64xf32, #tpu.memory_space<vmem>>, vector<1x16xf32>,
        %parallel_loop3A_134 = arith.index_cast %parallel_loop3A_105 : i32 to index
        %parallel_loop3A_135 = arith.constant 32 : index
        %parallel_loop3A_136 = tpu.vector_load %arg11[%parallel_loop3A_134, %parallel_loop3A_135] {strides = array<i32>} : memref<80x64xf32, #tpu.memory_space<vmem>>, vector<1x16xf32>,
        %parallel_loop3A_137 = vector.shape_cast %parallel_loop3A_136 : vector<1x16xf32> to vector<16xf32>
        %parallel_loop3A_138 = arith.index_cast %parallel_loop3A_105 : i32 to index
        %parallel_loop3A_139 = arith.constant 32 : index
        %parallel_loop3A_140 = tpu.vector_load %arg12[%parallel_loop3A_138, %parallel_loop3A_139] {strides = array<i32>} : memref<80x64xf32, #tpu.memory_space<vmem>>, vector<1x16xf32>,
        %parallel_loop3A_141 = vector.shape_cast %parallel_loop3A_140 : vector<1x16xf32> to vector<16xf32>
        %parallel_loop3A_142 = arith.addf %parallel_loop3A_137, %parallel_loop3A_141 : vector<16xf32>
        %parallel_loop3A_143 = arith.index_cast %parallel_loop3A_105 : i32 to index
        %parallel_loop3A_144 = arith.constant 32 : index
        %parallel_loop3A_145 = tpu.vector_load %arg11[%parallel_loop3A_143, %parallel_loop3A_144] {strides = array<i32>} : memref<80x64xf32, #tpu.memory_space<vmem>>, vector<1x16xf32>,
        %parallel_loop3A_146 = vector.shape_cast %parallel_loop3A_145 : vector<1x16xf32> to vector<16xf32>
        %parallel_loop3A_147 = vector.shape_cast %parallel_loop3A_142 : vector<16xf32> to vector<1x16xf32>
        tpu.vector_store %arg11[%parallel_loop3A_143, %parallel_loop3A_144], %parallel_loop3A_147 {strides = array<i32>} : memref<80x64xf32, #tpu.memory_space<vmem>>, vector<1x16xf32>,
        %parallel_loop3A_148 = arith.index_cast %parallel_loop3A_105 : i32 to index
        %parallel_loop3A_149 = arith.constant 48 : index
        %parallel_loop3A_150 = tpu.vector_load %arg11[%parallel_loop3A_148, %parallel_loop3A_149] {strides = array<i32>} : memref<80x64xf32, #tpu.memory_space<vmem>>, vector<1x16xf32>,
        %parallel_loop3A_151 = vector.shape_cast %parallel_loop3A_150 : vector<1x16xf32> to vector<16xf32>
        %parallel_loop3A_152 = arith.index_cast %parallel_loop3A_105 : i32 to index
        %parallel_loop3A_153 = arith.constant 48 : index
        %parallel_loop3A_154 = tpu.vector_load %arg12[%parallel_loop3A_152, %parallel_loop3A_153] {strides = array<i32>} : memref<80x64xf32, #tpu.memory_space<vmem>>, vector<1x16xf32>,
        %parallel_loop3A_155 = vector.shape_cast %parallel_loop3A_154 : vector<1x16xf32> to vector<16xf32>
        %parallel_loop3A_156 = arith.addf %parallel_loop3A_151, %parallel_loop3A_155 : vector<16xf32>
        %parallel_loop3A_157 = arith.index_cast %parallel_loop3A_105 : i32 to index
        %parallel_loop3A_158 = arith.constant 48 : index
        %parallel_loop3A_159 = tpu.vector_load %arg11[%parallel_loop3A_157, %parallel_loop3A_158] {strides = array<i32>} : memref<80x64xf32, #tpu.memory_space<vmem>>, vector<1x16xf32>,
        %parallel_loop3A_160 = vector.shape_cast %parallel_loop3A_159 : vector<1x16xf32> to vector<16xf32>
        %parallel_loop3A_161 = vector.shape_cast %parallel_loop3A_156 : vector<16xf32> to vector<1x16xf32>
        tpu.vector_store %arg11[%parallel_loop3A_157, %parallel_loop3A_158], %parallel_loop3A_161 {strides = array<i32>} : memref<80x64xf32, #tpu.memory_space<vmem>>, vector<1x16xf32>,
      } {sc.loop_unroll_factor = 4 : i64, sc.parallel_access}
      %mul3A_95 = arith.constant 80 : i32
      %mul3A_96 = arith.muli %add3A_79, %mul3A_95 : i32
      %add3A_97 = arith.addi %mul3A_2, %mul3A_96 : i32
      "tpu.region"() ({
        %run_scoped3A = tpu.sem_alloc : memref<!tpu.dma_semaphore, #tpu.memory_space<semaphore_mem>>
        %dma_start3A_105 = arith.constant 0 : i32
        %dma_start3A_106 = tpu.memref_slice %arg6[%add3A_97, %dma_start3A_105] : memref<320000x64xf32, #tpu.memory_space<hbm>> -> memref<80x64xf32, #tpu.memory_space<hbm>>
        %dma_start3A_107 = arith.constant 0 : i32
        %dma_start3A_108 = tpu.memref_slice %arg6[%add3A_97, %dma_start3A_107] : memref<320000x64xf32, #tpu.memory_space<hbm>> -> memref<80x64xf32, #tpu.memory_space<hbm>>
        tpu.enqueue_dma source(%arg11 : memref<80x64xf32, #tpu.memory_space<vmem>>) target(%dma_start3A_108 : memref<80x64xf32, #tpu.memory_space<hbm>>) target_semaphore(%run_scoped3A : memref<!tpu.dma_semaphore, #tpu.memory_space<semaphore_mem>>)
        %dma_wait3A_109 = arith.constant 0 : i32
        %dma_wait3A_110 = tpu.memref_slice %arg6[%add3A_97, %dma_wait3A_109] : memref<320000x64xf32, #tpu.memory_space<hbm>> -> memref<80x64xf32, #tpu.memory_space<hbm>>
        %dma_wait3A_111 = arith.constant 0 : i32
        %dma_wait3A_112 = tpu.memref_slice %arg6[%add3A_97, %dma_wait3A_111] : memref<320000x64xf32, #tpu.memory_space<hbm>> -> memref<80x64xf32, #tpu.memory_space<hbm>>
        tpu.wait_dma2 semaphore(%run_scoped3A : memref<!tpu.dma_semaphore, #tpu.memory_space<semaphore_mem>>) src(%arg11 : memref<80x64xf32, #tpu.memory_space<vmem>>) dst(%dma_wait3A_112 : memref<80x64xf32, #tpu.memory_space<hbm>>)
        tpu.yield
      }) : () -> ()
      %add3A_98 = arith.constant 2 : i32
      %add3A_99 = arith.addi %add3A_79, %add3A_98 : i32
      %lt3A_100 = arith.constant 125 : i32
      %lt3A_101 = arith.cmpi slt, %add3A_99, %lt3A_100 : i32
      %convert_element_type3A_102 = arith.extui %lt3A_101 : i1 to i32
      %cond3A_103 = arith.constant 0 : i32
      %cond3A_104 = arith.cmpi ne, %convert_element_type3A_102, %cond3A_103 : i32
      scf.if %cond3A_104 {
        %add3A_105 = arith.constant 2 : i32
        %add3A_106 = arith.addi %add3A_79, %add3A_105 : i32
        %dma_start3A_107 = arith.constant 0 : i32
        %dma_start3A_108 = tpu.memref_slice %arg7[%add3A_106, %dma_start3A_107] : memref<125x80xi32, #tpu.memory_space<vmem>> -> memref<1x80xi32, #tpu.memory_space<vmem>>
        %dma_start3A_109 = tpu.memref_squeeze %dma_start3A_108 : memref<1x80xi32, #tpu.memory_space<vmem>> -> memref<80xi32, #tpu.memory_space<vmem>>
        %dma_start3A_110 = arith.constant 0 : i32
        %dma_start3A_111 = arith.constant 0 : i32
        %dma_start3A_112 = tpu.memref_slice %arg2[%dma_start3A_110, %dma_start3A_111] : memref<10000x64xf32, #tpu.memory_space<hbm>> -> memref<10000x64xf32, #tpu.memory_space<hbm>>
        tpu.enqueue_indirect_dma source(%dma_start3A_112 : memref<10000x64xf32, #tpu.memory_space<hbm>>) target(%arg11 : memref<80x64xf32, #tpu.memory_space<vmem>>) offsets(%dma_start3A_109 : memref<80xi32, #tpu.memory_space<vmem>>) semaphore(%arg14 : memref<!tpu.dma_semaphore, #tpu.memory_space<semaphore_mem>>)
        %dma_start3A_113 = arith.constant 0 : i32
        %dma_start3A_114 = tpu.memref_slice %arg8[%add3A_106, %dma_start3A_113] : memref<125x80xi32, #tpu.memory_space<vmem>> -> memref<1x80xi32, #tpu.memory_space<vmem>>
        %dma_start3A_115 = tpu.memref_squeeze %dma_start3A_114 : memref<1x80xi32, #tpu.memory_space<vmem>> -> memref<80xi32, #tpu.memory_space<vmem>>
        %dma_start3A_116 = arith.constant 0 : i32
        %dma_start3A_117 = arith.constant 0 : i32
        %dma_start3A_118 = tpu.memref_slice %arg3[%dma_start3A_116, %dma_start3A_117] : memref<10000x64xf32, #tpu.memory_space<hbm>> -> memref<10000x64xf32, #tpu.memory_space<hbm>>
        tpu.enqueue_indirect_dma source(%dma_start3A_118 : memref<10000x64xf32, #tpu.memory_space<hbm>>) target(%arg12 : memref<80x64xf32, #tpu.memory_space<vmem>>) offsets(%dma_start3A_115 : memref<80xi32, #tpu.memory_space<vmem>>) semaphore(%arg14 : memref<!tpu.dma_semaphore, #tpu.memory_space<semaphore_mem>>)
      } else {
      }
    }
    %scan3A_33 = arith.constant 62 : i32
    %dma_wait3A = arith.constant 0 : i32
    %dma_wait3A_34 = arith.constant 0 : i32
    %dma_wait3A_35 = tpu.memref_slice %arg2[%dma_wait3A, %dma_wait3A_34] : memref<10000x64xf32, #tpu.memory_space<hbm>> -> memref<80x64xf32, #tpu.memory_space<hbm>>
    %dma_wait3A_36 = arith.constant 0 : i32
    %dma_wait3A_37 = arith.constant 0 : i32
    %dma_wait3A_38 = tpu.memref_slice %arg2[%dma_wait3A_36, %dma_wait3A_37] : memref<10000x64xf32, #tpu.memory_space<hbm>> -> memref<80x64xf32, #tpu.memory_space<hbm>>
    tpu.wait_dma2 semaphore(%arg13 : memref<!tpu.dma_semaphore, #tpu.memory_space<semaphore_mem>>) src(%dma_wait3A_38 : memref<80x64xf32, #tpu.memory_space<hbm>>) dst(%arg9 : memref<80x64xf32, #tpu.memory_space<vmem>>)
    %dma_wait3A_39 = arith.constant 0 : i32
    %dma_wait3A_40 = arith.constant 0 : i32
    %dma_wait3A_41 = tpu.memref_slice %arg3[%dma_wait3A_39, %dma_wait3A_40] : memref<10000x64xf32, #tpu.memory_space<hbm>> -> memref<80x64xf32, #tpu.memory_space<hbm>>
    %dma_wait3A_42 = arith.constant 0 : i32
    %dma_wait3A_43 = arith.constant 0 : i32
    %dma_wait3A_44 = tpu.memref_slice %arg3[%dma_wait3A_42, %dma_wait3A_43] : memref<10000x64xf32, #tpu.memory_space<hbm>> -> memref<80x64xf32, #tpu.memory_space<hbm>>
    tpu.wait_dma2 semaphore(%arg13 : memref<!tpu.dma_semaphore, #tpu.memory_space<semaphore_mem>>) src(%dma_wait3A_44 : memref<80x64xf32, #tpu.memory_space<hbm>>) dst(%arg10 : memref<80x64xf32, #tpu.memory_space<vmem>>)
    %parallel_loop3A = arith.constant 0 : i32
    %parallel_loop3A_45 = arith.constant 80 : i32
    %parallel_loop3A_46 = arith.constant 1 : i32
    scf.for %parallel_loop3A_49 = %parallel_loop3A to %parallel_loop3A_45 step %parallel_loop3A_46  : i32 {
      %parallel_loop3A_50 = arith.index_cast %parallel_loop3A_49 : i32 to index
      %parallel_loop3A_51 = arith.constant 0 : index
      %parallel_loop3A_52 = tpu.vector_load %arg9[%parallel_loop3A_50, %parallel_loop3A_51] {strides = array<i32>} : memref<80x64xf32, #tpu.memory_space<vmem>>, vector<1x16xf32>,
      %parallel_loop3A_53 = vector.shape_cast %parallel_loop3A_52 : vector<1x16xf32> to vector<16xf32>
      %parallel_loop3A_54 = arith.index_cast %parallel_loop3A_49 : i32 to index
      %parallel_loop3A_55 = arith.constant 0 : index
      %parallel_loop3A_56 = tpu.vector_load %arg10[%parallel_loop3A_54, %parallel_loop3A_55] {strides = array<i32>} : memref<80x64xf32, #tpu.memory_space<vmem>>, vector<1x16xf32>,
      %parallel_loop3A_57 = vector.shape_cast %parallel_loop3A_56 : vector<1x16xf32> to vector<16xf32>
      %parallel_loop3A_58 = arith.addf %parallel_loop3A_53, %parallel_loop3A_57 : vector<16xf32>
      %parallel_loop3A_59 = arith.index_cast %parallel_loop3A_49 : i32 to index
      %parallel_loop3A_60 = arith.constant 0 : index
      %parallel_loop3A_61 = tpu.vector_load %arg9[%parallel_loop3A_59, %parallel_loop3A_60] {strides = array<i32>} : memref<80x64xf32, #tpu.memory_space<vmem>>, vector<1x16xf32>,
      %parallel_loop3A_62 = vector.shape_cast %parallel_loop3A_61 : vector<1x16xf32> to vector<16xf32>
      %parallel_loop3A_63 = vector.shape_cast %parallel_loop3A_58 : vector<16xf32> to vector<1x16xf32>
      tpu.vector_store %arg9[%parallel_loop3A_59, %parallel_loop3A_60], %parallel_loop3A_63 {strides = array<i32>} : memref<80x64xf32, #tpu.memory_space<vmem>>, vector<1x16xf32>,
      %parallel_loop3A_64 = arith.index_cast %parallel_loop3A_49 : i32 to index
      %parallel_loop3A_65 = arith.constant 16 : index
      %parallel_loop3A_66 = tpu.vector_load %arg9[%parallel_loop3A_64, %parallel_loop3A_65] {strides = array<i32>} : memref<80x64xf32, #tpu.memory_space<vmem>>, vector<1x16xf32>,
      %parallel_loop3A_67 = vector.shape_cast %parallel_loop3A_66 : vector<1x16xf32> to vector<16xf32>
      %parallel_loop3A_68 = arith.index_cast %parallel_loop3A_49 : i32 to index
      %parallel_loop3A_69 = arith.constant 16 : index
      %parallel_loop3A_70 = tpu.vector_load %arg10[%parallel_loop3A_68, %parallel_loop3A_69] {strides = array<i32>} : memref<80x64xf32, #tpu.memory_space<vmem>>, vector<1x16xf32>,
      %parallel_loop3A_71 = vector.shape_cast %parallel_loop3A_70 : vector<1x16xf32> to vector<16xf32>
      %parallel_loop3A_72 = arith.addf %parallel_loop3A_67, %parallel_loop3A_71 : vector<16xf32>
      %parallel_loop3A_73 = arith.index_cast %parallel_loop3A_49 : i32 to index
      %parallel_loop3A_74 = arith.constant 16 : index
      %parallel_loop3A_75 = tpu.vector_load %arg9[%parallel_loop3A_73, %parallel_loop3A_74] {strides = array<i32>} : memref<80x64xf32, #tpu.memory_space<vmem>>, vector<1x16xf32>,
      %parallel_loop3A_76 = vector.shape_cast %parallel_loop3A_75 : vector<1x16xf32> to vector<16xf32>
      %parallel_loop3A_77 = vector.shape_cast %parallel_loop3A_72 : vector<16xf32> to vector<1x16xf32>
      tpu.vector_store %arg9[%parallel_loop3A_73, %parallel_loop3A_74], %parallel_loop3A_77 {strides = array<i32>} : memref<80x64xf32, #tpu.memory_space<vmem>>, vector<1x16xf32>,
      %parallel_loop3A_78 = arith.index_cast %parallel_loop3A_49 : i32 to index
      %parallel_loop3A_79 = arith.constant 32 : index
      %parallel_loop3A_80 = tpu.vector_load %arg9[%parallel_loop3A_78, %parallel_loop3A_79] {strides = array<i32>} : memref<80x64xf32, #tpu.memory_space<vmem>>, vector<1x16xf32>,
      %parallel_loop3A_81 = vector.shape_cast %parallel_loop3A_80 : vector<1x16xf32> to vector<16xf32>
      %parallel_loop3A_82 = arith.index_cast %parallel_loop3A_49 : i32 to index
      %parallel_loop3A_83 = arith.constant 32 : index
      %parallel_loop3A_84 = tpu.vector_load %arg10[%parallel_loop3A_82, %parallel_loop3A_83] {strides = array<i32>} : memref<80x64xf32, #tpu.memory_space<vmem>>, vector<1x16xf32>,
      %parallel_loop3A_85 = vector.shape_cast %parallel_loop3A_84 : vector<1x16xf32> to vector<16xf32>
      %parallel_loop3A_86 = arith.addf %parallel_loop3A_81, %parallel_loop3A_85 : vector<16xf32>
      %parallel_loop3A_87 = arith.index_cast %parallel_loop3A_49 : i32 to index
      %parallel_loop3A_88 = arith.constant 32 : index
      %parallel_loop3A_89 = tpu.vector_load %arg9[%parallel_loop3A_87, %parallel_loop3A_88] {strides = array<i32>} : memref<80x64xf32, #tpu.memory_space<vmem>>, vector<1x16xf32>,
      %parallel_loop3A_90 = vector.shape_cast %parallel_loop3A_89 : vector<1x16xf32> to vector<16xf32>
      %parallel_loop3A_91 = vector.shape_cast %parallel_loop3A_86 : vector<16xf32> to vector<1x16xf32>
      tpu.vector_store %arg9[%parallel_loop3A_87, %parallel_loop3A_88], %parallel_loop3A_91 {strides = array<i32>} : memref<80x64xf32, #tpu.memory_space<vmem>>, vector<1x16xf32>,
      %parallel_loop3A_92 = arith.index_cast %parallel_loop3A_49 : i32 to index
      %parallel_loop3A_93 = arith.constant 48 : index
      %parallel_loop3A_94 = tpu.vector_load %arg9[%parallel_loop3A_92, %parallel_loop3A_93] {strides = array<i32>} : memref<80x64xf32, #tpu.memory_space<vmem>>, vector<1x16xf32>,
      %parallel_loop3A_95 = vector.shape_cast %parallel_loop3A_94 : vector<1x16xf32> to vector<16xf32>
      %parallel_loop3A_96 = arith.index_cast %parallel_loop3A_49 : i32 to index
      %parallel_loop3A_97 = arith.constant 48 : index
      %parallel_loop3A_98 = tpu.vector_load %arg10[%parallel_loop3A_96, %parallel_loop3A_97] {strides = array<i32>} : memref<80x64xf32, #tpu.memory_space<vmem>>, vector<1x16xf32>,
      %parallel_loop3A_99 = vector.shape_cast %parallel_loop3A_98 : vector<1x16xf32> to vector<16xf32>
      %parallel_loop3A_100 = arith.addf %parallel_loop3A_95, %parallel_loop3A_99 : vector<16xf32>
      %parallel_loop3A_101 = arith.index_cast %parallel_loop3A_49 : i32 to index
      %parallel_loop3A_102 = arith.constant 48 : index
      %parallel_loop3A_103 = tpu.vector_load %arg9[%parallel_loop3A_101, %parallel_loop3A_102] {strides = array<i32>} : memref<80x64xf32, #tpu.memory_space<vmem>>, vector<1x16xf32>,
      %parallel_loop3A_104 = vector.shape_cast %parallel_loop3A_103 : vector<1x16xf32> to vector<16xf32>
      %parallel_loop3A_105 = vector.shape_cast %parallel_loop3A_100 : vector<16xf32> to vector<1x16xf32>
      tpu.vector_store %arg9[%parallel_loop3A_101, %parallel_loop3A_102], %parallel_loop3A_105 {strides = array<i32>} : memref<80x64xf32, #tpu.memory_space<vmem>>, vector<1x16xf32>,
    } {sc.loop_unroll_factor = 4 : i64, sc.parallel_access}
    %add3A_47 = arith.constant 9920 : i32
    %add3A_48 = arith.addi %mul3A_2, %add3A_47 : i32
    "tpu.region"() ({
      %run_scoped3A = tpu.sem_alloc : memref<!tpu.dma_semaphore, #tpu.memory_space<semaphore_mem>>
      %dma_start3A_49 = arith.constant 0 : i32
      %dma_start3A_50 = tpu.memref_slice %arg6[%add3A_48, %dma_start3A_49] : memref<320000x64xf32, #tpu.memory_space<hbm>> -> memref<80x64xf32, #tpu.memory_space<hbm>>
      %dma_start3A_51 = arith.constant 0 : i32
      %dma_start3A_52 = tpu.memref_slice %arg6[%add3A_48, %dma_start3A_51] : memref<320000x64xf32, #tpu.memory_space<hbm>> -> memref<80x64xf32, #tpu.memory_space<hbm>>
      tpu.enqueue_dma source(%arg9 : memref<80x64xf32, #tpu.memory_space<vmem>>) target(%dma_start3A_52 : memref<80x64xf32, #tpu.memory_space<hbm>>) target_semaphore(%run_scoped3A : memref<!tpu.dma_semaphore, #tpu.memory_space<semaphore_mem>>)
      %dma_wait3A_53 = arith.constant 0 : i32
      %dma_wait3A_54 = tpu.memref_slice %arg6[%add3A_48, %dma_wait3A_53] : memref<320000x64xf32, #tpu.memory_space<hbm>> -> memref<80x64xf32, #tpu.memory_space<hbm>>
      %dma_wait3A_55 = arith.constant 0 : i32
      %dma_wait3A_56 = tpu.memref_slice %arg6[%add3A_48, %dma_wait3A_55] : memref<320000x64xf32, #tpu.memory_space<hbm>> -> memref<80x64xf32, #tpu.memory_space<hbm>>
      tpu.wait_dma2 semaphore(%run_scoped3A : memref<!tpu.dma_semaphore, #tpu.memory_space<semaphore_mem>>) src(%arg9 : memref<80x64xf32, #tpu.memory_space<vmem>>) dst(%dma_wait3A_56 : memref<80x64xf32, #tpu.memory_space<hbm>>)
      tpu.yield
    }) : () -> ()
    return
  }
}

#map = affine_map<(d0, d1) -> (0, 0)>
#map1 = affine_map<(d0, d1) -> (0, 0, 0)>
module attributes {stable_mosaic.version = 14 : i64} {
  func.func @_scatter_body(%arg0: i32, %arg1: i32, %arg2: memref<320000x64xf32, #tpu.memory_space<hbm>>, %arg3: memref<32x125x80xi32, #tpu.memory_space<hbm>>, %arg4: memref<2x10240x64xf32, #tpu.memory_space<hbm>>, %arg5: memref<2x10240x16xf32, #tpu.memory_space<hbm>>, %arg6: memref<125x80xi32, #tpu.memory_space<vmem>>, %arg7: memref<80x64xf32, #tpu.memory_space<vmem>>, %arg8: memref<80x64xf32, #tpu.memory_space<vmem>>, %arg9: memref<640x64xf32, #tpu.memory_space<vmem>>, %arg10: memref<80x16xf32, #tpu.memory_space<vmem>>, %arg11: memref<640x16xf32, #tpu.memory_space<vmem>>, %arg12: memref<10240x64xf32, #tpu.memory_space<vmem_shared>>, %arg13: memref<10240x16xf32, #tpu.memory_space<vmem_shared>>, %arg14: memref<!tpu.dma_semaphore, #tpu.memory_space<semaphore_mem>>, %arg15: memref<!tpu.dma_semaphore, #tpu.memory_space<semaphore_mem>>) attributes {dimension_semantics = [#tpu.dimension_semantics<core_parallel>, #tpu.dimension_semantics<subcore_parallel>], iteration_bounds = array<i64: 2, 16>, scalar_prefetch = 0 : i64, scratch_operands = 10 : i64, tpu.core_type = #tpu.core_type<sc_vector_subcore>, window_params = [{transform_indices = #map}, {transform_indices = #map1}, {transform_indices = #map1}, {transform_indices = #map1}]} {
    %mul3A = arith.constant 2 : i32
    %mul3A_0 = arith.muli %arg1, %mul3A : i32
    %add3A = arith.addi %mul3A_0, %arg0 : i32
    %mul3A_1 = arith.constant 10000 : i32
    %mul3A_2 = arith.muli %add3A, %mul3A_1 : i32
    %broadcast_in_dim3A = arith.constant 0.000000e+00 : f32
    %broadcast_in_dim3A_3 = vector.broadcast %broadcast_in_dim3A : f32 to vector<16xf32>
    %scan3A = arith.constant 0 : i32
    %scan3A_4 = arith.constant 0 : i32
    %scan3A_5 = arith.constant 640 : i32
    %scan3A_6 = arith.addi %scan3A_4, %scan3A_5 : i32
    %scan3A_7 = arith.constant 1 : i32
    scf.for %scan3A_35 = %scan3A_4 to %scan3A_6 step %scan3A_7  : i32 {
      %swap3A = arith.index_cast %scan3A_35 : i32 to index
      %swap3A_36 = arith.constant 0 : index
      %swap3A_37 = tpu.vector_load %arg9[%swap3A, %swap3A_36] {strides = array<i32>} : memref<640x64xf32, #tpu.memory_space<vmem>>, vector<1x16xf32>,
      %swap3A_38 = vector.shape_cast %swap3A_37 : vector<1x16xf32> to vector<16xf32>
      %swap3A_39 = vector.shape_cast %broadcast_in_dim3A_3 : vector<16xf32> to vector<1x16xf32>
      tpu.vector_store %arg9[%swap3A, %swap3A_36], %swap3A_39 {strides = array<i32>} : memref<640x64xf32, #tpu.memory_space<vmem>>, vector<1x16xf32>,
      %swap3A_40 = arith.index_cast %scan3A_35 : i32 to index
      %swap3A_41 = arith.constant 16 : index
      %swap3A_42 = tpu.vector_load %arg9[%swap3A_40, %swap3A_41] {strides = array<i32>} : memref<640x64xf32, #tpu.memory_space<vmem>>, vector<1x16xf32>,
      %swap3A_43 = vector.shape_cast %swap3A_42 : vector<1x16xf32> to vector<16xf32>
      %swap3A_44 = vector.shape_cast %broadcast_in_dim3A_3 : vector<16xf32> to vector<1x16xf32>
      tpu.vector_store %arg9[%swap3A_40, %swap3A_41], %swap3A_44 {strides = array<i32>} : memref<640x64xf32, #tpu.memory_space<vmem>>, vector<1x16xf32>,
      %swap3A_45 = arith.index_cast %scan3A_35 : i32 to index
      %swap3A_46 = arith.constant 32 : index
      %swap3A_47 = tpu.vector_load %arg9[%swap3A_45, %swap3A_46] {strides = array<i32>} : memref<640x64xf32, #tpu.memory_space<vmem>>, vector<1x16xf32>,
      %swap3A_48 = vector.shape_cast %swap3A_47 : vector<1x16xf32> to vector<16xf32>
      %swap3A_49 = vector.shape_cast %broadcast_in_dim3A_3 : vector<16xf32> to vector<1x16xf32>
      tpu.vector_store %arg9[%swap3A_45, %swap3A_46], %swap3A_49 {strides = array<i32>} : memref<640x64xf32, #tpu.memory_space<vmem>>, vector<1x16xf32>,
      %swap3A_50 = arith.index_cast %scan3A_35 : i32 to index
      %swap3A_51 = arith.constant 48 : index
      %swap3A_52 = tpu.vector_load %arg9[%swap3A_50, %swap3A_51] {strides = array<i32>} : memref<640x64xf32, #tpu.memory_space<vmem>>, vector<1x16xf32>,
      %swap3A_53 = vector.shape_cast %swap3A_52 : vector<1x16xf32> to vector<16xf32>
      %swap3A_54 = vector.shape_cast %broadcast_in_dim3A_3 : vector<16xf32> to vector<1x16xf32>
      tpu.vector_store %arg9[%swap3A_50, %swap3A_51], %swap3A_54 {strides = array<i32>} : memref<640x64xf32, #tpu.memory_space<vmem>>, vector<1x16xf32>,
    }
    %scan3A_8 = arith.constant 640 : i32
    %mul3A_9 = arith.constant 640 : i32
    %mul3A_10 = arith.muli %arg1, %mul3A_9 : i32
    "tpu.region"() ({
      %run_scoped3A_35 = tpu.sem_alloc : memref<!tpu.dma_semaphore, #tpu.memory_space<semaphore_mem>>
      %dma_start3A_36 = arith.constant 0 : i32
      %dma_start3A_37 = tpu.memref_slice %arg12[%mul3A_10, %dma_start3A_36] : memref<10240x64xf32, #tpu.memory_space<vmem_shared>> -> memref<640x64xf32, #tpu.memory_space<vmem_shared>>
      %dma_start3A_38 = arith.constant 0 : i32
      %dma_start3A_39 = tpu.memref_slice %arg12[%mul3A_10, %dma_start3A_38] : memref<10240x64xf32, #tpu.memory_space<vmem_shared>> -> memref<640x64xf32, #tpu.memory_space<vmem_shared>>
      tpu.enqueue_dma source(%arg9 : memref<640x64xf32, #tpu.memory_space<vmem>>) target(%dma_start3A_39 : memref<640x64xf32, #tpu.memory_space<vmem_shared>>) target_semaphore(%run_scoped3A_35 : memref<!tpu.dma_semaphore, #tpu.memory_space<semaphore_mem>>)
      %dma_wait3A_40 = arith.constant 0 : i32
      %dma_wait3A_41 = tpu.memref_slice %arg12[%mul3A_10, %dma_wait3A_40] : memref<10240x64xf32, #tpu.memory_space<vmem_shared>> -> memref<640x64xf32, #tpu.memory_space<vmem_shared>>
      %dma_wait3A_42 = arith.constant 0 : i32
      %dma_wait3A_43 = tpu.memref_slice %arg12[%mul3A_10, %dma_wait3A_42] : memref<10240x64xf32, #tpu.memory_space<vmem_shared>> -> memref<640x64xf32, #tpu.memory_space<vmem_shared>>
      tpu.wait_dma2 semaphore(%run_scoped3A_35 : memref<!tpu.dma_semaphore, #tpu.memory_space<semaphore_mem>>) src(%arg9 : memref<640x64xf32, #tpu.memory_space<vmem>>) dst(%dma_wait3A_43 : memref<640x64xf32, #tpu.memory_space<vmem_shared>>)
      tpu.yield
    }) : () -> ()
    %barrier3A = arith.constant 0 : index
    tpu.barrier barrier_id(%barrier3A)
    "tpu.region"() ({
      %run_scoped3A_35 = tpu.sem_alloc : memref<!tpu.dma_semaphore, #tpu.memory_space<semaphore_mem>>
      %dma_start3A_36 = arith.constant 0 : i32
      %dma_start3A_37 = arith.constant 0 : i32
      %dma_start3A_38 = tpu.memref_slice %arg3[%add3A, %dma_start3A_36, %dma_start3A_37] : memref<32x125x80xi32, #tpu.memory_space<hbm>> -> memref<1x125x80xi32, #tpu.memory_space<hbm>>
      %dma_start3A_39 = tpu.memref_squeeze %dma_start3A_38 : memref<1x125x80xi32, #tpu.memory_space<hbm>> -> memref<125x80xi32, #tpu.memory_space<hbm>>
      %dma_start3A_40 = arith.constant 0 : i32
      %dma_start3A_41 = arith.constant 0 : i32
      %dma_start3A_42 = tpu.memref_slice %arg3[%add3A, %dma_start3A_40, %dma_start3A_41] : memref<32x125x80xi32, #tpu.memory_space<hbm>> -> memref<1x125x80xi32, #tpu.memory_space<hbm>>
      %dma_start3A_43 = tpu.memref_squeeze %dma_start3A_42 : memref<1x125x80xi32, #tpu.memory_space<hbm>> -> memref<125x80xi32, #tpu.memory_space<hbm>>
      tpu.enqueue_dma source(%dma_start3A_43 : memref<125x80xi32, #tpu.memory_space<hbm>>) target(%arg6 : memref<125x80xi32, #tpu.memory_space<vmem>>) target_semaphore(%run_scoped3A_35 : memref<!tpu.dma_semaphore, #tpu.memory_space<semaphore_mem>>)
      %dma_wait3A_44 = arith.constant 0 : i32
      %dma_wait3A_45 = arith.constant 0 : i32
      %dma_wait3A_46 = tpu.memref_slice %arg3[%add3A, %dma_wait3A_44, %dma_wait3A_45] : memref<32x125x80xi32, #tpu.memory_space<hbm>> -> memref<1x125x80xi32, #tpu.memory_space<hbm>>
      %dma_wait3A_47 = tpu.memref_squeeze %dma_wait3A_46 : memref<1x125x80xi32, #tpu.memory_space<hbm>> -> memref<125x80xi32, #tpu.memory_space<hbm>>
      %dma_wait3A_48 = arith.constant 0 : i32
      %dma_wait3A_49 = arith.constant 0 : i32
      %dma_wait3A_50 = tpu.memref_slice %arg3[%add3A, %dma_wait3A_48, %dma_wait3A_49] : memref<32x125x80xi32, #tpu.memory_space<hbm>> -> memref<1x125x80xi32, #tpu.memory_space<hbm>>
      %dma_wait3A_51 = tpu.memref_squeeze %dma_wait3A_50 : memref<1x125x80xi32, #tpu.memory_space<hbm>> -> memref<125x80xi32, #tpu.memory_space<hbm>>
      tpu.wait_dma2 semaphore(%run_scoped3A_35 : memref<!tpu.dma_semaphore, #tpu.memory_space<semaphore_mem>>) src(%dma_wait3A_51 : memref<125x80xi32, #tpu.memory_space<hbm>>) dst(%arg6 : memref<125x80xi32, #tpu.memory_space<vmem>>)
      tpu.yield
    }) : () -> ()
    %add3A_11 = arith.constant 0 : i32
    %add3A_12 = arith.addi %mul3A_2, %add3A_11 : i32
    %dma_start3A = arith.constant 0 : i32
    %dma_start3A_13 = tpu.memref_slice %arg2[%add3A_12, %dma_start3A] : memref<320000x64xf32, #tpu.memory_space<hbm>> -> memref<80x64xf32, #tpu.memory_space<hbm>>
    %dma_start3A_14 = arith.constant 0 : i32
    %dma_start3A_15 = tpu.memref_slice %arg2[%add3A_12, %dma_start3A_14] : memref<320000x64xf32, #tpu.memory_space<hbm>> -> memref<80x64xf32, #tpu.memory_space<hbm>>
    tpu.enqueue_dma source(%dma_start3A_15 : memref<80x64xf32, #tpu.memory_space<hbm>>) target(%arg7 : memref<80x64xf32, #tpu.memory_space<vmem>>) target_semaphore(%arg14 : memref<!tpu.dma_semaphore, #tpu.memory_space<semaphore_mem>>)
    %add3A_16 = arith.constant 80 : i32
    %add3A_17 = arith.addi %mul3A_2, %add3A_16 : i32
    %dma_start3A_18 = arith.constant 0 : i32
    %dma_start3A_19 = tpu.memref_slice %arg2[%add3A_17, %dma_start3A_18] : memref<320000x64xf32, #tpu.memory_space<hbm>> -> memref<80x64xf32, #tpu.memory_space<hbm>>
    %dma_start3A_20 = arith.constant 0 : i32
    %dma_start3A_21 = tpu.memref_slice %arg2[%add3A_17, %dma_start3A_20] : memref<320000x64xf32, #tpu.memory_space<hbm>> -> memref<80x64xf32, #tpu.memory_space<hbm>>
    tpu.enqueue_dma source(%dma_start3A_21 : memref<80x64xf32, #tpu.memory_space<hbm>>) target(%arg8 : memref<80x64xf32, #tpu.memory_space<vmem>>) target_semaphore(%arg15 : memref<!tpu.dma_semaphore, #tpu.memory_space<semaphore_mem>>)
    %scan3A_22 = arith.constant 0 : i32
    %scan3A_23 = arith.constant 62 : i32
    %scan3A_24 = arith.addi %scan3A_22, %scan3A_23 : i32
    %scan3A_25 = arith.constant 1 : i32
    scf.for %scan3A_35 = %scan3A_22 to %scan3A_24 step %scan3A_25  : i32 {
      %mul3A_36 = arith.constant 2 : i32
      %mul3A_37 = arith.muli %scan3A_35, %mul3A_36 : i32
      %add3A_38 = arith.constant 0 : i32
      %add3A_39 = arith.addi %add3A_38, %mul3A_37 : i32
      %add3A_40 = arith.constant 0 : i32
      %add3A_41 = arith.addi %add3A_39, %add3A_40 : i32
      %dma_wait3A_42 = arith.constant 0 : i32
      %dma_wait3A_43 = arith.constant 0 : i32
      %dma_wait3A_44 = tpu.memref_slice %arg2[%dma_wait3A_42, %dma_wait3A_43] : memref<320000x64xf32, #tpu.memory_space<hbm>> -> memref<80x64xf32, #tpu.memory_space<hbm>>
      %dma_wait3A_45 = arith.constant 0 : i32
      %dma_wait3A_46 = arith.constant 0 : i32
      %dma_wait3A_47 = tpu.memref_slice %arg2[%dma_wait3A_45, %dma_wait3A_46] : memref<320000x64xf32, #tpu.memory_space<hbm>> -> memref<80x64xf32, #tpu.memory_space<hbm>>
      tpu.wait_dma2 semaphore(%arg14 : memref<!tpu.dma_semaphore, #tpu.memory_space<semaphore_mem>>) src(%dma_wait3A_47 : memref<80x64xf32, #tpu.memory_space<hbm>>) dst(%arg7 : memref<80x64xf32, #tpu.memory_space<vmem>>)
      "tpu.region"() ({
        %run_scoped3A_67 = tpu.sem_alloc : memref<!tpu.dma_semaphore, #tpu.memory_space<semaphore_mem>>
        %dma_start3A_68 = arith.constant 0 : i32
        %dma_start3A_69 = tpu.memref_slice %arg6[%add3A_41, %dma_start3A_68] : memref<125x80xi32, #tpu.memory_space<vmem>> -> memref<1x80xi32, #tpu.memory_space<vmem>>
        %dma_start3A_70 = tpu.memref_squeeze %dma_start3A_69 : memref<1x80xi32, #tpu.memory_space<vmem>> -> memref<80xi32, #tpu.memory_space<vmem>>
        %dma_start3A_71 = arith.constant 0 : i32
        %dma_start3A_72 = arith.constant 0 : i32
        %dma_start3A_73 = tpu.memref_slice %arg12[%dma_start3A_71, %dma_start3A_72] : memref<10240x64xf32, #tpu.memory_space<vmem_shared>> -> memref<10240x64xf32, #tpu.memory_space<vmem_shared>>
        tpu.enqueue_indirect_dma source(%arg7 : memref<80x64xf32, #tpu.memory_space<vmem>>) target(%dma_start3A_73 : memref<10240x64xf32, #tpu.memory_space<vmem_shared>>) offsets(%dma_start3A_70 : memref<80xi32, #tpu.memory_space<vmem>>) semaphore(%run_scoped3A_67 : memref<!tpu.dma_semaphore, #tpu.memory_space<semaphore_mem>>) {add = true}
        %dma_wait3A_74 = arith.constant 0 : i32
        %dma_wait3A_75 = tpu.memref_slice %arg6[%add3A_41, %dma_wait3A_74] : memref<125x80xi32, #tpu.memory_space<vmem>> -> memref<1x80xi32, #tpu.memory_space<vmem>>
        %dma_wait3A_76 = tpu.memref_squeeze %dma_wait3A_75 : memref<1x80xi32, #tpu.memory_space<vmem>> -> memref<80xi32, #tpu.memory_space<vmem>>
        %dma_wait3A_77 = arith.constant 0 : i32
        %dma_wait3A_78 = arith.constant 0 : i32
        %dma_wait3A_79 = tpu.memref_slice %arg12[%dma_wait3A_77, %dma_wait3A_78] : memref<10240x64xf32, #tpu.memory_space<vmem_shared>> -> memref<10240x64xf32, #tpu.memory_space<vmem_shared>>
        tpu.wait_indirect_dma semaphore(%run_scoped3A_67 : memref<!tpu.dma_semaphore, #tpu.memory_space<semaphore_mem>>) src(%arg7 : memref<80x64xf32, #tpu.memory_space<vmem>>) dst(%dma_wait3A_79 : memref<10240x64xf32, #tpu.memory_space<vmem_shared>>)
        tpu.yield
      }) : () -> ()
      %add3A_48 = arith.constant 2 : i32
      %add3A_49 = arith.addi %add3A_41, %add3A_48 : i32
      %lt3A = arith.constant 125 : i32
      %lt3A_50 = arith.cmpi slt, %add3A_49, %lt3A : i32
      %convert_element_type3A = arith.extui %lt3A_50 : i1 to i32
      %cond3A = arith.constant 0 : i32
      %cond3A_51 = arith.cmpi ne, %convert_element_type3A, %cond3A : i32
      scf.if %cond3A_51 {
        %add3A_67 = arith.constant 2 : i32
        %add3A_68 = arith.addi %add3A_41, %add3A_67 : i32
        %mul3A_69 = arith.constant 80 : i32
        %mul3A_70 = arith.muli %add3A_68, %mul3A_69 : i32
        %add3A_71 = arith.addi %mul3A_2, %mul3A_70 : i32
        %dma_start3A_72 = arith.constant 0 : i32
        %dma_start3A_73 = tpu.memref_slice %arg2[%add3A_71, %dma_start3A_72] : memref<320000x64xf32, #tpu.memory_space<hbm>> -> memref<80x64xf32, #tpu.memory_space<hbm>>
        %dma_start3A_74 = arith.constant 0 : i32
        %dma_start3A_75 = tpu.memref_slice %arg2[%add3A_71, %dma_start3A_74] : memref<320000x64xf32, #tpu.memory_space<hbm>> -> memref<80x64xf32, #tpu.memory_space<hbm>>
        tpu.enqueue_dma source(%dma_start3A_75 : memref<80x64xf32, #tpu.memory_space<hbm>>) target(%arg7 : memref<80x64xf32, #tpu.memory_space<vmem>>) target_semaphore(%arg14 : memref<!tpu.dma_semaphore, #tpu.memory_space<semaphore_mem>>)
      } else {
      }
      %add3A_52 = arith.constant 1 : i32
      %add3A_53 = arith.addi %add3A_39, %add3A_52 : i32
      %dma_wait3A_54 = arith.constant 0 : i32
      %dma_wait3A_55 = arith.constant 0 : i32
      %dma_wait3A_56 = tpu.memref_slice %arg2[%dma_wait3A_54, %dma_wait3A_55] : memref<320000x64xf32, #tpu.memory_space<hbm>> -> memref<80x64xf32, #tpu.memory_space<hbm>>
      %dma_wait3A_57 = arith.constant 0 : i32
      %dma_wait3A_58 = arith.constant 0 : i32
      %dma_wait3A_59 = tpu.memref_slice %arg2[%dma_wait3A_57, %dma_wait3A_58] : memref<320000x64xf32, #tpu.memory_space<hbm>> -> memref<80x64xf32, #tpu.memory_space<hbm>>
      tpu.wait_dma2 semaphore(%arg15 : memref<!tpu.dma_semaphore, #tpu.memory_space<semaphore_mem>>) src(%dma_wait3A_59 : memref<80x64xf32, #tpu.memory_space<hbm>>) dst(%arg8 : memref<80x64xf32, #tpu.memory_space<vmem>>)
      "tpu.region"() ({
        %run_scoped3A_67 = tpu.sem_alloc : memref<!tpu.dma_semaphore, #tpu.memory_space<semaphore_mem>>
        %dma_start3A_68 = arith.constant 0 : i32
        %dma_start3A_69 = tpu.memref_slice %arg6[%add3A_53, %dma_start3A_68] : memref<125x80xi32, #tpu.memory_space<vmem>> -> memref<1x80xi32, #tpu.memory_space<vmem>>
        %dma_start3A_70 = tpu.memref_squeeze %dma_start3A_69 : memref<1x80xi32, #tpu.memory_space<vmem>> -> memref<80xi32, #tpu.memory_space<vmem>>
        %dma_start3A_71 = arith.constant 0 : i32
        %dma_start3A_72 = arith.constant 0 : i32
        %dma_start3A_73 = tpu.memref_slice %arg12[%dma_start3A_71, %dma_start3A_72] : memref<10240x64xf32, #tpu.memory_space<vmem_shared>> -> memref<10240x64xf32, #tpu.memory_space<vmem_shared>>
        tpu.enqueue_indirect_dma source(%arg8 : memref<80x64xf32, #tpu.memory_space<vmem>>) target(%dma_start3A_73 : memref<10240x64xf32, #tpu.memory_space<vmem_shared>>) offsets(%dma_start3A_70 : memref<80xi32, #tpu.memory_space<vmem>>) semaphore(%run_scoped3A_67 : memref<!tpu.dma_semaphore, #tpu.memory_space<semaphore_mem>>) {add = true}
        %dma_wait3A_74 = arith.constant 0 : i32
        %dma_wait3A_75 = tpu.memref_slice %arg6[%add3A_53, %dma_wait3A_74] : memref<125x80xi32, #tpu.memory_space<vmem>> -> memref<1x80xi32, #tpu.memory_space<vmem>>
        %dma_wait3A_76 = tpu.memref_squeeze %dma_wait3A_75 : memref<1x80xi32, #tpu.memory_space<vmem>> -> memref<80xi32, #tpu.memory_space<vmem>>
        %dma_wait3A_77 = arith.constant 0 : i32
        %dma_wait3A_78 = arith.constant 0 : i32
        %dma_wait3A_79 = tpu.memref_slice %arg12[%dma_wait3A_77, %dma_wait3A_78] : memref<10240x64xf32, #tpu.memory_space<vmem_shared>> -> memref<10240x64xf32, #tpu.memory_space<vmem_shared>>
        tpu.wait_indirect_dma semaphore(%run_scoped3A_67 : memref<!tpu.dma_semaphore, #tpu.memory_space<semaphore_mem>>) src(%arg8 : memref<80x64xf32, #tpu.memory_space<vmem>>) dst(%dma_wait3A_79 : memref<10240x64xf32, #tpu.memory_space<vmem_shared>>)
        tpu.yield
      }) : () -> ()
      %add3A_60 = arith.constant 2 : i32
      %add3A_61 = arith.addi %add3A_53, %add3A_60 : i32
      %lt3A_62 = arith.constant 125 : i32
      %lt3A_63 = arith.cmpi slt, %add3A_61, %lt3A_62 : i32
      %convert_element_type3A_64 = arith.extui %lt3A_63 : i1 to i32
      %cond3A_65 = arith.constant 0 : i32
      %cond3A_66 = arith.cmpi ne, %convert_element_type3A_64, %cond3A_65 : i32
      scf.if %cond3A_66 {
        %add3A_67 = arith.constant 2 : i32
        %add3A_68 = arith.addi %add3A_53, %add3A_67 : i32
        %mul3A_69 = arith.constant 80 : i32
        %mul3A_70 = arith.muli %add3A_68, %mul3A_69 : i32
        %add3A_71 = arith.addi %mul3A_2, %mul3A_70 : i32
        %dma_start3A_72 = arith.constant 0 : i32
        %dma_start3A_73 = tpu.memref_slice %arg2[%add3A_71, %dma_start3A_72] : memref<320000x64xf32, #tpu.memory_space<hbm>> -> memref<80x64xf32, #tpu.memory_space<hbm>>
        %dma_start3A_74 = arith.constant 0 : i32
        %dma_start3A_75 = tpu.memref_slice %arg2[%add3A_71, %dma_start3A_74] : memref<320000x64xf32, #tpu.memory_space<hbm>> -> memref<80x64xf32, #tpu.memory_space<hbm>>
        tpu.enqueue_dma source(%dma_start3A_75 : memref<80x64xf32, #tpu.memory_space<hbm>>) target(%arg8 : memref<80x64xf32, #tpu.memory_space<vmem>>) target_semaphore(%arg15 : memref<!tpu.dma_semaphore, #tpu.memory_space<semaphore_mem>>)
      } else {
      }
    }
    %scan3A_26 = arith.constant 62 : i32
    %dma_wait3A = arith.constant 0 : i32
    %dma_wait3A_27 = arith.constant 0 : i32
    %dma_wait3A_28 = tpu.memref_slice %arg2[%dma_wait3A, %dma_wait3A_27] : memref<320000x64xf32, #tpu.memory_space<hbm>> -> memref<80x64xf32, #tpu.memory_space<hbm>>
    %dma_wait3A_29 = arith.constant 0 : i32
    %dma_wait3A_30 = arith.constant 0 : i32
    %dma_wait3A_31 = tpu.memref_slice %arg2[%dma_wait3A_29, %dma_wait3A_30] : memref<320000x64xf32, #tpu.memory_space<hbm>> -> memref<80x64xf32, #tpu.memory_space<hbm>>
    tpu.wait_dma2 semaphore(%arg14 : memref<!tpu.dma_semaphore, #tpu.memory_space<semaphore_mem>>) src(%dma_wait3A_31 : memref<80x64xf32, #tpu.memory_space<hbm>>) dst(%arg7 : memref<80x64xf32, #tpu.memory_space<vmem>>)
    %run_scoped3A = arith.constant 124 : i32
    "tpu.region"() ({
      %run_scoped3A_35 = tpu.sem_alloc : memref<!tpu.dma_semaphore, #tpu.memory_space<semaphore_mem>>
      %dma_start3A_36 = arith.constant 0 : i32
      %dma_start3A_37 = tpu.memref_slice %arg6[%run_scoped3A, %dma_start3A_36] : memref<125x80xi32, #tpu.memory_space<vmem>> -> memref<1x80xi32, #tpu.memory_space<vmem>>
      %dma_start3A_38 = tpu.memref_squeeze %dma_start3A_37 : memref<1x80xi32, #tpu.memory_space<vmem>> -> memref<80xi32, #tpu.memory_space<vmem>>
      %dma_start3A_39 = arith.constant 0 : i32
      %dma_start3A_40 = arith.constant 0 : i32
      %dma_start3A_41 = tpu.memref_slice %arg12[%dma_start3A_39, %dma_start3A_40] : memref<10240x64xf32, #tpu.memory_space<vmem_shared>> -> memref<10240x64xf32, #tpu.memory_space<vmem_shared>>
      tpu.enqueue_indirect_dma source(%arg7 : memref<80x64xf32, #tpu.memory_space<vmem>>) target(%dma_start3A_41 : memref<10240x64xf32, #tpu.memory_space<vmem_shared>>) offsets(%dma_start3A_38 : memref<80xi32, #tpu.memory_space<vmem>>) semaphore(%run_scoped3A_35 : memref<!tpu.dma_semaphore, #tpu.memory_space<semaphore_mem>>) {add = true}
      %dma_wait3A_42 = arith.constant 0 : i32
      %dma_wait3A_43 = tpu.memref_slice %arg6[%run_scoped3A, %dma_wait3A_42] : memref<125x80xi32, #tpu.memory_space<vmem>> -> memref<1x80xi32, #tpu.memory_space<vmem>>
      %dma_wait3A_44 = tpu.memref_squeeze %dma_wait3A_43 : memref<1x80xi32, #tpu.memory_space<vmem>> -> memref<80xi32, #tpu.memory_space<vmem>>
      %dma_wait3A_45 = arith.constant 0 : i32
      %dma_wait3A_46 = arith.constant 0 : i32
      %dma_wait3A_47 = tpu.memref_slice %arg12[%dma_wait3A_45, %dma_wait3A_46] : memref<10240x64xf32, #tpu.memory_space<vmem_shared>> -> memref<10240x64xf32, #tpu.memory_space<vmem_shared>>
      tpu.wait_indirect_dma semaphore(%run_scoped3A_35 : memref<!tpu.dma_semaphore, #tpu.memory_space<semaphore_mem>>) src(%arg7 : memref<80x64xf32, #tpu.memory_space<vmem>>) dst(%dma_wait3A_47 : memref<10240x64xf32, #tpu.memory_space<vmem_shared>>)
      tpu.yield
    }) : () -> ()
    %barrier3A_32 = arith.constant 0 : index
    tpu.barrier barrier_id(%barrier3A_32)
    %mul3A_33 = arith.constant 640 : i32
    %mul3A_34 = arith.muli %arg1, %mul3A_33 : i32
    "tpu.region"() ({
      %run_scoped3A_35 = tpu.sem_alloc : memref<!tpu.dma_semaphore, #tpu.memory_space<semaphore_mem>>
      %dma_start3A_36 = arith.constant 0 : i32
      %dma_start3A_37 = tpu.memref_slice %arg12[%mul3A_34, %dma_start3A_36] : memref<10240x64xf32, #tpu.memory_space<vmem_shared>> -> memref<640x64xf32, #tpu.memory_space<vmem_shared>>
      %dma_start3A_38 = arith.constant 0 : i32
      %dma_start3A_39 = tpu.memref_slice %arg12[%mul3A_34, %dma_start3A_38] : memref<10240x64xf32, #tpu.memory_space<vmem_shared>> -> memref<640x64xf32, #tpu.memory_space<vmem_shared>>
      tpu.enqueue_dma source(%dma_start3A_39 : memref<640x64xf32, #tpu.memory_space<vmem_shared>>) target(%arg9 : memref<640x64xf32, #tpu.memory_space<vmem>>) target_semaphore(%run_scoped3A_35 : memref<!tpu.dma_semaphore, #tpu.memory_space<semaphore_mem>>)
      %dma_wait3A_40 = arith.constant 0 : i32
      %dma_wait3A_41 = tpu.memref_slice %arg12[%mul3A_34, %dma_wait3A_40] : memref<10240x64xf32, #tpu.memory_space<vmem_shared>> -> memref<640x64xf32, #tpu.memory_space<vmem_shared>>
      %dma_wait3A_42 = arith.constant 0 : i32
      %dma_wait3A_43 = tpu.memref_slice %arg12[%mul3A_34, %dma_wait3A_42] : memref<10240x64xf32, #tpu.memory_space<vmem_shared>> -> memref<640x64xf32, #tpu.memory_space<vmem_shared>>
      tpu.wait_dma2 semaphore(%run_scoped3A_35 : memref<!tpu.dma_semaphore, #tpu.memory_space<semaphore_mem>>) src(%dma_wait3A_43 : memref<640x64xf32, #tpu.memory_space<vmem_shared>>) dst(%arg9 : memref<640x64xf32, #tpu.memory_space<vmem>>)
      tpu.yield
    }) : () -> ()
    "tpu.region"() ({
      %run_scoped3A_35 = tpu.sem_alloc : memref<!tpu.dma_semaphore, #tpu.memory_space<semaphore_mem>>
      %dma_start3A_36 = arith.constant 0 : i32
      %dma_start3A_37 = tpu.memref_slice %arg4[%arg0, %mul3A_34, %dma_start3A_36] : memref<2x10240x64xf32, #tpu.memory_space<hbm>> -> memref<1x640x64xf32, #tpu.memory_space<hbm>>
      %dma_start3A_38 = tpu.memref_squeeze %dma_start3A_37 : memref<1x640x64xf32, #tpu.memory_space<hbm>> -> memref<640x64xf32, #tpu.memory_space<hbm>>
      %dma_start3A_39 = arith.constant 0 : i32
      %dma_start3A_40 = tpu.memref_slice %arg4[%arg0, %mul3A_34, %dma_start3A_39] : memref<2x10240x64xf32, #tpu.memory_space<hbm>> -> memref<1x640x64xf32, #tpu.memory_space<hbm>>
      %dma_start3A_41 = tpu.memref_squeeze %dma_start3A_40 : memref<1x640x64xf32, #tpu.memory_space<hbm>> -> memref<640x64xf32, #tpu.memory_space<hbm>>
      tpu.enqueue_dma source(%arg9 : memref<640x64xf32, #tpu.memory_space<vmem>>) target(%dma_start3A_41 : memref<640x64xf32, #tpu.memory_space<hbm>>) target_semaphore(%run_scoped3A_35 : memref<!tpu.dma_semaphore, #tpu.memory_space<semaphore_mem>>)
      %dma_wait3A_42 = arith.constant 0 : i32
      %dma_wait3A_43 = tpu.memref_slice %arg4[%arg0, %mul3A_34, %dma_wait3A_42] : memref<2x10240x64xf32, #tpu.memory_space<hbm>> -> memref<1x640x64xf32, #tpu.memory_space<hbm>>
      %dma_wait3A_44 = tpu.memref_squeeze %dma_wait3A_43 : memref<1x640x64xf32, #tpu.memory_space<hbm>> -> memref<640x64xf32, #tpu.memory_space<hbm>>
      %dma_wait3A_45 = arith.constant 0 : i32
      %dma_wait3A_46 = tpu.memref_slice %arg4[%arg0, %mul3A_34, %dma_wait3A_45] : memref<2x10240x64xf32, #tpu.memory_space<hbm>> -> memref<1x640x64xf32, #tpu.memory_space<hbm>>
      %dma_wait3A_47 = tpu.memref_squeeze %dma_wait3A_46 : memref<1x640x64xf32, #tpu.memory_space<hbm>> -> memref<640x64xf32, #tpu.memory_space<hbm>>
      tpu.wait_dma2 semaphore(%run_scoped3A_35 : memref<!tpu.dma_semaphore, #tpu.memory_space<semaphore_mem>>) src(%arg9 : memref<640x64xf32, #tpu.memory_space<vmem>>) dst(%dma_wait3A_47 : memref<640x64xf32, #tpu.memory_space<hbm>>)
      tpu.yield
    }) : () -> ()
    return
  }
}

#map = affine_map<(d0, d1) -> (0, 0)>
#map1 = affine_map<(d0, d1) -> (0, 0, 0)>
module attributes {stable_mosaic.version = 14 : i64} {
  func.func @_scatter_body(%arg0: i32, %arg1: i32, %arg2: memref<320000x64xf32, #tpu.memory_space<hbm>>, %arg3: memref<32x125x80xi32, #tpu.memory_space<hbm>>, %arg4: memref<2x10240x64xf32, #tpu.memory_space<hbm>>, %arg5: memref<2x10240x16xf32, #tpu.memory_space<hbm>>, %arg6: memref<125x80xi32, #tpu.memory_space<vmem>>, %arg7: memref<80x64xf32, #tpu.memory_space<vmem>>, %arg8: memref<80x64xf32, #tpu.memory_space<vmem>>, %arg9: memref<640x64xf32, #tpu.memory_space<vmem>>, %arg10: memref<80x16xf32, #tpu.memory_space<vmem>>, %arg11: memref<640x16xf32, #tpu.memory_space<vmem>>, %arg12: memref<10240x64xf32, #tpu.memory_space<vmem_shared>>, %arg13: memref<10240x16xf32, #tpu.memory_space<vmem_shared>>, %arg14: memref<!tpu.dma_semaphore, #tpu.memory_space<semaphore_mem>>, %arg15: memref<!tpu.dma_semaphore, #tpu.memory_space<semaphore_mem>>) attributes {dimension_semantics = [#tpu.dimension_semantics<core_parallel>, #tpu.dimension_semantics<subcore_parallel>], iteration_bounds = array<i64: 2, 16>, scalar_prefetch = 0 : i64, scratch_operands = 10 : i64, tpu.core_type = #tpu.core_type<sc_vector_subcore>, window_params = [{transform_indices = #map}, {transform_indices = #map1}, {transform_indices = #map1}, {transform_indices = #map1}]} {
    %mul3A = arith.constant 2 : i32
    %mul3A_0 = arith.muli %arg1, %mul3A : i32
    %add3A = arith.addi %mul3A_0, %arg0 : i32
    %mul3A_1 = arith.constant 10000 : i32
    %mul3A_2 = arith.muli %add3A, %mul3A_1 : i32
    %broadcast_in_dim3A = arith.constant 0.000000e+00 : f32
    %broadcast_in_dim3A_3 = vector.broadcast %broadcast_in_dim3A : f32 to vector<16xf32>
    %scan3A = arith.constant 0 : i32
    %scan3A_4 = arith.constant 0 : i32
    %scan3A_5 = arith.constant 640 : i32
    %scan3A_6 = arith.addi %scan3A_4, %scan3A_5 : i32
    %scan3A_7 = arith.constant 1 : i32
    scf.for %scan3A_52 = %scan3A_4 to %scan3A_6 step %scan3A_7  : i32 {
      %swap3A = arith.index_cast %scan3A_52 : i32 to index
      %swap3A_53 = arith.constant 0 : index
      %swap3A_54 = tpu.vector_load %arg9[%swap3A, %swap3A_53] {strides = array<i32>} : memref<640x64xf32, #tpu.memory_space<vmem>>, vector<1x16xf32>,
      %swap3A_55 = vector.shape_cast %swap3A_54 : vector<1x16xf32> to vector<16xf32>
      %swap3A_56 = vector.shape_cast %broadcast_in_dim3A_3 : vector<16xf32> to vector<1x16xf32>
      tpu.vector_store %arg9[%swap3A, %swap3A_53], %swap3A_56 {strides = array<i32>} : memref<640x64xf32, #tpu.memory_space<vmem>>, vector<1x16xf32>,
      %swap3A_57 = arith.index_cast %scan3A_52 : i32 to index
      %swap3A_58 = arith.constant 16 : index
      %swap3A_59 = tpu.vector_load %arg9[%swap3A_57, %swap3A_58] {strides = array<i32>} : memref<640x64xf32, #tpu.memory_space<vmem>>, vector<1x16xf32>,
      %swap3A_60 = vector.shape_cast %swap3A_59 : vector<1x16xf32> to vector<16xf32>
      %swap3A_61 = vector.shape_cast %broadcast_in_dim3A_3 : vector<16xf32> to vector<1x16xf32>
      tpu.vector_store %arg9[%swap3A_57, %swap3A_58], %swap3A_61 {strides = array<i32>} : memref<640x64xf32, #tpu.memory_space<vmem>>, vector<1x16xf32>,
      %swap3A_62 = arith.index_cast %scan3A_52 : i32 to index
      %swap3A_63 = arith.constant 32 : index
      %swap3A_64 = tpu.vector_load %arg9[%swap3A_62, %swap3A_63] {strides = array<i32>} : memref<640x64xf32, #tpu.memory_space<vmem>>, vector<1x16xf32>,
      %swap3A_65 = vector.shape_cast %swap3A_64 : vector<1x16xf32> to vector<16xf32>
      %swap3A_66 = vector.shape_cast %broadcast_in_dim3A_3 : vector<16xf32> to vector<1x16xf32>
      tpu.vector_store %arg9[%swap3A_62, %swap3A_63], %swap3A_66 {strides = array<i32>} : memref<640x64xf32, #tpu.memory_space<vmem>>, vector<1x16xf32>,
      %swap3A_67 = arith.index_cast %scan3A_52 : i32 to index
      %swap3A_68 = arith.constant 48 : index
      %swap3A_69 = tpu.vector_load %arg9[%swap3A_67, %swap3A_68] {strides = array<i32>} : memref<640x64xf32, #tpu.memory_space<vmem>>, vector<1x16xf32>,
      %swap3A_70 = vector.shape_cast %swap3A_69 : vector<1x16xf32> to vector<16xf32>
      %swap3A_71 = vector.shape_cast %broadcast_in_dim3A_3 : vector<16xf32> to vector<1x16xf32>
      tpu.vector_store %arg9[%swap3A_67, %swap3A_68], %swap3A_71 {strides = array<i32>} : memref<640x64xf32, #tpu.memory_space<vmem>>, vector<1x16xf32>,
    }
    %scan3A_8 = arith.constant 640 : i32
    %mul3A_9 = arith.constant 640 : i32
    %mul3A_10 = arith.muli %arg1, %mul3A_9 : i32
    "tpu.region"() ({
      %run_scoped3A_52 = tpu.sem_alloc : memref<!tpu.dma_semaphore, #tpu.memory_space<semaphore_mem>>
      %dma_start3A_53 = arith.constant 0 : i32
      %dma_start3A_54 = tpu.memref_slice %arg12[%mul3A_10, %dma_start3A_53] : memref<10240x64xf32, #tpu.memory_space<vmem_shared>> -> memref<640x64xf32, #tpu.memory_space<vmem_shared>>
      %dma_start3A_55 = arith.constant 0 : i32
      %dma_start3A_56 = tpu.memref_slice %arg12[%mul3A_10, %dma_start3A_55] : memref<10240x64xf32, #tpu.memory_space<vmem_shared>> -> memref<640x64xf32, #tpu.memory_space<vmem_shared>>
      tpu.enqueue_dma source(%arg9 : memref<640x64xf32, #tpu.memory_space<vmem>>) target(%dma_start3A_56 : memref<640x64xf32, #tpu.memory_space<vmem_shared>>) target_semaphore(%run_scoped3A_52 : memref<!tpu.dma_semaphore, #tpu.memory_space<semaphore_mem>>)
      %dma_wait3A_57 = arith.constant 0 : i32
      %dma_wait3A_58 = tpu.memref_slice %arg12[%mul3A_10, %dma_wait3A_57] : memref<10240x64xf32, #tpu.memory_space<vmem_shared>> -> memref<640x64xf32, #tpu.memory_space<vmem_shared>>
      %dma_wait3A_59 = arith.constant 0 : i32
      %dma_wait3A_60 = tpu.memref_slice %arg12[%mul3A_10, %dma_wait3A_59] : memref<10240x64xf32, #tpu.memory_space<vmem_shared>> -> memref<640x64xf32, #tpu.memory_space<vmem_shared>>
      tpu.wait_dma2 semaphore(%run_scoped3A_52 : memref<!tpu.dma_semaphore, #tpu.memory_space<semaphore_mem>>) src(%arg9 : memref<640x64xf32, #tpu.memory_space<vmem>>) dst(%dma_wait3A_60 : memref<640x64xf32, #tpu.memory_space<vmem_shared>>)
      tpu.yield
    }) : () -> ()
    %broadcast_in_dim3A_11 = arith.constant 1.000000e+00 : f32
    %broadcast_in_dim3A_12 = vector.broadcast %broadcast_in_dim3A_11 : f32 to vector<16xf32>
    %scan3A_13 = arith.constant 0 : i32
    %scan3A_14 = arith.constant 0 : i32
    %scan3A_15 = arith.constant 80 : i32
    %scan3A_16 = arith.addi %scan3A_14, %scan3A_15 : i32
    %scan3A_17 = arith.constant 1 : i32
    scf.for %scan3A_52 = %scan3A_14 to %scan3A_16 step %scan3A_17  : i32 {
      %swap3A = arith.index_cast %scan3A_52 : i32 to index
      %swap3A_53 = arith.constant 0 : index
      %swap3A_54 = tpu.vector_load %arg10[%swap3A, %swap3A_53] {strides = array<i32>} : memref<80x16xf32, #tpu.memory_space<vmem>>, vector<1x16xf32>,
      %swap3A_55 = vector.shape_cast %swap3A_54 : vector<1x16xf32> to vector<16xf32>
      %swap3A_56 = vector.shape_cast %broadcast_in_dim3A_12 : vector<16xf32> to vector<1x16xf32>
      tpu.vector_store %arg10[%swap3A, %swap3A_53], %swap3A_56 {strides = array<i32>} : memref<80x16xf32, #tpu.memory_space<vmem>>, vector<1x16xf32>,
    }
    %scan3A_18 = arith.constant 80 : i32
    %scan3A_19 = arith.constant 0 : i32
    %scan3A_20 = arith.constant 0 : i32
    %scan3A_21 = arith.constant 640 : i32
    %scan3A_22 = arith.addi %scan3A_20, %scan3A_21 : i32
    %scan3A_23 = arith.constant 1 : i32
    scf.for %scan3A_52 = %scan3A_20 to %scan3A_22 step %scan3A_23  : i32 {
      %swap3A = arith.index_cast %scan3A_52 : i32 to index
      %swap3A_53 = arith.constant 0 : index
      %swap3A_54 = tpu.vector_load %arg11[%swap3A, %swap3A_53] {strides = array<i32>} : memref<640x16xf32, #tpu.memory_space<vmem>>, vector<1x16xf32>,
      %swap3A_55 = vector.shape_cast %swap3A_54 : vector<1x16xf32> to vector<16xf32>
      %swap3A_56 = vector.shape_cast %broadcast_in_dim3A_3 : vector<16xf32> to vector<1x16xf32>
      tpu.vector_store %arg11[%swap3A, %swap3A_53], %swap3A_56 {strides = array<i32>} : memref<640x16xf32, #tpu.memory_space<vmem>>, vector<1x16xf32>,
    }
    %scan3A_24 = arith.constant 640 : i32
    %mul3A_25 = arith.constant 640 : i32
    %mul3A_26 = arith.muli %arg1, %mul3A_25 : i32
    "tpu.region"() ({
      %run_scoped3A_52 = tpu.sem_alloc : memref<!tpu.dma_semaphore, #tpu.memory_space<semaphore_mem>>
      %dma_start3A_53 = arith.constant 0 : i32
      %dma_start3A_54 = tpu.memref_slice %arg13[%mul3A_26, %dma_start3A_53] : memref<10240x16xf32, #tpu.memory_space<vmem_shared>> -> memref<640x16xf32, #tpu.memory_space<vmem_shared>>
      %dma_start3A_55 = arith.constant 0 : i32
      %dma_start3A_56 = tpu.memref_slice %arg13[%mul3A_26, %dma_start3A_55] : memref<10240x16xf32, #tpu.memory_space<vmem_shared>> -> memref<640x16xf32, #tpu.memory_space<vmem_shared>>
      tpu.enqueue_dma source(%arg11 : memref<640x16xf32, #tpu.memory_space<vmem>>) target(%dma_start3A_56 : memref<640x16xf32, #tpu.memory_space<vmem_shared>>) target_semaphore(%run_scoped3A_52 : memref<!tpu.dma_semaphore, #tpu.memory_space<semaphore_mem>>)
      %dma_wait3A_57 = arith.constant 0 : i32
      %dma_wait3A_58 = tpu.memref_slice %arg13[%mul3A_26, %dma_wait3A_57] : memref<10240x16xf32, #tpu.memory_space<vmem_shared>> -> memref<640x16xf32, #tpu.memory_space<vmem_shared>>
      %dma_wait3A_59 = arith.constant 0 : i32
      %dma_wait3A_60 = tpu.memref_slice %arg13[%mul3A_26, %dma_wait3A_59] : memref<10240x16xf32, #tpu.memory_space<vmem_shared>> -> memref<640x16xf32, #tpu.memory_space<vmem_shared>>
      tpu.wait_dma2 semaphore(%run_scoped3A_52 : memref<!tpu.dma_semaphore, #tpu.memory_space<semaphore_mem>>) src(%arg11 : memref<640x16xf32, #tpu.memory_space<vmem>>) dst(%dma_wait3A_60 : memref<640x16xf32, #tpu.memory_space<vmem_shared>>)
      tpu.yield
    }) : () -> ()
    %barrier3A = arith.constant 0 : index
    tpu.barrier barrier_id(%barrier3A)
    "tpu.region"() ({
      %run_scoped3A_52 = tpu.sem_alloc : memref<!tpu.dma_semaphore, #tpu.memory_space<semaphore_mem>>
      %dma_start3A_53 = arith.constant 0 : i32
      %dma_start3A_54 = arith.constant 0 : i32
      %dma_start3A_55 = tpu.memref_slice %arg3[%add3A, %dma_start3A_53, %dma_start3A_54] : memref<32x125x80xi32, #tpu.memory_space<hbm>> -> memref<1x125x80xi32, #tpu.memory_space<hbm>>
      %dma_start3A_56 = tpu.memref_squeeze %dma_start3A_55 : memref<1x125x80xi32, #tpu.memory_space<hbm>> -> memref<125x80xi32, #tpu.memory_space<hbm>>
      %dma_start3A_57 = arith.constant 0 : i32
      %dma_start3A_58 = arith.constant 0 : i32
      %dma_start3A_59 = tpu.memref_slice %arg3[%add3A, %dma_start3A_57, %dma_start3A_58] : memref<32x125x80xi32, #tpu.memory_space<hbm>> -> memref<1x125x80xi32, #tpu.memory_space<hbm>>
      %dma_start3A_60 = tpu.memref_squeeze %dma_start3A_59 : memref<1x125x80xi32, #tpu.memory_space<hbm>> -> memref<125x80xi32, #tpu.memory_space<hbm>>
      tpu.enqueue_dma source(%dma_start3A_60 : memref<125x80xi32, #tpu.memory_space<hbm>>) target(%arg6 : memref<125x80xi32, #tpu.memory_space<vmem>>) target_semaphore(%run_scoped3A_52 : memref<!tpu.dma_semaphore, #tpu.memory_space<semaphore_mem>>)
      %dma_wait3A_61 = arith.constant 0 : i32
      %dma_wait3A_62 = arith.constant 0 : i32
      %dma_wait3A_63 = tpu.memref_slice %arg3[%add3A, %dma_wait3A_61, %dma_wait3A_62] : memref<32x125x80xi32, #tpu.memory_space<hbm>> -> memref<1x125x80xi32, #tpu.memory_space<hbm>>
      %dma_wait3A_64 = tpu.memref_squeeze %dma_wait3A_63 : memref<1x125x80xi32, #tpu.memory_space<hbm>> -> memref<125x80xi32, #tpu.memory_space<hbm>>
      %dma_wait3A_65 = arith.constant 0 : i32
      %dma_wait3A_66 = arith.constant 0 : i32
      %dma_wait3A_67 = tpu.memref_slice %arg3[%add3A, %dma_wait3A_65, %dma_wait3A_66] : memref<32x125x80xi32, #tpu.memory_space<hbm>> -> memref<1x125x80xi32, #tpu.memory_space<hbm>>
      %dma_wait3A_68 = tpu.memref_squeeze %dma_wait3A_67 : memref<1x125x80xi32, #tpu.memory_space<hbm>> -> memref<125x80xi32, #tpu.memory_space<hbm>>
      tpu.wait_dma2 semaphore(%run_scoped3A_52 : memref<!tpu.dma_semaphore, #tpu.memory_space<semaphore_mem>>) src(%dma_wait3A_68 : memref<125x80xi32, #tpu.memory_space<hbm>>) dst(%arg6 : memref<125x80xi32, #tpu.memory_space<vmem>>)
      tpu.yield
    }) : () -> ()
    %add3A_27 = arith.constant 0 : i32
    %add3A_28 = arith.addi %mul3A_2, %add3A_27 : i32
    %dma_start3A = arith.constant 0 : i32
    %dma_start3A_29 = tpu.memref_slice %arg2[%add3A_28, %dma_start3A] : memref<320000x64xf32, #tpu.memory_space<hbm>> -> memref<80x64xf32, #tpu.memory_space<hbm>>
    %dma_start3A_30 = arith.constant 0 : i32
    %dma_start3A_31 = tpu.memref_slice %arg2[%add3A_28, %dma_start3A_30] : memref<320000x64xf32, #tpu.memory_space<hbm>> -> memref<80x64xf32, #tpu.memory_space<hbm>>
    tpu.enqueue_dma source(%dma_start3A_31 : memref<80x64xf32, #tpu.memory_space<hbm>>) target(%arg7 : memref<80x64xf32, #tpu.memory_space<vmem>>) target_semaphore(%arg14 : memref<!tpu.dma_semaphore, #tpu.memory_space<semaphore_mem>>)
    %add3A_32 = arith.constant 80 : i32
    %add3A_33 = arith.addi %mul3A_2, %add3A_32 : i32
    %dma_start3A_34 = arith.constant 0 : i32
    %dma_start3A_35 = tpu.memref_slice %arg2[%add3A_33, %dma_start3A_34] : memref<320000x64xf32, #tpu.memory_space<hbm>> -> memref<80x64xf32, #tpu.memory_space<hbm>>
    %dma_start3A_36 = arith.constant 0 : i32
    %dma_start3A_37 = tpu.memref_slice %arg2[%add3A_33, %dma_start3A_36] : memref<320000x64xf32, #tpu.memory_space<hbm>> -> memref<80x64xf32, #tpu.memory_space<hbm>>
    tpu.enqueue_dma source(%dma_start3A_37 : memref<80x64xf32, #tpu.memory_space<hbm>>) target(%arg8 : memref<80x64xf32, #tpu.memory_space<vmem>>) target_semaphore(%arg15 : memref<!tpu.dma_semaphore, #tpu.memory_space<semaphore_mem>>)
    %scan3A_38 = arith.constant 0 : i32
    %scan3A_39 = arith.constant 62 : i32
    %scan3A_40 = arith.addi %scan3A_38, %scan3A_39 : i32
    %scan3A_41 = arith.constant 1 : i32
    scf.for %scan3A_52 = %scan3A_38 to %scan3A_40 step %scan3A_41  : i32 {
      %mul3A_53 = arith.constant 2 : i32
      %mul3A_54 = arith.muli %scan3A_52, %mul3A_53 : i32
      %add3A_55 = arith.constant 0 : i32
      %add3A_56 = arith.addi %add3A_55, %mul3A_54 : i32
      %add3A_57 = arith.constant 0 : i32
      %add3A_58 = arith.addi %add3A_56, %add3A_57 : i32
      %dma_wait3A_59 = arith.constant 0 : i32
      %dma_wait3A_60 = arith.constant 0 : i32
      %dma_wait3A_61 = tpu.memref_slice %arg2[%dma_wait3A_59, %dma_wait3A_60] : memref<320000x64xf32, #tpu.memory_space<hbm>> -> memref<80x64xf32, #tpu.memory_space<hbm>>
      %dma_wait3A_62 = arith.constant 0 : i32
      %dma_wait3A_63 = arith.constant 0 : i32
      %dma_wait3A_64 = tpu.memref_slice %arg2[%dma_wait3A_62, %dma_wait3A_63] : memref<320000x64xf32, #tpu.memory_space<hbm>> -> memref<80x64xf32, #tpu.memory_space<hbm>>
      tpu.wait_dma2 semaphore(%arg14 : memref<!tpu.dma_semaphore, #tpu.memory_space<semaphore_mem>>) src(%dma_wait3A_64 : memref<80x64xf32, #tpu.memory_space<hbm>>) dst(%arg7 : memref<80x64xf32, #tpu.memory_space<vmem>>)
      "tpu.region"() ({
        %run_scoped3A_84 = tpu.sem_alloc : memref<!tpu.dma_semaphore, #tpu.memory_space<semaphore_mem>>
        %dma_start3A_85 = arith.constant 0 : i32
        %dma_start3A_86 = tpu.memref_slice %arg6[%add3A_58, %dma_start3A_85] : memref<125x80xi32, #tpu.memory_space<vmem>> -> memref<1x80xi32, #tpu.memory_space<vmem>>
        %dma_start3A_87 = tpu.memref_squeeze %dma_start3A_86 : memref<1x80xi32, #tpu.memory_space<vmem>> -> memref<80xi32, #tpu.memory_space<vmem>>
        %dma_start3A_88 = arith.constant 0 : i32
        %dma_start3A_89 = arith.constant 0 : i32
        %dma_start3A_90 = tpu.memref_slice %arg12[%dma_start3A_88, %dma_start3A_89] : memref<10240x64xf32, #tpu.memory_space<vmem_shared>> -> memref<10240x64xf32, #tpu.memory_space<vmem_shared>>
        tpu.enqueue_indirect_dma source(%arg7 : memref<80x64xf32, #tpu.memory_space<vmem>>) target(%dma_start3A_90 : memref<10240x64xf32, #tpu.memory_space<vmem_shared>>) offsets(%dma_start3A_87 : memref<80xi32, #tpu.memory_space<vmem>>) semaphore(%run_scoped3A_84 : memref<!tpu.dma_semaphore, #tpu.memory_space<semaphore_mem>>) {add = true}
        %dma_wait3A_91 = arith.constant 0 : i32
        %dma_wait3A_92 = tpu.memref_slice %arg6[%add3A_58, %dma_wait3A_91] : memref<125x80xi32, #tpu.memory_space<vmem>> -> memref<1x80xi32, #tpu.memory_space<vmem>>
        %dma_wait3A_93 = tpu.memref_squeeze %dma_wait3A_92 : memref<1x80xi32, #tpu.memory_space<vmem>> -> memref<80xi32, #tpu.memory_space<vmem>>
        %dma_wait3A_94 = arith.constant 0 : i32
        %dma_wait3A_95 = arith.constant 0 : i32
        %dma_wait3A_96 = tpu.memref_slice %arg12[%dma_wait3A_94, %dma_wait3A_95] : memref<10240x64xf32, #tpu.memory_space<vmem_shared>> -> memref<10240x64xf32, #tpu.memory_space<vmem_shared>>
        tpu.wait_indirect_dma semaphore(%run_scoped3A_84 : memref<!tpu.dma_semaphore, #tpu.memory_space<semaphore_mem>>) src(%arg7 : memref<80x64xf32, #tpu.memory_space<vmem>>) dst(%dma_wait3A_96 : memref<10240x64xf32, #tpu.memory_space<vmem_shared>>)
        tpu.yield
      }) : () -> ()
      "tpu.region"() ({
        %run_scoped3A_84 = tpu.sem_alloc : memref<!tpu.dma_semaphore, #tpu.memory_space<semaphore_mem>>
        %dma_start3A_85 = arith.constant 0 : i32
        %dma_start3A_86 = tpu.memref_slice %arg6[%add3A_58, %dma_start3A_85] : memref<125x80xi32, #tpu.memory_space<vmem>> -> memref<1x80xi32, #tpu.memory_space<vmem>>
        %dma_start3A_87 = tpu.memref_squeeze %dma_start3A_86 : memref<1x80xi32, #tpu.memory_space<vmem>> -> memref<80xi32, #tpu.memory_space<vmem>>
        %dma_start3A_88 = arith.constant 0 : i32
        %dma_start3A_89 = arith.constant 0 : i32
        %dma_start3A_90 = tpu.memref_slice %arg13[%dma_start3A_88, %dma_start3A_89] : memref<10240x16xf32, #tpu.memory_space<vmem_shared>> -> memref<10240x16xf32, #tpu.memory_space<vmem_shared>>
        tpu.enqueue_indirect_dma source(%arg10 : memref<80x16xf32, #tpu.memory_space<vmem>>) target(%dma_start3A_90 : memref<10240x16xf32, #tpu.memory_space<vmem_shared>>) offsets(%dma_start3A_87 : memref<80xi32, #tpu.memory_space<vmem>>) semaphore(%run_scoped3A_84 : memref<!tpu.dma_semaphore, #tpu.memory_space<semaphore_mem>>) {add = true}
        %dma_wait3A_91 = arith.constant 0 : i32
        %dma_wait3A_92 = tpu.memref_slice %arg6[%add3A_58, %dma_wait3A_91] : memref<125x80xi32, #tpu.memory_space<vmem>> -> memref<1x80xi32, #tpu.memory_space<vmem>>
        %dma_wait3A_93 = tpu.memref_squeeze %dma_wait3A_92 : memref<1x80xi32, #tpu.memory_space<vmem>> -> memref<80xi32, #tpu.memory_space<vmem>>
        %dma_wait3A_94 = arith.constant 0 : i32
        %dma_wait3A_95 = arith.constant 0 : i32
        %dma_wait3A_96 = tpu.memref_slice %arg13[%dma_wait3A_94, %dma_wait3A_95] : memref<10240x16xf32, #tpu.memory_space<vmem_shared>> -> memref<10240x16xf32, #tpu.memory_space<vmem_shared>>
        tpu.wait_indirect_dma semaphore(%run_scoped3A_84 : memref<!tpu.dma_semaphore, #tpu.memory_space<semaphore_mem>>) src(%arg10 : memref<80x16xf32, #tpu.memory_space<vmem>>) dst(%dma_wait3A_96 : memref<10240x16xf32, #tpu.memory_space<vmem_shared>>)
        tpu.yield
      }) : () -> ()
      %add3A_65 = arith.constant 2 : i32
      %add3A_66 = arith.addi %add3A_58, %add3A_65 : i32
      %lt3A = arith.constant 125 : i32
      %lt3A_67 = arith.cmpi slt, %add3A_66, %lt3A : i32
      %convert_element_type3A = arith.extui %lt3A_67 : i1 to i32
      %cond3A = arith.constant 0 : i32
      %cond3A_68 = arith.cmpi ne, %convert_element_type3A, %cond3A : i32
      scf.if %cond3A_68 {
        %add3A_84 = arith.constant 2 : i32
        %add3A_85 = arith.addi %add3A_58, %add3A_84 : i32
        %mul3A_86 = arith.constant 80 : i32
        %mul3A_87 = arith.muli %add3A_85, %mul3A_86 : i32
        %add3A_88 = arith.addi %mul3A_2, %mul3A_87 : i32
        %dma_start3A_89 = arith.constant 0 : i32
        %dma_start3A_90 = tpu.memref_slice %arg2[%add3A_88, %dma_start3A_89] : memref<320000x64xf32, #tpu.memory_space<hbm>> -> memref<80x64xf32, #tpu.memory_space<hbm>>
        %dma_start3A_91 = arith.constant 0 : i32
        %dma_start3A_92 = tpu.memref_slice %arg2[%add3A_88, %dma_start3A_91] : memref<320000x64xf32, #tpu.memory_space<hbm>> -> memref<80x64xf32, #tpu.memory_space<hbm>>
        tpu.enqueue_dma source(%dma_start3A_92 : memref<80x64xf32, #tpu.memory_space<hbm>>) target(%arg7 : memref<80x64xf32, #tpu.memory_space<vmem>>) target_semaphore(%arg14 : memref<!tpu.dma_semaphore, #tpu.memory_space<semaphore_mem>>)
      } else {
      }
      %add3A_69 = arith.constant 1 : i32
      %add3A_70 = arith.addi %add3A_56, %add3A_69 : i32
      %dma_wait3A_71 = arith.constant 0 : i32
      %dma_wait3A_72 = arith.constant 0 : i32
      %dma_wait3A_73 = tpu.memref_slice %arg2[%dma_wait3A_71, %dma_wait3A_72] : memref<320000x64xf32, #tpu.memory_space<hbm>> -> memref<80x64xf32, #tpu.memory_space<hbm>>
      %dma_wait3A_74 = arith.constant 0 : i32
      %dma_wait3A_75 = arith.constant 0 : i32
      %dma_wait3A_76 = tpu.memref_slice %arg2[%dma_wait3A_74, %dma_wait3A_75] : memref<320000x64xf32, #tpu.memory_space<hbm>> -> memref<80x64xf32, #tpu.memory_space<hbm>>
      tpu.wait_dma2 semaphore(%arg15 : memref<!tpu.dma_semaphore, #tpu.memory_space<semaphore_mem>>) src(%dma_wait3A_76 : memref<80x64xf32, #tpu.memory_space<hbm>>) dst(%arg8 : memref<80x64xf32, #tpu.memory_space<vmem>>)
      "tpu.region"() ({
        %run_scoped3A_84 = tpu.sem_alloc : memref<!tpu.dma_semaphore, #tpu.memory_space<semaphore_mem>>
        %dma_start3A_85 = arith.constant 0 : i32
        %dma_start3A_86 = tpu.memref_slice %arg6[%add3A_70, %dma_start3A_85] : memref<125x80xi32, #tpu.memory_space<vmem>> -> memref<1x80xi32, #tpu.memory_space<vmem>>
        %dma_start3A_87 = tpu.memref_squeeze %dma_start3A_86 : memref<1x80xi32, #tpu.memory_space<vmem>> -> memref<80xi32, #tpu.memory_space<vmem>>
        %dma_start3A_88 = arith.constant 0 : i32
        %dma_start3A_89 = arith.constant 0 : i32
        %dma_start3A_90 = tpu.memref_slice %arg12[%dma_start3A_88, %dma_start3A_89] : memref<10240x64xf32, #tpu.memory_space<vmem_shared>> -> memref<10240x64xf32, #tpu.memory_space<vmem_shared>>
        tpu.enqueue_indirect_dma source(%arg8 : memref<80x64xf32, #tpu.memory_space<vmem>>) target(%dma_start3A_90 : memref<10240x64xf32, #tpu.memory_space<vmem_shared>>) offsets(%dma_start3A_87 : memref<80xi32, #tpu.memory_space<vmem>>) semaphore(%run_scoped3A_84 : memref<!tpu.dma_semaphore, #tpu.memory_space<semaphore_mem>>) {add = true}
        %dma_wait3A_91 = arith.constant 0 : i32
        %dma_wait3A_92 = tpu.memref_slice %arg6[%add3A_70, %dma_wait3A_91] : memref<125x80xi32, #tpu.memory_space<vmem>> -> memref<1x80xi32, #tpu.memory_space<vmem>>
        %dma_wait3A_93 = tpu.memref_squeeze %dma_wait3A_92 : memref<1x80xi32, #tpu.memory_space<vmem>> -> memref<80xi32, #tpu.memory_space<vmem>>
        %dma_wait3A_94 = arith.constant 0 : i32
        %dma_wait3A_95 = arith.constant 0 : i32
        %dma_wait3A_96 = tpu.memref_slice %arg12[%dma_wait3A_94, %dma_wait3A_95] : memref<10240x64xf32, #tpu.memory_space<vmem_shared>> -> memref<10240x64xf32, #tpu.memory_space<vmem_shared>>
        tpu.wait_indirect_dma semaphore(%run_scoped3A_84 : memref<!tpu.dma_semaphore, #tpu.memory_space<semaphore_mem>>) src(%arg8 : memref<80x64xf32, #tpu.memory_space<vmem>>) dst(%dma_wait3A_96 : memref<10240x64xf32, #tpu.memory_space<vmem_shared>>)
        tpu.yield
      }) : () -> ()
      "tpu.region"() ({
        %run_scoped3A_84 = tpu.sem_alloc : memref<!tpu.dma_semaphore, #tpu.memory_space<semaphore_mem>>
        %dma_start3A_85 = arith.constant 0 : i32
        %dma_start3A_86 = tpu.memref_slice %arg6[%add3A_70, %dma_start3A_85] : memref<125x80xi32, #tpu.memory_space<vmem>> -> memref<1x80xi32, #tpu.memory_space<vmem>>
        %dma_start3A_87 = tpu.memref_squeeze %dma_start3A_86 : memref<1x80xi32, #tpu.memory_space<vmem>> -> memref<80xi32, #tpu.memory_space<vmem>>
        %dma_start3A_88 = arith.constant 0 : i32
        %dma_start3A_89 = arith.constant 0 : i32
        %dma_start3A_90 = tpu.memref_slice %arg13[%dma_start3A_88, %dma_start3A_89] : memref<10240x16xf32, #tpu.memory_space<vmem_shared>> -> memref<10240x16xf32, #tpu.memory_space<vmem_shared>>
        tpu.enqueue_indirect_dma source(%arg10 : memref<80x16xf32, #tpu.memory_space<vmem>>) target(%dma_start3A_90 : memref<10240x16xf32, #tpu.memory_space<vmem_shared>>) offsets(%dma_start3A_87 : memref<80xi32, #tpu.memory_space<vmem>>) semaphore(%run_scoped3A_84 : memref<!tpu.dma_semaphore, #tpu.memory_space<semaphore_mem>>) {add = true}
        %dma_wait3A_91 = arith.constant 0 : i32
        %dma_wait3A_92 = tpu.memref_slice %arg6[%add3A_70, %dma_wait3A_91] : memref<125x80xi32, #tpu.memory_space<vmem>> -> memref<1x80xi32, #tpu.memory_space<vmem>>
        %dma_wait3A_93 = tpu.memref_squeeze %dma_wait3A_92 : memref<1x80xi32, #tpu.memory_space<vmem>> -> memref<80xi32, #tpu.memory_space<vmem>>
        %dma_wait3A_94 = arith.constant 0 : i32
        %dma_wait3A_95 = arith.constant 0 : i32
        %dma_wait3A_96 = tpu.memref_slice %arg13[%dma_wait3A_94, %dma_wait3A_95] : memref<10240x16xf32, #tpu.memory_space<vmem_shared>> -> memref<10240x16xf32, #tpu.memory_space<vmem_shared>>
        tpu.wait_indirect_dma semaphore(%run_scoped3A_84 : memref<!tpu.dma_semaphore, #tpu.memory_space<semaphore_mem>>) src(%arg10 : memref<80x16xf32, #tpu.memory_space<vmem>>) dst(%dma_wait3A_96 : memref<10240x16xf32, #tpu.memory_space<vmem_shared>>)
        tpu.yield
      }) : () -> ()
      %add3A_77 = arith.constant 2 : i32
      %add3A_78 = arith.addi %add3A_70, %add3A_77 : i32
      %lt3A_79 = arith.constant 125 : i32
      %lt3A_80 = arith.cmpi slt, %add3A_78, %lt3A_79 : i32
      %convert_element_type3A_81 = arith.extui %lt3A_80 : i1 to i32
      %cond3A_82 = arith.constant 0 : i32
      %cond3A_83 = arith.cmpi ne, %convert_element_type3A_81, %cond3A_82 : i32
      scf.if %cond3A_83 {
        %add3A_84 = arith.constant 2 : i32
        %add3A_85 = arith.addi %add3A_70, %add3A_84 : i32
        %mul3A_86 = arith.constant 80 : i32
        %mul3A_87 = arith.muli %add3A_85, %mul3A_86 : i32
        %add3A_88 = arith.addi %mul3A_2, %mul3A_87 : i32
        %dma_start3A_89 = arith.constant 0 : i32
        %dma_start3A_90 = tpu.memref_slice %arg2[%add3A_88, %dma_start3A_89] : memref<320000x64xf32, #tpu.memory_space<hbm>> -> memref<80x64xf32, #tpu.memory_space<hbm>>
        %dma_start3A_91 = arith.constant 0 : i32
        %dma_start3A_92 = tpu.memref_slice %arg2[%add3A_88, %dma_start3A_91] : memref<320000x64xf32, #tpu.memory_space<hbm>> -> memref<80x64xf32, #tpu.memory_space<hbm>>
        tpu.enqueue_dma source(%dma_start3A_92 : memref<80x64xf32, #tpu.memory_space<hbm>>) target(%arg8 : memref<80x64xf32, #tpu.memory_space<vmem>>) target_semaphore(%arg15 : memref<!tpu.dma_semaphore, #tpu.memory_space<semaphore_mem>>)
      } else {
      }
    }
    %scan3A_42 = arith.constant 62 : i32
    %dma_wait3A = arith.constant 0 : i32
    %dma_wait3A_43 = arith.constant 0 : i32
    %dma_wait3A_44 = tpu.memref_slice %arg2[%dma_wait3A, %dma_wait3A_43] : memref<320000x64xf32, #tpu.memory_space<hbm>> -> memref<80x64xf32, #tpu.memory_space<hbm>>
    %dma_wait3A_45 = arith.constant 0 : i32
    %dma_wait3A_46 = arith.constant 0 : i32
    %dma_wait3A_47 = tpu.memref_slice %arg2[%dma_wait3A_45, %dma_wait3A_46] : memref<320000x64xf32, #tpu.memory_space<hbm>> -> memref<80x64xf32, #tpu.memory_space<hbm>>
    tpu.wait_dma2 semaphore(%arg14 : memref<!tpu.dma_semaphore, #tpu.memory_space<semaphore_mem>>) src(%dma_wait3A_47 : memref<80x64xf32, #tpu.memory_space<hbm>>) dst(%arg7 : memref<80x64xf32, #tpu.memory_space<vmem>>)
    %run_scoped3A = arith.constant 124 : i32
    "tpu.region"() ({
      %run_scoped3A_52 = tpu.sem_alloc : memref<!tpu.dma_semaphore, #tpu.memory_space<semaphore_mem>>
      %dma_start3A_53 = arith.constant 0 : i32
      %dma_start3A_54 = tpu.memref_slice %arg6[%run_scoped3A, %dma_start3A_53] : memref<125x80xi32, #tpu.memory_space<vmem>> -> memref<1x80xi32, #tpu.memory_space<vmem>>
      %dma_start3A_55 = tpu.memref_squeeze %dma_start3A_54 : memref<1x80xi32, #tpu.memory_space<vmem>> -> memref<80xi32, #tpu.memory_space<vmem>>
      %dma_start3A_56 = arith.constant 0 : i32
      %dma_start3A_57 = arith.constant 0 : i32
      %dma_start3A_58 = tpu.memref_slice %arg12[%dma_start3A_56, %dma_start3A_57] : memref<10240x64xf32, #tpu.memory_space<vmem_shared>> -> memref<10240x64xf32, #tpu.memory_space<vmem_shared>>
      tpu.enqueue_indirect_dma source(%arg7 : memref<80x64xf32, #tpu.memory_space<vmem>>) target(%dma_start3A_58 : memref<10240x64xf32, #tpu.memory_space<vmem_shared>>) offsets(%dma_start3A_55 : memref<80xi32, #tpu.memory_space<vmem>>) semaphore(%run_scoped3A_52 : memref<!tpu.dma_semaphore, #tpu.memory_space<semaphore_mem>>) {add = true}
      %dma_wait3A_59 = arith.constant 0 : i32
      %dma_wait3A_60 = tpu.memref_slice %arg6[%run_scoped3A, %dma_wait3A_59] : memref<125x80xi32, #tpu.memory_space<vmem>> -> memref<1x80xi32, #tpu.memory_space<vmem>>
      %dma_wait3A_61 = tpu.memref_squeeze %dma_wait3A_60 : memref<1x80xi32, #tpu.memory_space<vmem>> -> memref<80xi32, #tpu.memory_space<vmem>>
      %dma_wait3A_62 = arith.constant 0 : i32
      %dma_wait3A_63 = arith.constant 0 : i32
      %dma_wait3A_64 = tpu.memref_slice %arg12[%dma_wait3A_62, %dma_wait3A_63] : memref<10240x64xf32, #tpu.memory_space<vmem_shared>> -> memref<10240x64xf32, #tpu.memory_space<vmem_shared>>
      tpu.wait_indirect_dma semaphore(%run_scoped3A_52 : memref<!tpu.dma_semaphore, #tpu.memory_space<semaphore_mem>>) src(%arg7 : memref<80x64xf32, #tpu.memory_space<vmem>>) dst(%dma_wait3A_64 : memref<10240x64xf32, #tpu.memory_space<vmem_shared>>)
      tpu.yield
    }) : () -> ()
    %run_scoped3A_48 = arith.constant 124 : i32
    "tpu.region"() ({
      %run_scoped3A_52 = tpu.sem_alloc : memref<!tpu.dma_semaphore, #tpu.memory_space<semaphore_mem>>
      %dma_start3A_53 = arith.constant 0 : i32
      %dma_start3A_54 = tpu.memref_slice %arg6[%run_scoped3A_48, %dma_start3A_53] : memref<125x80xi32, #tpu.memory_space<vmem>> -> memref<1x80xi32, #tpu.memory_space<vmem>>
      %dma_start3A_55 = tpu.memref_squeeze %dma_start3A_54 : memref<1x80xi32, #tpu.memory_space<vmem>> -> memref<80xi32, #tpu.memory_space<vmem>>
      %dma_start3A_56 = arith.constant 0 : i32
      %dma_start3A_57 = arith.constant 0 : i32
      %dma_start3A_58 = tpu.memref_slice %arg13[%dma_start3A_56, %dma_start3A_57] : memref<10240x16xf32, #tpu.memory_space<vmem_shared>> -> memref<10240x16xf32, #tpu.memory_space<vmem_shared>>
      tpu.enqueue_indirect_dma source(%arg10 : memref<80x16xf32, #tpu.memory_space<vmem>>) target(%dma_start3A_58 : memref<10240x16xf32, #tpu.memory_space<vmem_shared>>) offsets(%dma_start3A_55 : memref<80xi32, #tpu.memory_space<vmem>>) semaphore(%run_scoped3A_52 : memref<!tpu.dma_semaphore, #tpu.memory_space<semaphore_mem>>) {add = true}
      %dma_wait3A_59 = arith.constant 0 : i32
      %dma_wait3A_60 = tpu.memref_slice %arg6[%run_scoped3A_48, %dma_wait3A_59] : memref<125x80xi32, #tpu.memory_space<vmem>> -> memref<1x80xi32, #tpu.memory_space<vmem>>
      %dma_wait3A_61 = tpu.memref_squeeze %dma_wait3A_60 : memref<1x80xi32, #tpu.memory_space<vmem>> -> memref<80xi32, #tpu.memory_space<vmem>>
      %dma_wait3A_62 = arith.constant 0 : i32
      %dma_wait3A_63 = arith.constant 0 : i32
      %dma_wait3A_64 = tpu.memref_slice %arg13[%dma_wait3A_62, %dma_wait3A_63] : memref<10240x16xf32, #tpu.memory_space<vmem_shared>> -> memref<10240x16xf32, #tpu.memory_space<vmem_shared>>
      tpu.wait_indirect_dma semaphore(%run_scoped3A_52 : memref<!tpu.dma_semaphore, #tpu.memory_space<semaphore_mem>>) src(%arg10 : memref<80x16xf32, #tpu.memory_space<vmem>>) dst(%dma_wait3A_64 : memref<10240x16xf32, #tpu.memory_space<vmem_shared>>)
      tpu.yield
    }) : () -> ()
    %barrier3A_49 = arith.constant 0 : index
    tpu.barrier barrier_id(%barrier3A_49)
    %mul3A_50 = arith.constant 640 : i32
    %mul3A_51 = arith.muli %arg1, %mul3A_50 : i32
    "tpu.region"() ({
      %run_scoped3A_52 = tpu.sem_alloc : memref<!tpu.dma_semaphore, #tpu.memory_space<semaphore_mem>>
      %dma_start3A_53 = arith.constant 0 : i32
      %dma_start3A_54 = tpu.memref_slice %arg12[%mul3A_51, %dma_start3A_53] : memref<10240x64xf32, #tpu.memory_space<vmem_shared>> -> memref<640x64xf32, #tpu.memory_space<vmem_shared>>
      %dma_start3A_55 = arith.constant 0 : i32
      %dma_start3A_56 = tpu.memref_slice %arg12[%mul3A_51, %dma_start3A_55] : memref<10240x64xf32, #tpu.memory_space<vmem_shared>> -> memref<640x64xf32, #tpu.memory_space<vmem_shared>>
      tpu.enqueue_dma source(%dma_start3A_56 : memref<640x64xf32, #tpu.memory_space<vmem_shared>>) target(%arg9 : memref<640x64xf32, #tpu.memory_space<vmem>>) target_semaphore(%run_scoped3A_52 : memref<!tpu.dma_semaphore, #tpu.memory_space<semaphore_mem>>)
      %dma_wait3A_57 = arith.constant 0 : i32
      %dma_wait3A_58 = tpu.memref_slice %arg12[%mul3A_51, %dma_wait3A_57] : memref<10240x64xf32, #tpu.memory_space<vmem_shared>> -> memref<640x64xf32, #tpu.memory_space<vmem_shared>>
      %dma_wait3A_59 = arith.constant 0 : i32
      %dma_wait3A_60 = tpu.memref_slice %arg12[%mul3A_51, %dma_wait3A_59] : memref<10240x64xf32, #tpu.memory_space<vmem_shared>> -> memref<640x64xf32, #tpu.memory_space<vmem_shared>>
      tpu.wait_dma2 semaphore(%run_scoped3A_52 : memref<!tpu.dma_semaphore, #tpu.memory_space<semaphore_mem>>) src(%dma_wait3A_60 : memref<640x64xf32, #tpu.memory_space<vmem_shared>>) dst(%arg9 : memref<640x64xf32, #tpu.memory_space<vmem>>)
      tpu.yield
    }) : () -> ()
    "tpu.region"() ({
      %run_scoped3A_52 = tpu.sem_alloc : memref<!tpu.dma_semaphore, #tpu.memory_space<semaphore_mem>>
      %dma_start3A_53 = arith.constant 0 : i32
      %dma_start3A_54 = tpu.memref_slice %arg4[%arg0, %mul3A_51, %dma_start3A_53] : memref<2x10240x64xf32, #tpu.memory_space<hbm>> -> memref<1x640x64xf32, #tpu.memory_space<hbm>>
      %dma_start3A_55 = tpu.memref_squeeze %dma_start3A_54 : memref<1x640x64xf32, #tpu.memory_space<hbm>> -> memref<640x64xf32, #tpu.memory_space<hbm>>
      %dma_start3A_56 = arith.constant 0 : i32
      %dma_start3A_57 = tpu.memref_slice %arg4[%arg0, %mul3A_51, %dma_start3A_56] : memref<2x10240x64xf32, #tpu.memory_space<hbm>> -> memref<1x640x64xf32, #tpu.memory_space<hbm>>
      %dma_start3A_58 = tpu.memref_squeeze %dma_start3A_57 : memref<1x640x64xf32, #tpu.memory_space<hbm>> -> memref<640x64xf32, #tpu.memory_space<hbm>>
      tpu.enqueue_dma source(%arg9 : memref<640x64xf32, #tpu.memory_space<vmem>>) target(%dma_start3A_58 : memref<640x64xf32, #tpu.memory_space<hbm>>) target_semaphore(%run_scoped3A_52 : memref<!tpu.dma_semaphore, #tpu.memory_space<semaphore_mem>>)
      %dma_wait3A_59 = arith.constant 0 : i32
      %dma_wait3A_60 = tpu.memref_slice %arg4[%arg0, %mul3A_51, %dma_wait3A_59] : memref<2x10240x64xf32, #tpu.memory_space<hbm>> -> memref<1x640x64xf32, #tpu.memory_space<hbm>>
      %dma_wait3A_61 = tpu.memref_squeeze %dma_wait3A_60 : memref<1x640x64xf32, #tpu.memory_space<hbm>> -> memref<640x64xf32, #tpu.memory_space<hbm>>
      %dma_wait3A_62 = arith.constant 0 : i32
      %dma_wait3A_63 = tpu.memref_slice %arg4[%arg0, %mul3A_51, %dma_wait3A_62] : memref<2x10240x64xf32, #tpu.memory_space<hbm>> -> memref<1x640x64xf32, #tpu.memory_space<hbm>>
      %dma_wait3A_64 = tpu.memref_squeeze %dma_wait3A_63 : memref<1x640x64xf32, #tpu.memory_space<hbm>> -> memref<640x64xf32, #tpu.memory_space<hbm>>
      tpu.wait_dma2 semaphore(%run_scoped3A_52 : memref<!tpu.dma_semaphore, #tpu.memory_space<semaphore_mem>>) src(%arg9 : memref<640x64xf32, #tpu.memory_space<vmem>>) dst(%dma_wait3A_64 : memref<640x64xf32, #tpu.memory_space<hbm>>)
      tpu.yield
    }) : () -> ()
    "tpu.region"() ({
      %run_scoped3A_52 = tpu.sem_alloc : memref<!tpu.dma_semaphore, #tpu.memory_space<semaphore_mem>>
      %dma_start3A_53 = arith.constant 0 : i32
      %dma_start3A_54 = tpu.memref_slice %arg13[%mul3A_51, %dma_start3A_53] : memref<10240x16xf32, #tpu.memory_space<vmem_shared>> -> memref<640x16xf32, #tpu.memory_space<vmem_shared>>
      %dma_start3A_55 = arith.constant 0 : i32
      %dma_start3A_56 = tpu.memref_slice %arg13[%mul3A_51, %dma_start3A_55] : memref<10240x16xf32, #tpu.memory_space<vmem_shared>> -> memref<640x16xf32, #tpu.memory_space<vmem_shared>>
      tpu.enqueue_dma source(%dma_start3A_56 : memref<640x16xf32, #tpu.memory_space<vmem_shared>>) target(%arg11 : memref<640x16xf32, #tpu.memory_space<vmem>>) target_semaphore(%run_scoped3A_52 : memref<!tpu.dma_semaphore, #tpu.memory_space<semaphore_mem>>)
      %dma_wait3A_57 = arith.constant 0 : i32
      %dma_wait3A_58 = tpu.memref_slice %arg13[%mul3A_51, %dma_wait3A_57] : memref<10240x16xf32, #tpu.memory_space<vmem_shared>> -> memref<640x16xf32, #tpu.memory_space<vmem_shared>>
      %dma_wait3A_59 = arith.constant 0 : i32
      %dma_wait3A_60 = tpu.memref_slice %arg13[%mul3A_51, %dma_wait3A_59] : memref<10240x16xf32, #tpu.memory_space<vmem_shared>> -> memref<640x16xf32, #tpu.memory_space<vmem_shared>>
      tpu.wait_dma2 semaphore(%run_scoped3A_52 : memref<!tpu.dma_semaphore, #tpu.memory_space<semaphore_mem>>) src(%dma_wait3A_60 : memref<640x16xf32, #tpu.memory_space<vmem_shared>>) dst(%arg11 : memref<640x16xf32, #tpu.memory_space<vmem>>)
      tpu.yield
    }) : () -> ()
    "tpu.region"() ({
      %run_scoped3A_52 = tpu.sem_alloc : memref<!tpu.dma_semaphore, #tpu.memory_space<semaphore_mem>>
      %dma_start3A_53 = arith.constant 0 : i32
      %dma_start3A_54 = tpu.memref_slice %arg5[%arg0, %mul3A_51, %dma_start3A_53] : memref<2x10240x16xf32, #tpu.memory_space<hbm>> -> memref<1x640x16xf32, #tpu.memory_space<hbm>>
      %dma_start3A_55 = tpu.memref_squeeze %dma_start3A_54 : memref<1x640x16xf32, #tpu.memory_space<hbm>> -> memref<640x16xf32, #tpu.memory_space<hbm>>
      %dma_start3A_56 = arith.constant 0 : i32
      %dma_start3A_57 = tpu.memref_slice %arg5[%arg0, %mul3A_51, %dma_start3A_56] : memref<2x10240x16xf32, #tpu.memory_space<hbm>> -> memref<1x640x16xf32, #tpu.memory_space<hbm>>
      %dma_start3A_58 = tpu.memref_squeeze %dma_start3A_57 : memref<1x640x16xf32, #tpu.memory_space<hbm>> -> memref<640x16xf32, #tpu.memory_space<hbm>>
      tpu.enqueue_dma source(%arg11 : memref<640x16xf32, #tpu.memory_space<vmem>>) target(%dma_start3A_58 : memref<640x16xf32, #tpu.memory_space<hbm>>) target_semaphore(%run_scoped3A_52 : memref<!tpu.dma_semaphore, #tpu.memory_space<semaphore_mem>>)
      %dma_wait3A_59 = arith.constant 0 : i32
      %dma_wait3A_60 = tpu.memref_slice %arg5[%arg0, %mul3A_51, %dma_wait3A_59] : memref<2x10240x16xf32, #tpu.memory_space<hbm>> -> memref<1x640x16xf32, #tpu.memory_space<hbm>>
      %dma_wait3A_61 = tpu.memref_squeeze %dma_wait3A_60 : memref<1x640x16xf32, #tpu.memory_space<hbm>> -> memref<640x16xf32, #tpu.memory_space<hbm>>
      %dma_wait3A_62 = arith.constant 0 : i32
      %dma_wait3A_63 = tpu.memref_slice %arg5[%arg0, %mul3A_51, %dma_wait3A_62] : memref<2x10240x16xf32, #tpu.memory_space<hbm>> -> memref<1x640x16xf32, #tpu.memory_space<hbm>>
      %dma_wait3A_64 = tpu.memref_squeeze %dma_wait3A_63 : memref<1x640x16xf32, #tpu.memory_space<hbm>> -> memref<640x16xf32, #tpu.memory_space<hbm>>
      tpu.wait_dma2 semaphore(%run_scoped3A_52 : memref<!tpu.dma_semaphore, #tpu.memory_space<semaphore_mem>>) src(%arg11 : memref<640x16xf32, #tpu.memory_space<vmem>>) dst(%dma_wait3A_64 : memref<640x16xf32, #tpu.memory_space<hbm>>)
      tpu.yield
    }) : () -> ()
    return
  }
}

module attributes {stable_mosaic.version = 14 : i64} {
  func.func @_proj_body(%arg0: i32, %arg1: memref<2000x128xf32, #tpu.memory_space<vmem>>, %arg2: memref<128x64xf32, #tpu.memory_space<vmem>>, %arg3: memref<128x64xf32, #tpu.memory_space<vmem>>, %arg4: memref<1x64xf32, #tpu.memory_space<vmem>>, %arg5: memref<2000x64xf32, #tpu.memory_space<vmem>>, %arg6: memref<2000x64xf32, #tpu.memory_space<vmem>>) attributes {dimension_semantics = [#tpu.dimension_semantics<arbitrary>], iteration_bounds = array<i64: 5>, scalar_prefetch = 0 : i64, scratch_operands = 0 : i64, tpu.core_type = #tpu.core_type<tc>, window_params = [{transform_indices = @transform_0, window_bounds = array<i64: 2000, 128>}, {pipeline_mode = #tpu.pipeline_mode<synchronous>, transform_indices = @transform_1, window_bounds = array<i64: 128, 64>}, {pipeline_mode = #tpu.pipeline_mode<synchronous>, transform_indices = @transform_2, window_bounds = array<i64: 128, 64>}, {pipeline_mode = #tpu.pipeline_mode<synchronous>, transform_indices = @transform_3, window_bounds = array<i64: 1, 64>}, {transform_indices = @transform_4, window_bounds = array<i64: 2000, 64>}, {transform_indices = @transform_5, window_bounds = array<i64: 2000, 64>}]} {
    %get3A = arith.constant 0 : index
    %get3A_0 = arith.constant 0 : index
    %get3A_1 = vector.load %arg1[%get3A, %get3A_0] : memref<2000x128xf32, #tpu.memory_space<vmem>>, vector<2000x128xf32>
    %get3A_2 = arith.constant 0 : index
    %get3A_3 = arith.constant 0 : index
    %get3A_4 = vector.load %arg2[%get3A_2, %get3A_3] : memref<128x64xf32, #tpu.memory_space<vmem>>, vector<128x64xf32>
    %dot_general3A = arith.constant dense<0.000000e+00> : vector<2000x64xf32>
    %dot_general3A_5 = tpu.matmul %get3A_1, %get3A_4, %dot_general3A {dimension_numbers = #tpu.dot_dimension_numbers<[1], [0], [0], [1], [0, 0, 1, 1], [], []>, transpose_lhs_hint = false} : vector<2000x128xf32>, vector<128x64xf32>, vector<2000x64xf32> -> vector<2000x64xf32>
    %get3A_6 = arith.constant 0 : index
    %get3A_7 = arith.constant 0 : index
    %get3A_8 = vector.load %arg4[%get3A_6, %get3A_7] : memref<1x64xf32, #tpu.memory_space<vmem>>, vector<1x64xf32>
    %add3A = vector.broadcast %get3A_8 : vector<1x64xf32> to vector<2000x64xf32>
    %add3A_9 = arith.addf %dot_general3A_5, %add3A : vector<2000x64xf32>
    %swap3A = arith.constant 0 : index
    %swap3A_10 = arith.constant 0 : index
    %swap3A_11 = vector.load %arg5[%swap3A, %swap3A_10] : memref<2000x64xf32, #tpu.memory_space<vmem>>, vector<2000x64xf32>
    tpu.vector_store %arg5[%swap3A, %swap3A_10], %add3A_9 {strides = array<i32>} : memref<2000x64xf32, #tpu.memory_space<vmem>>, vector<2000x64xf32>,
    %get3A_12 = arith.constant 0 : index
    %get3A_13 = arith.constant 0 : index
    %get3A_14 = vector.load %arg3[%get3A_12, %get3A_13] : memref<128x64xf32, #tpu.memory_space<vmem>>, vector<128x64xf32>
    %dot_general3A_15 = arith.constant dense<0.000000e+00> : vector<2000x64xf32>
    %dot_general3A_16 = tpu.matmul %get3A_1, %get3A_14, %dot_general3A_15 {dimension_numbers = #tpu.dot_dimension_numbers<[1], [0], [0], [1], [0, 0, 1, 1], [], []>, transpose_lhs_hint = false} : vector<2000x128xf32>, vector<128x64xf32>, vector<2000x64xf32> -> vector<2000x64xf32>
    %swap3A_17 = arith.constant 0 : index
    %swap3A_18 = arith.constant 0 : index
    %swap3A_19 = vector.load %arg6[%swap3A_17, %swap3A_18] : memref<2000x64xf32, #tpu.memory_space<vmem>>, vector<2000x64xf32>
    tpu.vector_store %arg6[%swap3A_17, %swap3A_18], %dot_general3A_16 {strides = array<i32>} : memref<2000x64xf32, #tpu.memory_space<vmem>>, vector<2000x64xf32>,
    return
  }
  func.func @transform_0(%arg0: i32) -> (i32, i32) {
    %c0_i32 = arith.constant 0 : i32
    %c0_i32_0 = arith.constant 0 : i32
    return %arg0, %c0_i32 : i32, i32
  }
  func.func @transform_1(%arg0: i32) -> (i32, i32) {
    %c0_i32 = arith.constant 0 : i32
    %c0_i32_0 = arith.constant 0 : i32
    %c0_i32_1 = arith.constant 0 : i32
    return %c0_i32, %c0_i32_0 : i32, i32
  }
  func.func @transform_2(%arg0: i32) -> (i32, i32) {
    %c0_i32 = arith.constant 0 : i32
    %c0_i32_0 = arith.constant 0 : i32
    %c0_i32_1 = arith.constant 0 : i32
    return %c0_i32, %c0_i32_0 : i32, i32
  }
  func.func @transform_3(%arg0: i32) -> (i32, i32) {
    %c0_i32 = arith.constant 0 : i32
    %c0_i32_0 = arith.constant 0 : i32
    %c0_i32_1 = arith.constant 0 : i32
    return %c0_i32, %c0_i32_0 : i32, i32
  }
  func.func @transform_4(%arg0: i32) -> (i32, i32) {
    %c0_i32 = arith.constant 0 : i32
    %c0_i32_0 = arith.constant 0 : i32
    return %arg0, %c0_i32 : i32, i32
  }
  func.func @transform_5(%arg0: i32) -> (i32, i32) {
    %c0_i32 = arith.constant 0 : i32
    %c0_i32_0 = arith.constant 0 : i32
    return %arg0, %c0_i32 : i32, i32
  }
}

module attributes {stable_mosaic.version = 14 : i64} {
  func.func @_mlp_body(%arg0: i32, %arg1: memref<4000x128xf32, #tpu.memory_space<vmem>>, %arg2: memref<128x128xf32, #tpu.memory_space<vmem>>, %arg3: memref<1x128xf32, #tpu.memory_space<vmem>>, %arg4: memref<128x128xf32, #tpu.memory_space<vmem>>, %arg5: memref<1x128xf32, #tpu.memory_space<vmem>>, %arg6: memref<4000x128xf32, #tpu.memory_space<vmem>>) attributes {dimension_semantics = [#tpu.dimension_semantics<arbitrary>], iteration_bounds = array<i64: 40>, scalar_prefetch = 0 : i64, scratch_operands = 0 : i64, tpu.core_type = #tpu.core_type<tc>, window_params = [{transform_indices = @transform_0, window_bounds = array<i64: 4000, 128>}, {pipeline_mode = #tpu.pipeline_mode<synchronous>, transform_indices = @transform_1, window_bounds = array<i64: 128, 128>}, {pipeline_mode = #tpu.pipeline_mode<synchronous>, transform_indices = @transform_2, window_bounds = array<i64: 1, 128>}, {pipeline_mode = #tpu.pipeline_mode<synchronous>, transform_indices = @transform_3, window_bounds = array<i64: 128, 128>}, {pipeline_mode = #tpu.pipeline_mode<synchronous>, transform_indices = @transform_4, window_bounds = array<i64: 1, 128>}, {transform_indices = @transform_5, window_bounds = array<i64: 4000, 128>}]} {
    %get3A = arith.constant 0 : index
    %get3A_0 = arith.constant 0 : index
    %get3A_1 = vector.load %arg1[%get3A, %get3A_0] : memref<4000x128xf32, #tpu.memory_space<vmem>>, vector<4000x128xf32>
    %max3A = arith.constant 0.000000e+00 : f32
    %max3A_2 = vector.broadcast %max3A : f32 to vector<4000x128xf32>
    %max3A_3 = arith.maximumf %get3A_1, %max3A_2 : vector<4000x128xf32>
    %get3A_4 = arith.constant 0 : index
    %get3A_5 = arith.constant 0 : index
    %get3A_6 = vector.load %arg2[%get3A_4, %get3A_5] : memref<128x128xf32, #tpu.memory_space<vmem>>, vector<128x128xf32>
    %dot_general3A = arith.constant dense<0.000000e+00> : vector<4000x128xf32>
    %dot_general3A_7 = tpu.matmul %max3A_3, %get3A_6, %dot_general3A {dimension_numbers = #tpu.dot_dimension_numbers<[1], [0], [0], [1], [0, 0, 1, 1], [], []>, transpose_lhs_hint = false} : vector<4000x128xf32>, vector<128x128xf32>, vector<4000x128xf32> -> vector<4000x128xf32>
    %get3A_8 = arith.constant 0 : index
    %get3A_9 = arith.constant 0 : index
    %get3A_10 = vector.load %arg3[%get3A_8, %get3A_9] : memref<1x128xf32, #tpu.memory_space<vmem>>, vector<1x128xf32>
    %add3A = vector.broadcast %get3A_10 : vector<1x128xf32> to vector<4000x128xf32>
    %add3A_11 = arith.addf %dot_general3A_7, %add3A : vector<4000x128xf32>
    %max3A_12 = arith.constant 0.000000e+00 : f32
    %max3A_13 = vector.broadcast %max3A_12 : f32 to vector<4000x128xf32>
    %max3A_14 = arith.maximumf %add3A_11, %max3A_13 : vector<4000x128xf32>
    %get3A_15 = arith.constant 0 : index
    %get3A_16 = arith.constant 0 : index
    %get3A_17 = vector.load %arg4[%get3A_15, %get3A_16] : memref<128x128xf32, #tpu.memory_space<vmem>>, vector<128x128xf32>
    %dot_general3A_18 = arith.constant dense<0.000000e+00> : vector<4000x128xf32>
    %dot_general3A_19 = tpu.matmul %max3A_14, %get3A_17, %dot_general3A_18 {dimension_numbers = #tpu.dot_dimension_numbers<[1], [0], [0], [1], [0, 0, 1, 1], [], []>, transpose_lhs_hint = false} : vector<4000x128xf32>, vector<128x128xf32>, vector<4000x128xf32> -> vector<4000x128xf32>
    %get3A_20 = arith.constant 0 : index
    %get3A_21 = arith.constant 0 : index
    %get3A_22 = vector.load %arg5[%get3A_20, %get3A_21] : memref<1x128xf32, #tpu.memory_space<vmem>>, vector<1x128xf32>
    %add3A_23 = vector.broadcast %get3A_22 : vector<1x128xf32> to vector<4000x128xf32>
    %add3A_24 = arith.addf %dot_general3A_19, %add3A_23 : vector<4000x128xf32>
    %max3A_25 = arith.constant 0.000000e+00 : f32
    %max3A_26 = vector.broadcast %max3A_25 : f32 to vector<4000x128xf32>
    %max3A_27 = arith.maximumf %add3A_24, %max3A_26 : vector<4000x128xf32>
    %swap3A = arith.constant 0 : index
    %swap3A_28 = arith.constant 0 : index
    %swap3A_29 = vector.load %arg6[%swap3A, %swap3A_28] : memref<4000x128xf32, #tpu.memory_space<vmem>>, vector<4000x128xf32>
    tpu.vector_store %arg6[%swap3A, %swap3A_28], %max3A_27 {strides = array<i32>} : memref<4000x128xf32, #tpu.memory_space<vmem>>, vector<4000x128xf32>,
    return
  }
  func.func @transform_0(%arg0: i32) -> (i32, i32) {
    %c0_i32 = arith.constant 0 : i32
    %c0_i32_0 = arith.constant 0 : i32
    return %arg0, %c0_i32 : i32, i32
  }
  func.func @transform_1(%arg0: i32) -> (i32, i32) {
    %c0_i32 = arith.constant 0 : i32
    %c0_i32_0 = arith.constant 0 : i32
    %c0_i32_1 = arith.constant 0 : i32
    return %c0_i32, %c0_i32_0 : i32, i32
  }
  func.func @transform_2(%arg0: i32) -> (i32, i32) {
    %c0_i32 = arith.constant 0 : i32
    %c0_i32_0 = arith.constant 0 : i32
    %c0_i32_1 = arith.constant 0 : i32
    return %c0_i32, %c0_i32_0 : i32, i32
  }
  func.func @transform_3(%arg0: i32) -> (i32, i32) {
    %c0_i32 = arith.constant 0 : i32
    %c0_i32_0 = arith.constant 0 : i32
    %c0_i32_1 = arith.constant 0 : i32
    return %c0_i32, %c0_i32_0 : i32, i32
  }
  func.func @transform_4(%arg0: i32) -> (i32, i32) {
    %c0_i32 = arith.constant 0 : i32
    %c0_i32_0 = arith.constant 0 : i32
    %c0_i32_1 = arith.constant 0 : i32
    return %c0_i32, %c0_i32_0 : i32, i32
  }
  func.func @transform_5(%arg0: i32) -> (i32, i32) {
    %c0_i32 = arith.constant 0 : i32
    %c0_i32_0 = arith.constant 0 : i32
    return %arg0, %c0_i32 : i32, i32
  }
}

module attributes {stable_mosaic.version = 14 : i64} {
  func.func @_final_body(%arg0: i32, %arg1: memref<2x2000x64xf32, #tpu.memory_space<vmem>>, %arg2: memref<2x2000x16xf32, #tpu.memory_space<vmem>>, %arg3: memref<64x128xf32, #tpu.memory_space<vmem>>, %arg4: memref<1x128xf32, #tpu.memory_space<vmem>>, %arg5: memref<2000x128xf32, #tpu.memory_space<vmem>>) attributes {dimension_semantics = [#tpu.dimension_semantics<arbitrary>], iteration_bounds = array<i64: 5>, scalar_prefetch = 0 : i64, scratch_operands = 0 : i64, tpu.core_type = #tpu.core_type<tc>, window_params = [{transform_indices = @transform_0, window_bounds = array<i64: 2, 2000, 64>}, {transform_indices = @transform_1, window_bounds = array<i64: 2, 2000, 16>}, {pipeline_mode = #tpu.pipeline_mode<synchronous>, transform_indices = @transform_2, window_bounds = array<i64: 64, 128>}, {pipeline_mode = #tpu.pipeline_mode<synchronous>, transform_indices = @transform_3, window_bounds = array<i64: 1, 128>}, {transform_indices = @transform_4, window_bounds = array<i64: 2000, 128>}]} {
    %get3A = arith.constant 0 : index
    %get3A_0 = arith.constant 0 : index
    %get3A_1 = arith.constant 0 : index
    %get3A_2 = vector.load %arg1[%get3A, %get3A_0, %get3A_1] : memref<2x2000x64xf32, #tpu.memory_space<vmem>>, vector<1x2000x64xf32>
    %get3A_3 = vector.shape_cast %get3A_2 : vector<1x2000x64xf32> to vector<2000x64xf32>
    %get3A_4 = arith.constant 1 : index
    %get3A_5 = arith.constant 0 : index
    %get3A_6 = arith.constant 0 : index
    %get3A_7 = vector.load %arg1[%get3A_4, %get3A_5, %get3A_6] : memref<2x2000x64xf32, #tpu.memory_space<vmem>>, vector<1x2000x64xf32>
    %get3A_8 = vector.shape_cast %get3A_7 : vector<1x2000x64xf32> to vector<2000x64xf32>
    %add3A = arith.addf %get3A_3, %get3A_8 : vector<2000x64xf32>
    %get3A_9 = arith.constant 0 : index
    %get3A_10 = arith.constant 0 : index
    %get3A_11 = arith.constant 0 : index
    %get3A_12 = vector.load %arg2[%get3A_9, %get3A_10, %get3A_11] : memref<2x2000x16xf32, #tpu.memory_space<vmem>>, vector<1x2000x1xf32>
    %get3A_13 = vector.shape_cast %get3A_12 : vector<1x2000x1xf32> to vector<2000x1xf32>
    %get3A_14 = arith.constant 1 : index
    %get3A_15 = arith.constant 0 : index
    %get3A_16 = arith.constant 0 : index
    %get3A_17 = vector.load %arg2[%get3A_14, %get3A_15, %get3A_16] : memref<2x2000x16xf32, #tpu.memory_space<vmem>>, vector<1x2000x1xf32>
    %get3A_18 = vector.shape_cast %get3A_17 : vector<1x2000x1xf32> to vector<2000x1xf32>
    %add3A_19 = arith.addf %get3A_13, %get3A_18 : vector<2000x1xf32>
    %get3A_20 = arith.constant 0 : index
    %get3A_21 = arith.constant 0 : index
    %get3A_22 = vector.load %arg3[%get3A_20, %get3A_21] : memref<64x128xf32, #tpu.memory_space<vmem>>, vector<64x128xf32>
    %dot_general3A = arith.constant dense<0.000000e+00> : vector<2000x128xf32>
    %dot_general3A_23 = tpu.matmul %add3A, %get3A_22, %dot_general3A {dimension_numbers = #tpu.dot_dimension_numbers<[1], [0], [0], [1], [0, 0, 1, 1], [], []>, transpose_lhs_hint = false} : vector<2000x64xf32>, vector<64x128xf32>, vector<2000x128xf32> -> vector<2000x128xf32>
    %get3A_24 = arith.constant 0 : index
    %get3A_25 = arith.constant 0 : index
    %get3A_26 = vector.load %arg4[%get3A_24, %get3A_25] : memref<1x128xf32, #tpu.memory_space<vmem>>, vector<1x128xf32>
    %mul3A = vector.broadcast %add3A_19 : vector<2000x1xf32> to vector<2000x128xf32>
    %mul3A_27 = vector.broadcast %get3A_26 : vector<1x128xf32> to vector<2000x128xf32>
    %mul3A_28 = arith.mulf %mul3A, %mul3A_27 : vector<2000x128xf32>
    %add3A_29 = arith.addf %dot_general3A_23, %mul3A_28 : vector<2000x128xf32>
    %swap3A = arith.constant 0 : index
    %swap3A_30 = arith.constant 0 : index
    %swap3A_31 = vector.load %arg5[%swap3A, %swap3A_30] : memref<2000x128xf32, #tpu.memory_space<vmem>>, vector<2000x128xf32>
    tpu.vector_store %arg5[%swap3A, %swap3A_30], %add3A_29 {strides = array<i32>} : memref<2000x128xf32, #tpu.memory_space<vmem>>, vector<2000x128xf32>,
    return
  }
  func.func @transform_0(%arg0: i32) -> (i32, i32, i32) {
    %c0_i32 = arith.constant 0 : i32
    %c0_i32_0 = arith.constant 0 : i32
    %c0_i32_1 = arith.constant 0 : i32
    return %c0_i32, %arg0, %c0_i32_0 : i32, i32, i32
  }
  func.func @transform_1(%arg0: i32) -> (i32, i32, i32) {
    %c0_i32 = arith.constant 0 : i32
    %c0_i32_0 = arith.constant 0 : i32
    %c0_i32_1 = arith.constant 0 : i32
    return %c0_i32, %arg0, %c0_i32_0 : i32, i32, i32
  }
  func.func @transform_2(%arg0: i32) -> (i32, i32) {
    %c0_i32 = arith.constant 0 : i32
    %c0_i32_0 = arith.constant 0 : i32
    %c0_i32_1 = arith.constant 0 : i32
    return %c0_i32, %c0_i32_0 : i32, i32
  }
  func.func @transform_3(%arg0: i32) -> (i32, i32) {
    %c0_i32 = arith.constant 0 : i32
    %c0_i32_0 = arith.constant 0 : i32
    %c0_i32_1 = arith.constant 0 : i32
    return %c0_i32, %c0_i32_0 : i32, i32
  }
  func.func @transform_4(%arg0: i32) -> (i32, i32) {
    %c0_i32 = arith.constant 0 : i32
    %c0_i32_0 = arith.constant 0 : i32
    return %arg0, %c0_i32 : i32, i32
  }
}

module attributes {stable_mosaic.version = 14 : i64} {
  func.func @_node1_body(%arg0: i32, %arg1: memref<2x2000x64xf32, #tpu.memory_space<vmem>>, %arg2: memref<2x2000x16xf32, #tpu.memory_space<vmem>>, %arg3: memref<64x64xf32, #tpu.memory_space<vmem>>, %arg4: memref<1x64xf32, #tpu.memory_space<vmem>>, %arg5: memref<64x64xf32, #tpu.memory_space<vmem>>, %arg6: memref<64x64xf32, #tpu.memory_space<vmem>>, %arg7: memref<1x64xf32, #tpu.memory_space<vmem>>, %arg8: memref<2000x64xf32, #tpu.memory_space<vmem>>, %arg9: memref<2000x64xf32, #tpu.memory_space<vmem>>) attributes {dimension_semantics = [#tpu.dimension_semantics<arbitrary>], iteration_bounds = array<i64: 5>, scalar_prefetch = 0 : i64, scratch_operands = 0 : i64, tpu.core_type = #tpu.core_type<tc>, window_params = [{transform_indices = @transform_0, window_bounds = array<i64: 2, 2000, 64>}, {transform_indices = @transform_1, window_bounds = array<i64: 2, 2000, 16>}, {pipeline_mode = #tpu.pipeline_mode<synchronous>, transform_indices = @transform_2, window_bounds = array<i64: 64, 64>}, {pipeline_mode = #tpu.pipeline_mode<synchronous>, transform_indices = @transform_3, window_bounds = array<i64: 1, 64>}, {pipeline_mode = #tpu.pipeline_mode<synchronous>, transform_indices = @transform_4, window_bounds = array<i64: 64, 64>}, {pipeline_mode = #tpu.pipeline_mode<synchronous>, transform_indices = @transform_5, window_bounds = array<i64: 64, 64>}, {pipeline_mode = #tpu.pipeline_mode<synchronous>, transform_indices = @transform_6, window_bounds = array<i64: 1, 64>}, {transform_indices = @transform_7, window_bounds = array<i64: 2000, 64>}, {transform_indices = @transform_8, window_bounds = array<i64: 2000, 64>}]} {
    %get3A = arith.constant 0 : index
    %get3A_0 = arith.constant 0 : index
    %get3A_1 = arith.constant 0 : index
    %get3A_2 = vector.load %arg1[%get3A, %get3A_0, %get3A_1] : memref<2x2000x64xf32, #tpu.memory_space<vmem>>, vector<1x2000x64xf32>
    %get3A_3 = vector.shape_cast %get3A_2 : vector<1x2000x64xf32> to vector<2000x64xf32>
    %get3A_4 = arith.constant 1 : index
    %get3A_5 = arith.constant 0 : index
    %get3A_6 = arith.constant 0 : index
    %get3A_7 = vector.load %arg1[%get3A_4, %get3A_5, %get3A_6] : memref<2x2000x64xf32, #tpu.memory_space<vmem>>, vector<1x2000x64xf32>
    %get3A_8 = vector.shape_cast %get3A_7 : vector<1x2000x64xf32> to vector<2000x64xf32>
    %add3A = arith.addf %get3A_3, %get3A_8 : vector<2000x64xf32>
    %get3A_9 = arith.constant 0 : index
    %get3A_10 = arith.constant 0 : index
    %get3A_11 = arith.constant 0 : index
    %get3A_12 = vector.load %arg2[%get3A_9, %get3A_10, %get3A_11] : memref<2x2000x16xf32, #tpu.memory_space<vmem>>, vector<1x2000x1xf32>
    %get3A_13 = vector.shape_cast %get3A_12 : vector<1x2000x1xf32> to vector<2000x1xf32>
    %get3A_14 = arith.constant 1 : index
    %get3A_15 = arith.constant 0 : index
    %get3A_16 = arith.constant 0 : index
    %get3A_17 = vector.load %arg2[%get3A_14, %get3A_15, %get3A_16] : memref<2x2000x16xf32, #tpu.memory_space<vmem>>, vector<1x2000x1xf32>
    %get3A_18 = vector.shape_cast %get3A_17 : vector<1x2000x1xf32> to vector<2000x1xf32>
    %add3A_19 = arith.addf %get3A_13, %get3A_18 : vector<2000x1xf32>
    %get3A_20 = arith.constant 0 : index
    %get3A_21 = arith.constant 0 : index
    %get3A_22 = vector.load %arg3[%get3A_20, %get3A_21] : memref<64x64xf32, #tpu.memory_space<vmem>>, vector<64x64xf32>
    %dot_general3A = arith.constant dense<0.000000e+00> : vector<2000x64xf32>
    %dot_general3A_23 = tpu.matmul %add3A, %get3A_22, %dot_general3A {dimension_numbers = #tpu.dot_dimension_numbers<[1], [0], [0], [1], [0, 0, 1, 1], [], []>, transpose_lhs_hint = false} : vector<2000x64xf32>, vector<64x64xf32>, vector<2000x64xf32> -> vector<2000x64xf32>
    %get3A_24 = arith.constant 0 : index
    %get3A_25 = arith.constant 0 : index
    %get3A_26 = vector.load %arg4[%get3A_24, %get3A_25] : memref<1x64xf32, #tpu.memory_space<vmem>>, vector<1x64xf32>
    %mul3A = vector.broadcast %add3A_19 : vector<2000x1xf32> to vector<2000x64xf32>
    %mul3A_27 = vector.broadcast %get3A_26 : vector<1x64xf32> to vector<2000x64xf32>
    %mul3A_28 = arith.mulf %mul3A, %mul3A_27 : vector<2000x64xf32>
    %add3A_29 = arith.addf %dot_general3A_23, %mul3A_28 : vector<2000x64xf32>
    %max3A = arith.constant 0.000000e+00 : f32
    %max3A_30 = vector.broadcast %max3A : f32 to vector<2000x64xf32>
    %max3A_31 = arith.maximumf %add3A_29, %max3A_30 : vector<2000x64xf32>
    %get3A_32 = arith.constant 0 : index
    %get3A_33 = arith.constant 0 : index
    %get3A_34 = vector.load %arg5[%get3A_32, %get3A_33] : memref<64x64xf32, #tpu.memory_space<vmem>>, vector<64x64xf32>
    %dot_general3A_35 = arith.constant dense<0.000000e+00> : vector<2000x64xf32>
    %dot_general3A_36 = tpu.matmul %max3A_31, %get3A_34, %dot_general3A_35 {dimension_numbers = #tpu.dot_dimension_numbers<[1], [0], [0], [1], [0, 0, 1, 1], [], []>, transpose_lhs_hint = false} : vector<2000x64xf32>, vector<64x64xf32>, vector<2000x64xf32> -> vector<2000x64xf32>
    %get3A_37 = arith.constant 0 : index
    %get3A_38 = arith.constant 0 : index
    %get3A_39 = vector.load %arg7[%get3A_37, %get3A_38] : memref<1x64xf32, #tpu.memory_space<vmem>>, vector<1x64xf32>
    %add3A_40 = vector.broadcast %get3A_39 : vector<1x64xf32> to vector<2000x64xf32>
    %add3A_41 = arith.addf %dot_general3A_36, %add3A_40 : vector<2000x64xf32>
    %swap3A = arith.constant 0 : index
    %swap3A_42 = arith.constant 0 : index
    %swap3A_43 = vector.load %arg8[%swap3A, %swap3A_42] : memref<2000x64xf32, #tpu.memory_space<vmem>>, vector<2000x64xf32>
    tpu.vector_store %arg8[%swap3A, %swap3A_42], %add3A_41 {strides = array<i32>} : memref<2000x64xf32, #tpu.memory_space<vmem>>, vector<2000x64xf32>,
    %get3A_44 = arith.constant 0 : index
    %get3A_45 = arith.constant 0 : index
    %get3A_46 = vector.load %arg6[%get3A_44, %get3A_45] : memref<64x64xf32, #tpu.memory_space<vmem>>, vector<64x64xf32>
    %dot_general3A_47 = arith.constant dense<0.000000e+00> : vector<2000x64xf32>
    %dot_general3A_48 = tpu.matmul %max3A_31, %get3A_46, %dot_general3A_47 {dimension_numbers = #tpu.dot_dimension_numbers<[1], [0], [0], [1], [0, 0, 1, 1], [], []>, transpose_lhs_hint = false} : vector<2000x64xf32>, vector<64x64xf32>, vector<2000x64xf32> -> vector<2000x64xf32>
    %swap3A_49 = arith.constant 0 : index
    %swap3A_50 = arith.constant 0 : index
    %swap3A_51 = vector.load %arg9[%swap3A_49, %swap3A_50] : memref<2000x64xf32, #tpu.memory_space<vmem>>, vector<2000x64xf32>
    tpu.vector_store %arg9[%swap3A_49, %swap3A_50], %dot_general3A_48 {strides = array<i32>} : memref<2000x64xf32, #tpu.memory_space<vmem>>, vector<2000x64xf32>,
    return
  }
  func.func @transform_0(%arg0: i32) -> (i32, i32, i32) {
    %c0_i32 = arith.constant 0 : i32
    %c0_i32_0 = arith.constant 0 : i32
    %c0_i32_1 = arith.constant 0 : i32
    return %c0_i32, %arg0, %c0_i32_0 : i32, i32, i32
  }
  func.func @transform_1(%arg0: i32) -> (i32, i32, i32) {
    %c0_i32 = arith.constant 0 : i32
    %c0_i32_0 = arith.constant 0 : i32
    %c0_i32_1 = arith.constant 0 : i32
    return %c0_i32, %arg0, %c0_i32_0 : i32, i32, i32
  }
  func.func @transform_2(%arg0: i32) -> (i32, i32) {
    %c0_i32 = arith.constant 0 : i32
    %c0_i32_0 = arith.constant 0 : i32
    %c0_i32_1 = arith.constant 0 : i32
    return %c0_i32, %c0_i32_0 : i32, i32
  }
  func.func @transform_3(%arg0: i32) -> (i32, i32) {
    %c0_i32 = arith.constant 0 : i32
    %c0_i32_0 = arith.constant 0 : i32
    %c0_i32_1 = arith.constant 0 : i32
    return %c0_i32, %c0_i32_0 : i32, i32
  }
  func.func @transform_4(%arg0: i32) -> (i32, i32) {
    %c0_i32 = arith.constant 0 : i32
    %c0_i32_0 = arith.constant 0 : i32
    %c0_i32_1 = arith.constant 0 : i32
    return %c0_i32, %c0_i32_0 : i32, i32
  }
  func.func @transform_5(%arg0: i32) -> (i32, i32) {
    %c0_i32 = arith.constant 0 : i32
    %c0_i32_0 = arith.constant 0 : i32
    %c0_i32_1 = arith.constant 0 : i32
    return %c0_i32, %c0_i32_0 : i32, i32
  }
  func.func @transform_6(%arg0: i32) -> (i32, i32) {
    %c0_i32 = arith.constant 0 : i32
    %c0_i32_0 = arith.constant 0 : i32
    %c0_i32_1 = arith.constant 0 : i32
    return %c0_i32, %c0_i32_0 : i32, i32
  }
  func.func @transform_7(%arg0: i32) -> (i32, i32) {
    %c0_i32 = arith.constant 0 : i32
    %c0_i32_0 = arith.constant 0 : i32
    return %arg0, %c0_i32 : i32, i32
  }
  func.func @transform_8(%arg0: i32) -> (i32, i32) {
    %c0_i32 = arith.constant 0 : i32
    %c0_i32_0 = arith.constant 0 : i32
    return %arg0, %c0_i32 : i32, i32
  }
}

</mosaic_0001>

<sc_bundles>
// kernel: kernel.11.cloned.1.call-start
scs
__scs_entry_jumppad:
0x0: {  	(pc) =	sbr.rel $0x88, $3  }
0x1: {  	(tag) =	ssettag $0x0;
	lr =	simm.s32 $0x1  }
0x2: {  	[smem:$0x3F8F] =	sst lr;
	_ =	strace $0xD0000000  }
0x3: {  	_ = 	snop  }
0x4: {  	_ = 	snop  }
0x5: {  	_ = 	snop  }
0x6: {  	_ = 	snop  }
0x7: {  	_ = 	snop  }
__scs_overlays_trampoline_lowered:
0x8: {  	[smem:$0x3F9E] =	sst s0  }
0x9: {  	[smem:$0x3F9F] =	sst s1  }
0xa: {  	[smem:$0x3FA0] =	sst s2  }
0xb: {  	[smem:$0x3FA1] =	sst s3  }
0xc: {  	[smem:$0x3FA2] =	sst s4  }
0xd: {  	[smem:$0x3FA3] =	sst s5  }
0xe: {  	[smem:$0x3FA4] =	sst s6  }
0xf: {  	[smem:$0x3FA5] =	sst s7  }
0x10: {  	[smem:$0x3FA6] =	sst s8  }
0x11: {  	[smem:$0x3FA7] =	sst s9;
	s0 =	simm.s32 @!p0 $0x0  }
0x12: {  	s1 =	sld [smem:$0x3F8D];
	s0 =	simm.s32 @p0 $0x1  }
0x13: {  	[smem:$0x3FA8] =	sst s0;
	s0 =	simm.s32 @!p1 $0x0  }
0x14: {  	s2 =	sld [smem:$0x3F8C];
	s0 =	simm.s32 @p1 $0x1  }
0x15: {  	[smem:$0x3FA9] =	sst s0;
	s0 =	simm.s32 @!p2 $0x0  }
0x16: {  	s3 =	sld [smem:$0x3FDB];
	s0 =	simm.s32 @p2 $0x1  }
0x17: {  	s4 =	simm.s32 $0x1BF5;
	[smem:$0x3FAB] =	sst s0  }
0x18: {  	s0 =	sld [smem:$0x3F8E];
	_ =	swait.ge [sflag:s4], $0x0  }
0x19: {  	s7 =	sld [smem:$0x3F8F]  }
0x1a: {  	s8 =	sadd.s32 $0xFFFFE003, lr  }
0x1b: {  	s9 =	sadd.s32 $0xFFFFFEF7, lr;
	s5 =	simm.s32 $0xFFFFFFFF;
	p2 =	slt.u32 s8, $0xFFFFF086  }
0x1c: {  	p1 =	slt.u32 s9, $0xF7A;
	s5 =	simm.s32 @!p2 $0x0  }
0x1d: {  	s5 =	simm.s32 @p1 $0x1;
	p0 =	seq.s32 s7, s2  }
0x1e: {  	s7 =	smul.u32 @!p0 $0xF7A, s2;
	p2 =	seq.s32 @!p0 s5, $0x0  }
0x1f: {  	s9 =	smul.u32 $0xF7A, s1;
	s8 =	simm.s32 @!p0 $0x1BF5;
	p2 =	por !p2, p0  }
0x20: {  	[sflag:s8] =	ssyncset.s32 @!p0 $0xFFFFF086;
	s6 =	sadd.s32 @!p0 s3, s7;
	s7 =	simm.s32 @!p0 $0x108  }
0x21: {  	s3 =	sadd.s32 s3, s9;
	s6 =	sadd.s32 @!p0 $0x88, s6;
	s7 =	simm.s32 @p2 $0x1082  }
0x22: {  	[simem:s7], [sflag:s8] =	dma.local @!p0 [hbm:s6], $0xF7A  }
0x23: {  	s9 =	sor.u32 $0xD0000000, s2;
	s6 =	simm.s32 $0x108;
	_ =	swait.ge @!p0 [sflag:s8], $0x0  }
0x24: {  	s3 =	sadd.s32 $0x88, s3;
	s6 =	simm.s32 @!p1 $0x1082;
	[sflag:s4] =	ssyncset.s32 $0xFFFFF086  }
0x25: {  	[simem:s6], [sflag:s4] =	dma.local [hbm:s3], $0xF7A  }
0x26: {  	[smem:$0x3F8F] =	sst s1;
	(tag) =	ssettag s2;
	_ =	strace s9  }
0x27: {  	s1 =	sld [smem:$0x3F9F]  }
0x28: {  	s2 =	sld [smem:$0x3FA0]  }
0x29: {  	s4 =	sld [smem:$0x3FA2]  }
0x2a: {  	p0 =	seq.s32 s5, $0x0;
	s5 =	sld [smem:$0x3FA3]  }
0x2b: {  	s6 =	sld [smem:$0x3FA4]  }
0x2c: {  	s7 =	sld [smem:$0x3FA5]  }
0x2d: {  	s3 =	simm.s32 $0x108;
	s8 =	sld [smem:$0x3FA6]  }
0x2e: {  	s3 =	simm.s32 @!p0 $0x1082;
	s9 =	sld [smem:$0x3FA7]  }
0x2f: {  	lr =	sadd.s32 s0, s3;
	s0 =	sld [smem:$0x3F9E]  }
0x30: {  	s3 =	sld [smem:$0x3FA1]  }
0x31: {  	[smem:$0x3FAA] =	sst s10  }
0x32: {  	s10 =	sld [smem:$0x3FA8];
	_ =	sdelay $0x3  }
0x33: {  	p0 =	seq.s32 s10, $0x1;
	s10 =	sld [smem:$0x3FAA];
	_ =	sdelay $0x3  }
0x34: {  	[smem:$0x3FAA] =	sst s10  }
0x35: {  	s10 =	sld [smem:$0x3FA9];
	_ =	sdelay $0x3  }
0x36: {  	p1 =	seq.s32 s10, $0x1;
	s10 =	sld [smem:$0x3FAA];
	_ =	sdelay $0x3  }
0x37: {  	[smem:$0x3FAA] =	sst s10  }
0x38: {  	s10 =	sld [smem:$0x3FAB]  }
0x39: {  	_ = 	snop;
	(pc) =	sbr.ind lr, $3  }
0x3a: {  	_ = 	snop  }
0x3b: {  	_ = 	snop  }
0x3c: {  	p2 =	seq.s32 s10, $0x1;
	s10 =	sld [smem:$0x3FAA]  }
0x3d: {  	_ =	shalt  }
0x3e: {  	_ =	shalt  }
0x3f: {  	_ =	shalt  }
0x40: {  	_ =	shalt  }
0x41: {  	_ =	shalt  }
0x42: {  	_ =	shalt  }
0x43: {  	_ =	shalt  }
0x44: {  	_ =	shalt  }
0x45: {  	_ =	shalt  }
0x46: {  	_ =	shalt  }
0x47: {  	_ =	shalt  }
0x48: {  	_ =	shalt  }
0x49: {  	_ =	shalt  }
0x4a: {  	_ =	shalt  }
0x4b: {  	_ =	shalt  }
0x4c: {  	_ =	shalt  }
0x4d: {  	_ =	shalt  }
0x4e: {  	_ =	shalt  }
0x4f: {  	_ =	shalt  }
0x50: {  	_ =	shalt  }
0x51: {  	_ =	shalt  }
0x52: {  	_ =	shalt  }
0x53: {  	_ =	shalt  }
0x54: {  	_ =	shalt  }
0x55: {  	_ =	shalt  }
0x56: {  	_ =	shalt  }
0x57: {  	_ =	shalt  }
0x58: {  	_ =	shalt  }
0x59: {  	_ =	shalt  }
0x5a: {  	_ =	shalt  }
0x5b: {  	_ =	shalt  }
0x5c: {  	_ =	shalt  }
0x5d: {  	_ =	shalt  }
0x5e: {  	_ =	shalt  }
0x5f: {  	_ =	shalt  }
0x60: {  	_ =	shalt  }
0x61: {  	_ =	shalt  }
0x62: {  	_ =	shalt  }
0x63: {  	_ =	shalt  }
0x64: {  	_ =	shalt  }
0x65: {  	_ =	shalt  }
0x66: {  	_ =	shalt  }
0x67: {  	_ =	shalt  }
0x68: {  	_ =	shalt  }
0x69: {  	_ =	shalt  }
0x6a: {  	_ =	shalt  }
0x6b: {  	_ =	shalt  }
0x6c: {  	_ =	shalt  }
0x6d: {  	_ =	shalt  }
0x6e: {  	_ =	shalt  }
0x6f: {  	_ =	shalt  }
0x70: {  	_ =	shalt  }
0x71: {  	_ =	shalt  }
0x72: {  	_ =	shalt  }
0x73: {  	_ =	shalt  }
0x74: {  	_ =	shalt  }
0x75: {  	_ =	shalt  }
0x76: {  	_ =	shalt  }
0x77: {  	_ =	shalt  }
0x78: {  	_ =	shalt  }
0x79: {  	_ =	shalt  }
0x7a: {  	_ =	shalt  }
0x7b: {  	_ =	shalt  }
0x7c: {  	_ =	shalt  }
0x7d: {  	_ =	shalt  }
0x7e: {  	_ =	shalt  }
0x7f: {  	_ =	shalt  }
0x80: {  	_ =	shalt  }
0x81: {  	_ =	shalt  }
0x82: {  	_ =	shalt  }
0x83: {  	_ =	shalt  }
0x84: {  	_ =	shalt  }
0x85: {  	_ =	shalt  }
0x86: {  	_ =	shalt  }
0x87: {  	_ =	shalt  }
.Lfunc_end0:
.L_simem_size_0:
called_computation_lowered:
.L_overlay_start_0:
0x88: {  	s2 =	sld [smem:$0x3FD9]  }
0x89: {  	s3 =	sld [smem:$0x3FFE];
	_ =	sdelay $0x1  }
0x8a: {  	s1 =	srdreg.scid  }
0x8b: {  	s0 =	sand.u32 $0x1, s1  }
0x8c: {  	s17 =	sshll.u32 s0, $0xA;
	s2 =	sadd.s32 s3, s2  }
0x8d: {  	s2 =	sadd.s32 s2, s17  }
0x8e: {  	[smem:$0x3FB6] =	sst s2  }
0x8f: {  	_ = 	snop  }
0x90: {  	s2 =	sld [smem:$0x3FD0];
	(tm) =	ssettm $0x1  }
0x91: {  	s18 =	sld [smem:$0x3FFB];
	_ =	sdelay $0x3  }
0x92: {  	_ =	strace s18  }
0x93: {  	s3 =	sld [smem:$0x3FFC];
	_ =	sdelay $0x3  }
0x94: {  	_ =	strace s3  }
0x95: {  	s3 =	sld [smem:$0x3FFD];
	_ =	sdelay $0x3  }
0x96: {  	_ =	strace s3  }
0x97: {  	_ =	strace $0x8FFFFFFF  }
0x98: {  	s19 =	sld [smem:$0x3FDB];
	_ =	sdelay $0x1  }
0x99: {  	s4 =	simm.s32 $_scs_section_size  }
0x9a: {  	s5 =	simm.s32 $_size__tile_overlayer_lowered;
	s6 =	simm.s32 $_tile_overlayer_lowered  }
0x9b: {  	s22 =	simm.s32 $0x1BFF;
	s21 =	sshll.u32 s6, $0x1;
	s3 =	sadd.s32 s4, s19  }
0x9c: {  	s7 =	simm.s32 $0x0;
	s20 =	sshll.u32 s5, $0x1;
	s5 =	sadd.s32 s21, s3  }
0x9d: {  	[timem:s7], [sflag:s22] =	dma.local [hbm:s5], s20  }
0x9e: {  	_ =	swait.ge [sflag:s22], s20  }
0x9f: {  	s4 =	ssub.s32 $0x0, s20;
	[sflag:s22] =	ssyncset.done $0x0  }
0xa0: {  	[sflag:s22] =	ssyncadd.s32 s4;
	_ =	sdelay $0x1  }
0xa1: {  	s23 =	simm.s32 $0x1B8B  }
0xa2: {  	_ =	swait.ge [sflag:s23], $0x1  }
0xa3: {  	[sflag:s23] =	ssyncset.done $0x0  }
0xa4: {  	s25 =	simm.s32 $0x1B8E;
	s24 =	sld [smem:$0x3FFE];
	[sflag:s23] =	ssyncadd.s32 $0xFFFFFFFF  }
0xa5: {  	s26 =	simm.s32 $execute0_lowered;
	[smem:$0x3FD2] =	sst s25  }
0xa6: {  	s5 =	sshll.u32 s26, $0x1;
	_ =	strace $0x80000046;
	[dreg:$0x1] =	wrdreg $0xFFFFFFFF  }
0xa7: {  	s28 =	simm.s32 $_size_execute0_lowered;
	s3 =	sadd.s32 s3, s5;
	[dreg:$0x0] =	wrdreg $0x0  }
0xa8: {  	s5 =	sshll.u32 s28, $0x1;
	[dreg:$0x2] =	wrdreg s3  }
0xa9: {  	[dreg:$0x3] =	wrdreg s5  }
0xaa: {  	[dreg:$0x4] =	wrdreg $0xC0  }
0xab: {  	_ =	task [dreg:s7], $0x5FFFF  }
0xac: {  	[dreg:$0x1] =	wrdreg $0xFFFFFFFF  }
0xad: {  	[dreg:$0x0] =	wrdreg $0x60  }
0xae: {  	[dreg:$0x2] =	wrdreg s2  }
0xaf: {  	[dreg:$0x3] =	wrdreg s24  }
0xb0: {  	[dreg:$0x4] =	wrdreg $0x9  }
0xb1: {  	_ =	task.clear_ibuf [dreg:s7], $0x5FFFF;
	_ =	strace $0x90000046  }
0xb2: {  	s29 =	simm.s32 $0x9;
	_ =	strace $0x80000048  }
0xb3: {  	_ =	swait.ge [sflag:s29], $0x1  }
0xb4: {  	[sflag:s29] =	ssyncadd.s32 $0xFFFFFFFF  }
0xb5: {  	_ =	strace $0x90000048  }
0xb6: {  	_ =	sfence  }
0xb7: {  	s30 =	sld [smem:$0x0];
	_ =	sdelay $0x2  }
0xb8: {  	s31 =	sshll.u32 s1, $0xD;
	s1 =	sshrl.u32 s1, $0x2  }
0xb9: {  	s3 =	sand.u32 $0x4000, s31;
	s1 =	sadd.s32 s1, s30  }
0xba: {  	s0 =	sor.u32 s3, s0;
	s1 =	sshll.u32 s1, $0x11  }
0xbb: {  	s0 =	sor.u32 s1, s0  }
0xbc: {  	s0 =	sadd.s32 $0x8F2B, s0  }
0xbd: {  	[sflag:s0] =	ssyncadd.remote.s32 $0x1  }
0xbe: {  	_ =	sfence.sel $0xFFFF  }
0xbf: {  	[dreg:$0x0] =	wrdreg $0xFFFFFFFF;
	(pc) =	sbr.abs _section_cstart, $3  }
0xc0: {  	[dreg:$0x1] =	wrdreg $0xFFFFFFFF  }
0xc1: {  	_ =	task.clear_ibuf [dreg:s7], $0x2FFFF;
	_ =	strace $0x9FFFFFFF  }
0xc2: {  	(tm) =	ssettm $0x7FFFFFFF  }
0xc3: {  	_ =	shalt  }
tec
execute0_lowered:
.L_overlay_start_1:
0x0: {  	(tag) =	ssettag $0x1  }
0x1: {  	s1 =	srdreg.scid;
	s2 =	rddreg [dreg:$0x0]  }
0x2: {  	s0 =	stileid.u32;
	s7 =	rddreg [dreg:$0x1];
	s3 =	simm.s32 $0x0  }
0x3: {  	s12 =	simm.s32 $0x3;
	s13 =	simm.s32 $0x2710;
	s14 =	simm.s32 $0x50  }
0x4: {  	s15 =	simm.s32 $0x4E20;
	s16 =	simm.s32 $0x6220;
	s17 =	simm.s32 $0x7620  }
0x5: {  	s18 =	simm.s32 $0x2760;
	s19 =	simm.s32 $0x8A20;
	s20 =	simm.s32 $0x1  }
0x6: {  	s21 =	simm.s32 $0x2;
	s6 =	sand.u32 $0x1, s1;
	s29 =	sshll.u32 s0, $0x1  }
0x7: {  	s22 =	simm.s32 $0x0;
	s1 =	rddreg [dreg:$0x2];
	s5 =	sor.u32 s6, s29  }
0x8: {  	[smem:$0x7FF] =	sst s3;
	s10 =	ssub.s32 $0x2, s6;
	s4 =	smul.u32 $0x2710, s5  }
0x9: {  	_ =	strace $0x80000047;
	s9 =	smul.u32 $0x9C400, s5;
	s30 =	sshrl.u32 s10, $0x1  }
0xa: {  	s6 =	sadd.s32 $0x2C400, s7;
	s5 =	sadd.s32 $0x18A00, s7;
	s11 =	ssub.s32 s10, s30  }
0xb: {  	s8 =	sshrl.u32 s4, $0x3;
	s9 =	sshrl.u32 s9, $0x3;
	s11 =	smax.u32 s11, $0x1  }
0xc: {  	s8 =	sadd.s32 s8, s7;
	s31 =	sadd.s32 s6, s9;
	s9 =	sadd.s32 $0x50, s4  }
0xd: {  	s7 =	sadd.s32 $0xEC00, s8;
	s8 =	sadd.s32 $0x4E00, s8;
	s10 =	sadd.s32 $0x13600, s31  }
.LBB2_1:
0xe: {  	[tilespmem:s3], [sflag:$0x3] =	stream.linear.gather [hbm4b:s7+s3], $0x2710, $0x38;
	[tilespmem:$0x9E20] =	vst v63  }
0xf: {  	_ =	swait.ge [sflag:s12], $0x2710  }
0x10: {  	[sflag:s12] =	ssyncset.done $0x0  }
0x11: {  	[sflag:s12] =	ssyncadd.s32 $0xFFFFD8F0  }
0x12: {  	[tilespmem:s13], [sflag:$0x3] =	stream.linear.gather [hbm4b:s8+s3], $0x2710, $0x38;
	[tilespmem:$0x9E20] =	vst v63  }
0x13: {  	_ =	swait.ge [sflag:s12], $0x2710  }
0x14: {  	[sflag:s12] =	ssyncset.done $0x0  }
0x15: {  	[sflag:s12] =	ssyncadd.s32 $0xFFFFD8F0  }
0x16: {  	[tilespmem:s15], [sflag:$0x1] =	stream.indirect.gather [hbm4b:s2+s14], $0x40, s3, s14, $0xb8;
	[tilespmem:$0x9E20] =	vst v63  }
0x17: {  	_ = 	snop  }
0x18: {  	[tilespmem:s16], [sflag:$0x1] =	stream.indirect.gather [hbm4b:s5+s14], $0x40, s13, s14, $0xb8;
	[tilespmem:$0x9E20] =	vst v63  }
0x19: {  	_ = 	snop  }
0x1a: {  	[tilespmem:s17], [sflag:$0x2] =	stream.indirect.gather [hbm4b:s2+s14], $0x40, s14, s14, $0xb8;
	[tilespmem:$0x9E20] =	vst v63  }
0x1b: {  	s23 =	simm.s32 $0x0  }
0x1c: {  	[tilespmem:s19], [sflag:$0x2] =	stream.indirect.gather [hbm4b:s5+s14], $0x40, s18, s14, $0xb8;
	[tilespmem:$0x9E20] =	vst v63  }
.LBB2_2:
0x1d: {  	_ =	swait.ge [sflag:s20], $0x1400  }
0x1e: {  	[sflag:s20] =	ssyncset.done $0x0  }
0x1f: {  	[sflag:s20] =	ssyncadd.s32 $0xFFFFEC00  }
0x20: {  	_ =	swait.ge [sflag:s20], $0x1400  }
0x21: {  	[sflag:s20] =	ssyncset.done $0x0  }
0x22: {  	s25 =	simm.s32 $0x4EA0;
	[sflag:s20] =	ssyncadd.s32 $0xFFFFEC00  }
0x23: {  	s24 =	simm.s32 $0x62A0;
	v0 =	vld [tilespmem:s25+$0x40]  }
0x24: {  	v1 =	vld [tilespmem:s24+$0x40]  }
0x25: {  	v2 =	vld [tilespmem:s25+$0xFFFFFFC0]  }
0x26: {  	v3 =	vld [tilespmem:s24+$0xFFFFFFC0]  }
0x27: {  	v4 =	vld [tilespmem:s25+$0x0]  }
0x28: {  	v5 =	vld [tilespmem:s24+$0x0]  }
0x29: {  	v6 =	vld [tilespmem:s25+$0xFFFFFF80];
	v0 =	vadd.f32 v1, v0  }
0x2a: {  	v1 =	vld [tilespmem:s24+$0xFFFFFF80]  }
0x2b: {  	[tilespmem:s25+$0x40] =	vst v0;
	v0 =	vld [tilespmem:s25+$0x50]  }
0x2c: {  	v2 =	vadd.f32 v3, v2;
	v3 =	vld [tilespmem:s24+$0x50]  }
0x2d: {  	v7 =	vld [tilespmem:s25+$0xFFFFFF90]  }
0x2e: {  	[tilespmem:s25+$0xFFFFFFC0] =	vst v2;
	v2 =	vadd.f32 v5, v4;
	v4 =	vld [tilespmem:s25+$0xFFFFFFD0]  }
0x2f: {  	v5 =	vld [tilespmem:s24+$0xFFFFFFD0];
	v1 =	vadd.f32 v1, v6  }
0x30: {  	[tilespmem:s25+$0x0] =	vst v2;
	v2 =	vld [tilespmem:s25+$0x10]  }
0x31: {  	v6 =	vld [tilespmem:s24+$0x10];
	[tilespmem:s25+$0xFFFFFF80] =	vst v1;
	v0 =	vadd.f32 v3, v0  }
0x32: {  	v1 =	vld [tilespmem:s24+$0xFFFFFF90]  }
0x33: {  	[tilespmem:s25+$0x50] =	vst v0;
	v0 =	vld [tilespmem:s25+$0x60]  }
0x34: {  	v3 =	vadd.f32 v5, v4;
	v4 =	vld [tilespmem:s24+$0x60]  }
0x35: {  	v5 =	vld [tilespmem:s25+$0xFFFFFFA0]  }
0x36: {  	[tilespmem:s25+$0xFFFFFFD0] =	vst v3;
	v2 =	vadd.f32 v6, v2;
	v3 =	vld [tilespmem:s25+$0xFFFFFFE0]  }
0x37: {  	v6 =	vld [tilespmem:s24+$0xFFFFFFE0];
	v1 =	vadd.f32 v1, v7  }
0x38: {  	[tilespmem:s25+$0x10] =	vst v2;
	v2 =	vld [tilespmem:s25+$0x20]  }
0x39: {  	v7 =	vld [tilespmem:s24+$0x20];
	[tilespmem:s25+$0xFFFFFF90] =	vst v1;
	v0 =	vadd.f32 v4, v0  }
0x3a: {  	v4 =	vld [tilespmem:s24+$0xFFFFFFA0]  }
0x3b: {  	v8 =	vld [tilespmem:s25+$0x70];
	[tilespmem:s25+$0x60] =	vst v0  }
0x3c: {  	v1 =	vadd.f32 v6, v3;
	v6 =	vld [tilespmem:s24+$0x70]  }
0x3d: {  	v0 =	vld [tilespmem:s25+$0xFFFFFFB0]  }
0x3e: {  	[tilespmem:s25+$0xFFFFFFE0] =	vst v1;
	v2 =	vadd.f32 v7, v2;
	v1 =	vld [tilespmem:s25+$0xFFFFFFF0]  }
0x3f: {  	v3 =	vld [tilespmem:s24+$0xFFFFFFF0];
	v4 =	vadd.f32 v4, v5  }
0x40: {  	[tilespmem:s25+$0x20] =	vst v2;
	v2 =	vld [tilespmem:s25+$0x30]  }
0x41: {  	[tilespmem:s25+$0xFFFFFFA0] =	vst v4;
	v4 =	vld [tilespmem:s24+$0x30];
	v6 =	vadd.f32 v6, v8  }
0x42: {  	s26 =	simm.s32 $0x0;
	s28 =	simm.s32 $0x4FA0;
	v5 =	vld [tilespmem:s24+$0xFFFFFFB0]  }
.LBB2_3:
0x43: {  	v7 =	vld [tilespmem:s28+$0x40];
	[tilespmem:s25+$0x70] =	vst v6;
	s24 =	sadd.s32 $0x100, s24  }
0x44: {  	s26 =	sadd.s32 $0x4, s26;
	v6 =	vld [tilespmem:s24+$0x40];
	v1 =	vadd.f32 v3, v1  }
0x45: {  	p0 =	slt.u32 s26, $0x4C;
	v3 =	vld [tilespmem:s24+$0xFFFFFF80]  }
0x46: {  	v8 =	vld [tilespmem:s28+$0xFFFFFFC0];
	[tilespmem:s25+$0xFFFFFFF0] =	vst v1;
	v1 =	vadd.f32 v4, v2  }
0x47: {  	v2 =	vld [tilespmem:s24+$0xFFFFFFC0];
	v0 =	vadd.f32 v5, v0  }
0x48: {  	v4 =	vld [tilespmem:s28+$0x0];
	[tilespmem:s25+$0x30] =	vst v1  }
0x49: {  	v1 =	vld [tilespmem:s24+$0x0];
	v5 =	vadd.f32 v6, v7;
	[tilespmem:s25+$0xFFFFFFB0] =	vst v0;
	s25 =	smov.u32 s28  }
0x4a: {  	v0 =	vld [tilespmem:s28+$0xFFFFFF80]  }
0x4b: {  	[tilespmem:s28+$0x40] =	vst v5;
	v5 =	vld [tilespmem:s28+$0x50]  }
0x4c: {  	v2 =	vadd.f32 v2, v8;
	v6 =	vld [tilespmem:s24+$0x50]  }
0x4d: {  	v7 =	vld [tilespmem:s28+$0xFFFFFF90]  }
0x4e: {  	[tilespmem:s28+$0xFFFFFFC0] =	vst v2;
	v2 =	vld [tilespmem:s28+$0xFFFFFFD0];
	v1 =	vadd.f32 v1, v4  }
0x4f: {  	v0 =	vadd.f32 v3, v0;
	v3 =	vld [tilespmem:s24+$0xFFFFFFD0]  }
0x50: {  	[tilespmem:s28+$0x0] =	vst v1;
	v1 =	vld [tilespmem:s28+$0x10]  }
0x51: {  	[tilespmem:s28+$0xFFFFFF80] =	vst v0;
	v0 =	vld [tilespmem:s24+$0x10];
	v4 =	vadd.f32 v6, v5  }
0x52: {  	v5 =	vld [tilespmem:s24+$0xFFFFFF90]  }
0x53: {  	[tilespmem:s28+$0x50] =	vst v4;
	v4 =	vld [tilespmem:s28+$0x60]  }
0x54: {  	v2 =	vadd.f32 v3, v2;
	v3 =	vld [tilespmem:s24+$0x60]  }
0x55: {  	v6 =	vld [tilespmem:s28+$0xFFFFFFA0]  }
0x56: {  	[tilespmem:s28+$0xFFFFFFD0] =	vst v2;
	v2 =	vld [tilespmem:s28+$0xFFFFFFE0];
	v0 =	vadd.f32 v0, v1  }
0x57: {  	v1 =	vadd.f32 v5, v7;
	v5 =	vld [tilespmem:s24+$0xFFFFFFE0]  }
0x58: {  	[tilespmem:s28+$0x10] =	vst v0;
	v7 =	vld [tilespmem:s28+$0x20]  }
0x59: {  	[tilespmem:s28+$0xFFFFFF90] =	vst v1;
	v8 =	vld [tilespmem:s24+$0x20];
	v0 =	vadd.f32 v3, v4  }
0x5a: {  	v3 =	vld [tilespmem:s24+$0xFFFFFFA0]  }
0x5b: {  	[tilespmem:s28+$0x60] =	vst v0;
	v9 =	vld [tilespmem:s28+$0x70]  }
0x5c: {  	v1 =	vadd.f32 v5, v2;
	v5 =	vld [tilespmem:s24+$0x70]  }
0x5d: {  	v0 =	vld [tilespmem:s28+$0xFFFFFFB0]  }
.Ltmp0:
0x5e: {  	[tilespmem:s28+$0xFFFFFFE0] =	vst v1;
	v1 =	vld [tilespmem:s28+$0xFFFFFFF0];
	v2 =	vadd.f32 v8, v7;
	(pc) =	sbr.rel @p0 .LBB2_3-.Ltmp0, $4  }
0x5f: {  	v4 =	vadd.f32 v3, v6;
	v3 =	vld [tilespmem:s24+$0xFFFFFFF0]  }
0x60: {  	[tilespmem:s28+$0x20] =	vst v2;
	v2 =	vld [tilespmem:s28+$0x30]  }
0x61: {  	[tilespmem:s28+$0xFFFFFFA0] =	vst v4;
	v4 =	vld [tilespmem:s24+$0x30];
	v6 =	vadd.f32 v5, v9  }
0x62: {  	s28 =	sadd.s32 $0x100, s28;
	v5 =	vld [tilespmem:s24+$0xFFFFFFB0]  }
0x63: {  	_ =	sdelay $0x1  }
0x64: {  	s24 =	smul.u32 $0xA0, s23;
	v1 =	vadd.f32 v3, v1  }
0x65: {  	[tilespmem:s25+$0x70] =	vst v6;
	v2 =	vadd.f32 v4, v2  }
0x66: {  	s26 =	sadd.s32 s4, s24;
	[tilespmem:s25+$0xFFFFFFF0] =	vst v1;
	v0 =	vadd.f32 v5, v0  }
0x67: {  	s26 =	sshll.u32 s26, $0x3;
	[tilespmem:s25+$0x30] =	vst v2  }
0x68: {  	s26 =	sadd.s32 s6, s26;
	[tilespmem:s25+$0xFFFFFFB0] =	vst v0  }
0x69: {  	[hbm4b:s26+s3] =	stream.linear.scatter [tilespmem:s15], [sflag:$0x3], $0x1400, $0x38;
	[tilespmem:$0x9E20] =	vst v63  }
0x6a: {  	_ =	swait.ge [sflag:s12], $0x1400  }
0x6b: {  	[sflag:s12] =	ssyncset.done $0x0  }
0x6c: {  	s30 =	sadd.s32 $0xA0, s24;
	[sflag:s12] =	ssyncadd.s32 $0xFFFFEC00  }
0x6d: {  	[tilespmem:s15], [sflag:$0x1] =	stream.indirect.gather [hbm4b:s2+s14], $0x40, s30, s14, $0xb8;
	[tilespmem:$0x9E20] =	vst v63  }
0x6e: {  	s31 =	sadd.s32 $0x27B0, s24  }
0x6f: {  	[tilespmem:s16], [sflag:$0x1] =	stream.indirect.gather [hbm4b:s5+s14], $0x40, s31, s14, $0xb8;
	[tilespmem:$0x9E20] =	vst v63  }
0x70: {  	_ =	swait.ge [sflag:s21], $0x1400  }
0x71: {  	[sflag:s21] =	ssyncset.done $0x0  }
0x72: {  	[sflag:s21] =	ssyncadd.s32 $0xFFFFEC00  }
0x73: {  	_ =	swait.ge [sflag:s21], $0x1400  }
0x74: {  	[sflag:s21] =	ssyncset.done $0x0  }
0x75: {  	s25 =	simm.s32 $0x76A0;
	[sflag:s21] =	ssyncadd.s32 $0xFFFFEC00  }
0x76: {  	s26 =	simm.s32 $0x8AA0;
	v0 =	vld [tilespmem:s25+$0x40]  }
0x77: {  	v1 =	vld [tilespmem:s26+$0x40]  }
0x78: {  	v2 =	vld [tilespmem:s25+$0xFFFFFFC0]  }
0x79: {  	v3 =	vld [tilespmem:s26+$0xFFFFFFC0]  }
0x7a: {  	v4 =	vld [tilespmem:s25+$0x0]  }
0x7b: {  	v5 =	vld [tilespmem:s26+$0x0]  }
0x7c: {  	v6 =	vld [tilespmem:s25+$0xFFFFFF80];
	v0 =	vadd.f32 v1, v0  }
0x7d: {  	v1 =	vld [tilespmem:s26+$0xFFFFFF80]  }
0x7e: {  	[tilespmem:s25+$0x40] =	vst v0;
	v0 =	vld [tilespmem:s25+$0x50]  }
0x7f: {  	v2 =	vadd.f32 v3, v2;
	v3 =	vld [tilespmem:s26+$0x50]  }
0x80: {  	v7 =	vld [tilespmem:s25+$0xFFFFFF90]  }
0x81: {  	[tilespmem:s25+$0xFFFFFFC0] =	vst v2;
	v2 =	vadd.f32 v5, v4;
	v4 =	vld [tilespmem:s25+$0xFFFFFFD0]  }
0x82: {  	v5 =	vld [tilespmem:s26+$0xFFFFFFD0];
	v1 =	vadd.f32 v1, v6  }
0x83: {  	[tilespmem:s25+$0x0] =	vst v2;
	v2 =	vld [tilespmem:s25+$0x10]  }
0x84: {  	v6 =	vld [tilespmem:s26+$0x10];
	[tilespmem:s25+$0xFFFFFF80] =	vst v1;
	v0 =	vadd.f32 v3, v0  }
0x85: {  	v1 =	vld [tilespmem:s26+$0xFFFFFF90]  }
0x86: {  	[tilespmem:s25+$0x50] =	vst v0;
	v0 =	vld [tilespmem:s25+$0x60]  }
0x87: {  	v3 =	vadd.f32 v5, v4;
	v4 =	vld [tilespmem:s26+$0x60]  }
0x88: {  	v5 =	vld [tilespmem:s25+$0xFFFFFFA0]  }
0x89: {  	[tilespmem:s25+$0xFFFFFFD0] =	vst v3;
	v2 =	vadd.f32 v6, v2;
	v3 =	vld [tilespmem:s25+$0xFFFFFFE0]  }
0x8a: {  	v6 =	vld [tilespmem:s26+$0xFFFFFFE0];
	v1 =	vadd.f32 v1, v7  }
0x8b: {  	[tilespmem:s25+$0x10] =	vst v2;
	v2 =	vld [tilespmem:s25+$0x20]  }
0x8c: {  	v7 =	vld [tilespmem:s26+$0x20];
	[tilespmem:s25+$0xFFFFFF90] =	vst v1;
	v0 =	vadd.f32 v4, v0  }
0x8d: {  	v4 =	vld [tilespmem:s26+$0xFFFFFFA0]  }
0x8e: {  	v8 =	vld [tilespmem:s25+$0x70];
	[tilespmem:s25+$0x60] =	vst v0  }
0x8f: {  	v1 =	vadd.f32 v6, v3;
	v6 =	vld [tilespmem:s26+$0x70]  }
0x90: {  	v0 =	vld [tilespmem:s25+$0xFFFFFFB0]  }
0x91: {  	[tilespmem:s25+$0xFFFFFFE0] =	vst v1;
	v2 =	vadd.f32 v7, v2;
	v1 =	vld [tilespmem:s25+$0xFFFFFFF0]  }
0x92: {  	v3 =	vld [tilespmem:s26+$0xFFFFFFF0];
	v4 =	vadd.f32 v4, v5  }
0x93: {  	[tilespmem:s25+$0x20] =	vst v2;
	v2 =	vld [tilespmem:s25+$0x30]  }
0x94: {  	[tilespmem:s25+$0xFFFFFFA0] =	vst v4;
	v4 =	vld [tilespmem:s26+$0x30];
	v6 =	vadd.f32 v6, v8  }
0x95: {  	s28 =	simm.s32 $0x0;
	s29 =	simm.s32 $0x77A0;
	v5 =	vld [tilespmem:s26+$0xFFFFFFB0]  }
.LBB2_5:
0x96: {  	v7 =	vld [tilespmem:s29+$0x40];
	[tilespmem:s25+$0x70] =	vst v6;
	s26 =	sadd.s32 $0x100, s26  }
0x97: {  	s28 =	sadd.s32 $0x4, s28;
	v6 =	vld [tilespmem:s26+$0x40];
	v1 =	vadd.f32 v3, v1  }
0x98: {  	p0 =	slt.u32 s28, $0x4C;
	v3 =	vld [tilespmem:s26+$0xFFFFFF80]  }
0x99: {  	v8 =	vld [tilespmem:s29+$0xFFFFFFC0];
	[tilespmem:s25+$0xFFFFFFF0] =	vst v1;
	v1 =	vadd.f32 v4, v2  }
0x9a: {  	v2 =	vld [tilespmem:s26+$0xFFFFFFC0];
	v0 =	vadd.f32 v5, v0  }
0x9b: {  	v4 =	vld [tilespmem:s29+$0x0];
	[tilespmem:s25+$0x30] =	vst v1  }
0x9c: {  	v1 =	vld [tilespmem:s26+$0x0];
	v5 =	vadd.f32 v6, v7;
	[tilespmem:s25+$0xFFFFFFB0] =	vst v0;
	s25 =	smov.u32 s29  }
0x9d: {  	v0 =	vld [tilespmem:s29+$0xFFFFFF80]  }
0x9e: {  	[tilespmem:s29+$0x40] =	vst v5;
	v5 =	vld [tilespmem:s29+$0x50]  }
0x9f: {  	v2 =	vadd.f32 v2, v8;
	v6 =	vld [tilespmem:s26+$0x50]  }
0xa0: {  	v7 =	vld [tilespmem:s29+$0xFFFFFF90]  }
0xa1: {  	[tilespmem:s29+$0xFFFFFFC0] =	vst v2;
	v2 =	vld [tilespmem:s29+$0xFFFFFFD0];
	v1 =	vadd.f32 v1, v4  }
0xa2: {  	v0 =	vadd.f32 v3, v0;
	v3 =	vld [tilespmem:s26+$0xFFFFFFD0]  }
0xa3: {  	[tilespmem:s29+$0x0] =	vst v1;
	v1 =	vld [tilespmem:s29+$0x10]  }
0xa4: {  	[tilespmem:s29+$0xFFFFFF80] =	vst v0;
	v0 =	vld [tilespmem:s26+$0x10];
	v4 =	vadd.f32 v6, v5  }
0xa5: {  	v5 =	vld [tilespmem:s26+$0xFFFFFF90]  }
0xa6: {  	[tilespmem:s29+$0x50] =	vst v4;
	v4 =	vld [tilespmem:s29+$0x60]  }
0xa7: {  	v2 =	vadd.f32 v3, v2;
	v3 =	vld [tilespmem:s26+$0x60]  }
0xa8: {  	v6 =	vld [tilespmem:s29+$0xFFFFFFA0]  }
0xa9: {  	[tilespmem:s29+$0xFFFFFFD0] =	vst v2;
	v2 =	vld [tilespmem:s29+$0xFFFFFFE0];
	v0 =	vadd.f32 v0, v1  }
0xaa: {  	v1 =	vadd.f32 v5, v7;
	v5 =	vld [tilespmem:s26+$0xFFFFFFE0]  }
0xab: {  	[tilespmem:s29+$0x10] =	vst v0;
	v7 =	vld [tilespmem:s29+$0x20]  }
0xac: {  	[tilespmem:s29+$0xFFFFFF90] =	vst v1;
	v8 =	vld [tilespmem:s26+$0x20];
	v0 =	vadd.f32 v3, v4  }
0xad: {  	v3 =	vld [tilespmem:s26+$0xFFFFFFA0]  }
0xae: {  	[tilespmem:s29+$0x60] =	vst v0;
	v9 =	vld [tilespmem:s29+$0x70]  }
0xaf: {  	v1 =	vadd.f32 v5, v2;
	v5 =	vld [tilespmem:s26+$0x70]  }
0xb0: {  	v0 =	vld [tilespmem:s29+$0xFFFFFFB0]  }
.Ltmp1:
0xb1: {  	[tilespmem:s29+$0xFFFFFFE0] =	vst v1;
	v1 =	vld [tilespmem:s29+$0xFFFFFFF0];
	v2 =	vadd.f32 v8, v7;
	(pc) =	sbr.rel @p0 .LBB2_5-.Ltmp1, $4  }
0xb2: {  	v4 =	vadd.f32 v3, v6;
	v3 =	vld [tilespmem:s26+$0xFFFFFFF0]  }
0xb3: {  	[tilespmem:s29+$0x20] =	vst v2;
	v2 =	vld [tilespmem:s29+$0x30]  }
0xb4: {  	[tilespmem:s29+$0xFFFFFFA0] =	vst v4;
	v4 =	vld [tilespmem:s26+$0x30];
	v6 =	vadd.f32 v5, v9  }
0xb5: {  	s29 =	sadd.s32 $0x100, s29;
	v5 =	vld [tilespmem:s26+$0xFFFFFFB0]  }
0xb6: {  	_ =	sdelay $0x1  }
0xb7: {  	v1 =	vadd.f32 v3, v1  }
0xb8: {  	[tilespmem:s25+$0x70] =	vst v6;
	s26 =	sadd.s32 s24, s9;
	v2 =	vadd.f32 v4, v2  }
0xb9: {  	s26 =	sshll.u32 s26, $0x3;
	[tilespmem:s25+$0xFFFFFFF0] =	vst v1;
	v0 =	vadd.f32 v5, v0  }
0xba: {  	p0 =	seq.s32 s23, $0x3D;
	s26 =	sand.u32 $0x1FFFFF80, s26;
	[tilespmem:s25+$0x30] =	vst v2  }
.Ltmp2:
0xbb: {  	s31 =	sadd.s32 s6, s26;
	[tilespmem:s25+$0xFFFFFFB0] =	vst v0;
	(pc) =	sbr.rel @p0 .LBB2_8-.Ltmp2, $4  }
0xbc: {  	[hbm4b:s31+s3] =	stream.linear.scatter [tilespmem:s17], [sflag:$0x3], $0x1400, $0x38;
	[tilespmem:$0x9E20] =	vst v63  }
0xbd: {  	_ =	swait.ge [sflag:s12], $0x1400  }
0xbe: {  	[sflag:s12] =	ssyncset.done $0x0  }
0xbf: {  	[sflag:s12] =	ssyncadd.s32 $0xFFFFEC00  }
.Ltmp3:
0xc0: {  	(pc) =	sbr.rel .LBB2_2-.Ltmp3, $4  }
0xc1: {  	s25 =	sadd.s32 $0xF0, s24  }
0xc2: {  	[tilespmem:s17], [sflag:$0x2] =	stream.indirect.gather [hbm4b:s2+s14], $0x40, s25, s14, $0xb8;
	[tilespmem:$0x9E20] =	vst v63  }
0xc3: {  	s31 =	sadd.s32 $0x2800, s24;
	s23 =	sadd.s32 $0x1, s23  }
0xc4: {  	[tilespmem:s19], [sflag:$0x2] =	stream.indirect.gather [hbm4b:s5+s14], $0x40, s31, s14, $0xb8;
	[tilespmem:$0x9E20] =	vst v63  }
.LBB2_8:
0xc5: {  	_ =	swait.ge [sflag:s20], $0x1400  }
0xc6: {  	[sflag:s20] =	ssyncset.done $0x0  }
0xc7: {  	[sflag:s20] =	ssyncadd.s32 $0xFFFFEC00  }
0xc8: {  	_ =	swait.ge [sflag:s20], $0x1400  }
0xc9: {  	[sflag:s20] =	ssyncset.done $0x0  }
0xca: {  	s23 =	simm.s32 $0x4EA0;
	[sflag:s20] =	ssyncadd.s32 $0xFFFFEC00  }
0xcb: {  	s24 =	simm.s32 $0x62A0;
	v0 =	vld [tilespmem:s23+$0x40]  }
0xcc: {  	v1 =	vld [tilespmem:s24+$0x40]  }
0xcd: {  	v2 =	vld [tilespmem:s23+$0xFFFFFFC0]  }
0xce: {  	v3 =	vld [tilespmem:s24+$0xFFFFFFC0]  }
0xcf: {  	v4 =	vld [tilespmem:s23+$0x0]  }
0xd0: {  	v5 =	vld [tilespmem:s24+$0x0]  }
0xd1: {  	v6 =	vld [tilespmem:s23+$0xFFFFFF80];
	v0 =	vadd.f32 v1, v0  }
0xd2: {  	v1 =	vld [tilespmem:s24+$0xFFFFFF80]  }
0xd3: {  	[tilespmem:s23+$0x40] =	vst v0;
	v0 =	vld [tilespmem:s23+$0x50]  }
0xd4: {  	v2 =	vadd.f32 v3, v2;
	v3 =	vld [tilespmem:s24+$0x50]  }
0xd5: {  	v7 =	vld [tilespmem:s23+$0xFFFFFF90]  }
0xd6: {  	[tilespmem:s23+$0xFFFFFFC0] =	vst v2;
	v2 =	vadd.f32 v5, v4;
	v4 =	vld [tilespmem:s23+$0xFFFFFFD0]  }
0xd7: {  	v5 =	vld [tilespmem:s24+$0xFFFFFFD0];
	v1 =	vadd.f32 v1, v6  }
0xd8: {  	[tilespmem:s23+$0x0] =	vst v2;
	v2 =	vld [tilespmem:s23+$0x10]  }
0xd9: {  	v6 =	vld [tilespmem:s24+$0x10];
	[tilespmem:s23+$0xFFFFFF80] =	vst v1;
	v0 =	vadd.f32 v3, v0  }
0xda: {  	v1 =	vld [tilespmem:s24+$0xFFFFFF90]  }
0xdb: {  	[tilespmem:s23+$0x50] =	vst v0;
	v0 =	vld [tilespmem:s23+$0x60]  }
0xdc: {  	v3 =	vadd.f32 v5, v4;
	v4 =	vld [tilespmem:s24+$0x60]  }
0xdd: {  	v5 =	vld [tilespmem:s23+$0xFFFFFFA0]  }
0xde: {  	[tilespmem:s23+$0xFFFFFFD0] =	vst v3;
	v2 =	vadd.f32 v6, v2;
	v3 =	vld [tilespmem:s23+$0xFFFFFFE0]  }
0xdf: {  	v6 =	vld [tilespmem:s24+$0xFFFFFFE0];
	v1 =	vadd.f32 v1, v7  }
0xe0: {  	[tilespmem:s23+$0x10] =	vst v2;
	v2 =	vld [tilespmem:s23+$0x20]  }
0xe1: {  	v7 =	vld [tilespmem:s24+$0x20];
	[tilespmem:s23+$0xFFFFFF90] =	vst v1;
	v0 =	vadd.f32 v4, v0  }
0xe2: {  	v4 =	vld [tilespmem:s24+$0xFFFFFFA0]  }
0xe3: {  	v8 =	vld [tilespmem:s23+$0x70];
	[tilespmem:s23+$0x60] =	vst v0  }
0xe4: {  	v1 =	vadd.f32 v6, v3;
	v6 =	vld [tilespmem:s24+$0x70]  }
0xe5: {  	v0 =	vld [tilespmem:s23+$0xFFFFFFB0]  }
0xe6: {  	[tilespmem:s23+$0xFFFFFFE0] =	vst v1;
	v2 =	vadd.f32 v7, v2;
	v1 =	vld [tilespmem:s23+$0xFFFFFFF0]  }
0xe7: {  	v3 =	vld [tilespmem:s24+$0xFFFFFFF0];
	v4 =	vadd.f32 v4, v5  }
0xe8: {  	[tilespmem:s23+$0x20] =	vst v2;
	v2 =	vld [tilespmem:s23+$0x30]  }
0xe9: {  	[tilespmem:s23+$0xFFFFFFA0] =	vst v4;
	v4 =	vld [tilespmem:s24+$0x30];
	v6 =	vadd.f32 v6, v8  }
0xea: {  	s25 =	simm.s32 $0x0;
	s26 =	simm.s32 $0x4FA0;
	v5 =	vld [tilespmem:s24+$0xFFFFFFB0]  }
.LBB2_9:
0xeb: {  	v7 =	vld [tilespmem:s26+$0x40];
	[tilespmem:s23+$0x70] =	vst v6;
	s24 =	sadd.s32 $0x100, s24  }
0xec: {  	s25 =	sadd.s32 $0x4, s25;
	v6 =	vld [tilespmem:s24+$0x40];
	v1 =	vadd.f32 v3, v1  }
0xed: {  	p0 =	slt.u32 s25, $0x4C;
	v3 =	vld [tilespmem:s24+$0xFFFFFF80]  }
0xee: {  	v8 =	vld [tilespmem:s26+$0xFFFFFFC0];
	[tilespmem:s23+$0xFFFFFFF0] =	vst v1;
	v1 =	vadd.f32 v4, v2  }
0xef: {  	v2 =	vld [tilespmem:s24+$0xFFFFFFC0];
	v0 =	vadd.f32 v5, v0  }
0xf0: {  	v4 =	vld [tilespmem:s26+$0x0];
	[tilespmem:s23+$0x30] =	vst v1  }
0xf1: {  	v1 =	vld [tilespmem:s24+$0x0];
	v5 =	vadd.f32 v6, v7;
	[tilespmem:s23+$0xFFFFFFB0] =	vst v0;
	s23 =	smov.u32 s26  }
0xf2: {  	v0 =	vld [tilespmem:s26+$0xFFFFFF80]  }
0xf3: {  	[tilespmem:s26+$0x40] =	vst v5;
	v5 =	vld [tilespmem:s26+$0x50]  }
0xf4: {  	v2 =	vadd.f32 v2, v8;
	v6 =	vld [tilespmem:s24+$0x50]  }
0xf5: {  	v7 =	vld [tilespmem:s26+$0xFFFFFF90]  }
0xf6: {  	[tilespmem:s26+$0xFFFFFFC0] =	vst v2;
	v2 =	vld [tilespmem:s26+$0xFFFFFFD0];
	v1 =	vadd.f32 v1, v4  }
0xf7: {  	v0 =	vadd.f32 v3, v0;
	v3 =	vld [tilespmem:s24+$0xFFFFFFD0]  }
0xf8: {  	[tilespmem:s26+$0x0] =	vst v1;
	v1 =	vld [tilespmem:s26+$0x10]  }
0xf9: {  	[tilespmem:s26+$0xFFFFFF80] =	vst v0;
	v0 =	vld [tilespmem:s24+$0x10];
	v4 =	vadd.f32 v6, v5  }
0xfa: {  	v5 =	vld [tilespmem:s24+$0xFFFFFF90]  }
0xfb: {  	[tilespmem:s26+$0x50] =	vst v4;
	v4 =	vld [tilespmem:s26+$0x60]  }
0xfc: {  	v2 =	vadd.f32 v3, v2;
	v3 =	vld [tilespmem:s24+$0x60]  }
0xfd: {  	v6 =	vld [tilespmem:s26+$0xFFFFFFA0]  }
0xfe: {  	[tilespmem:s26+$0xFFFFFFD0] =	vst v2;
	v2 =	vld [tilespmem:s26+$0xFFFFFFE0];
	v0 =	vadd.f32 v0, v1  }
0xff: {  	v1 =	vadd.f32 v5, v7;
	v5 =	vld [tilespmem:s24+$0xFFFFFFE0]  }
0x100: {  	[tilespmem:s26+$0x10] =	vst v0;
	v7 =	vld [tilespmem:s26+$0x20]  }
0x101: {  	[tilespmem:s26+$0xFFFFFF90] =	vst v1;
	v8 =	vld [tilespmem:s24+$0x20];
	v0 =	vadd.f32 v3, v4  }
0x102: {  	v3 =	vld [tilespmem:s24+$0xFFFFFFA0]  }
0x103: {  	[tilespmem:s26+$0x60] =	vst v0;
	v9 =	vld [tilespmem:s26+$0x70]  }
0x104: {  	v1 =	vadd.f32 v5, v2;
	v5 =	vld [tilespmem:s24+$0x70]  }
0x105: {  	v0 =	vld [tilespmem:s26+$0xFFFFFFB0]  }
.Ltmp4:
0x106: {  	[tilespmem:s26+$0xFFFFFFE0] =	vst v1;
	v1 =	vld [tilespmem:s26+$0xFFFFFFF0];
	v2 =	vadd.f32 v8, v7;
	(pc) =	sbr.rel @p0 .LBB2_9-.Ltmp4, $4  }
0x107: {  	v4 =	vadd.f32 v3, v6;
	v3 =	vld [tilespmem:s24+$0xFFFFFFF0]  }
0x108: {  	[tilespmem:s26+$0x20] =	vst v2;
	v2 =	vld [tilespmem:s26+$0x30]  }
0x109: {  	[tilespmem:s26+$0xFFFFFFA0] =	vst v4;
	v4 =	vld [tilespmem:s24+$0x30];
	v6 =	vadd.f32 v5, v9  }
0x10a: {  	s26 =	sadd.s32 $0x100, s26;
	v5 =	vld [tilespmem:s24+$0xFFFFFFB0]  }
0x10b: {  	_ =	sdelay $0x1  }
0x10c: {  	v1 =	vadd.f32 v3, v1  }
0x10d: {  	[tilespmem:s23+$0x70] =	vst v6;
	v2 =	vadd.f32 v4, v2  }
0x10e: {  	s22 =	sadd.s32 $0x1, s22;
	[tilespmem:s23+$0xFFFFFFF0] =	vst v1;
	v0 =	vadd.f32 v5, v0  }
0x10f: {  	p0 =	sne.s32 s22, s11;
	[tilespmem:s23+$0x30] =	vst v2  }
.Ltmp5:
0x110: {  	[tilespmem:s23+$0xFFFFFFB0] =	vst v0;
	(pc) =	sbr.rel @p0 .LBB2_1-.Ltmp5, $4  }
0x111: {  	[hbm4b:s10+s3] =	stream.linear.scatter [tilespmem:s15], [sflag:$0x3], $0x1400, $0x38;
	[tilespmem:$0x9E20] =	vst v63  }
0x112: {  	_ =	swait.ge [sflag:s12], $0x1400  }
0x113: {  	[sflag:s12] =	ssyncset.done $0x0  }
0x114: {  	[sflag:s12] =	ssyncadd.s32 $0xFFFFEC00  }
0x115: {  	_ =	sfence.sel $0x180000  }
0x116: {  	[bflag:$0x0] =	sbarrier.arrive $0xFFFF  }
0x117: {  	p0 =	sne.s32 s0, $0x0;
	_ =	strace $0x90000047  }
0x118: {  	s0 =	sadd.s32 @!p0 $0x100000, s1;
	[bflag:$0x2] =	sbarrier.arrive $0xFFFF  }
0x119: {  	[sflag:s0] =	ssyncadd.tile.s32 @!p0 $0x1;
	_ =	shalt  }
.Lfunc_end2:
_tile_overlayer_lowered:
.L_overlay_start_2:
0x11a: {  	(tag) =	ssettag $0x2  }
0x11b: {  	s0 =	rddreg [dreg:$0x0];
	s2 =	stileid.u32  }
0x11c: {  	s1 =	rddreg [dreg:$0x1];
	p0 =	sne.s32 s2, $0x0  }
0x11d: {  	s3 =	rddreg [dreg:$0x2];
	[bflag:$0x3] =	sbarrier.arrive $0xFFFF;
	s2 =	simm.s32 @!p0 $0x1C03  }
0x11e: {  	[timem:s3], [sflag:s2] =	dma.local @!p0 [hbm:s0], s1  }
0x11f: {  	s0 =	simm.s32 @!p0 $0x3  }
0x120: {  	_ =	swait.ge @!p0 [sflag:s0], s1  }
0x121: {  	s1 =	ssub.s32 @!p0 $0x0, s1;
	[sflag:s0] =	ssyncset.done @!p0 $0x0  }
0x122: {  	[sflag:s0] =	ssyncadd.s32 @!p0 s1  }
0x123: {  	[bflag:$0x3] =	sbarrier.arrive $0xFFFF  }
0x124: {  	_ =	shalt  }

// kernel: kernel.14.cloned.1.call-start
scs
__scs_entry_jumppad:
0x0: {  	(pc) =	sbr.rel $0x88, $3  }
0x1: {  	(tag) =	ssettag $0x0;
	lr =	simm.s32 $0x1  }
0x2: {  	[smem:$0x3F8F] =	sst lr;
	_ =	strace $0xD0000000  }
0x3: {  	_ = 	snop  }
0x4: {  	_ = 	snop  }
0x5: {  	_ = 	snop  }
0x6: {  	_ = 	snop  }
0x7: {  	_ = 	snop  }
__scs_overlays_trampoline_lowered:
0x8: {  	[smem:$0x3F9E] =	sst s0  }
0x9: {  	[smem:$0x3F9F] =	sst s1  }
0xa: {  	[smem:$0x3FA0] =	sst s2  }
0xb: {  	[smem:$0x3FA1] =	sst s3  }
0xc: {  	[smem:$0x3FA2] =	sst s4  }
0xd: {  	[smem:$0x3FA3] =	sst s5  }
0xe: {  	[smem:$0x3FA4] =	sst s6  }
0xf: {  	[smem:$0x3FA5] =	sst s7  }
0x10: {  	[smem:$0x3FA6] =	sst s8  }
0x11: {  	[smem:$0x3FA7] =	sst s9;
	s0 =	simm.s32 @!p0 $0x0  }
0x12: {  	s1 =	sld [smem:$0x3F8D];
	s0 =	simm.s32 @p0 $0x1  }
0x13: {  	[smem:$0x3FA8] =	sst s0;
	s0 =	simm.s32 @!p1 $0x0  }
0x14: {  	s2 =	sld [smem:$0x3F8C];
	s0 =	simm.s32 @p1 $0x1  }
0x15: {  	[smem:$0x3FA9] =	sst s0;
	s0 =	simm.s32 @!p2 $0x0  }
0x16: {  	s3 =	sld [smem:$0x3FDB];
	s0 =	simm.s32 @p2 $0x1  }
0x17: {  	s4 =	simm.s32 $0x1BF5;
	[smem:$0x3FAB] =	sst s0  }
0x18: {  	s0 =	sld [smem:$0x3F8E];
	_ =	swait.ge [sflag:s4], $0x0  }
0x19: {  	s7 =	sld [smem:$0x3F8F]  }
0x1a: {  	s8 =	sadd.s32 $0xFFFFE003, lr  }
0x1b: {  	s9 =	sadd.s32 $0xFFFFFEF7, lr;
	s5 =	simm.s32 $0xFFFFFFFF;
	p2 =	slt.u32 s8, $0xFFFFF086  }
0x1c: {  	p1 =	slt.u32 s9, $0xF7A;
	s5 =	simm.s32 @!p2 $0x0  }
0x1d: {  	s5 =	simm.s32 @p1 $0x1;
	p0 =	seq.s32 s7, s2  }
0x1e: {  	s7 =	smul.u32 @!p0 $0xF7A, s2;
	p2 =	seq.s32 @!p0 s5, $0x0  }
0x1f: {  	s9 =	smul.u32 $0xF7A, s1;
	s8 =	simm.s32 @!p0 $0x1BF5;
	p2 =	por !p2, p0  }
0x20: {  	[sflag:s8] =	ssyncset.s32 @!p0 $0xFFFFF086;
	s6 =	sadd.s32 @!p0 s3, s7;
	s7 =	simm.s32 @!p0 $0x108  }
0x21: {  	s3 =	sadd.s32 s3, s9;
	s6 =	sadd.s32 @!p0 $0x88, s6;
	s7 =	simm.s32 @p2 $0x1082  }
0x22: {  	[simem:s7], [sflag:s8] =	dma.local @!p0 [hbm:s6], $0xF7A  }
0x23: {  	s9 =	sor.u32 $0xD0000000, s2;
	s6 =	simm.s32 $0x108;
	_ =	swait.ge @!p0 [sflag:s8], $0x0  }
0x24: {  	s3 =	sadd.s32 $0x88, s3;
	s6 =	simm.s32 @!p1 $0x1082;
	[sflag:s4] =	ssyncset.s32 $0xFFFFF086  }
0x25: {  	[simem:s6], [sflag:s4] =	dma.local [hbm:s3], $0xF7A  }
0x26: {  	[smem:$0x3F8F] =	sst s1;
	(tag) =	ssettag s2;
	_ =	strace s9  }
0x27: {  	s1 =	sld [smem:$0x3F9F]  }
0x28: {  	s2 =	sld [smem:$0x3FA0]  }
0x29: {  	s4 =	sld [smem:$0x3FA2]  }
0x2a: {  	p0 =	seq.s32 s5, $0x0;
	s5 =	sld [smem:$0x3FA3]  }
0x2b: {  	s6 =	sld [smem:$0x3FA4]  }
0x2c: {  	s7 =	sld [smem:$0x3FA5]  }
0x2d: {  	s3 =	simm.s32 $0x108;
	s8 =	sld [smem:$0x3FA6]  }
0x2e: {  	s3 =	simm.s32 @!p0 $0x1082;
	s9 =	sld [smem:$0x3FA7]  }
0x2f: {  	lr =	sadd.s32 s0, s3;
	s0 =	sld [smem:$0x3F9E]  }
0x30: {  	s3 =	sld [smem:$0x3FA1]  }
0x31: {  	[smem:$0x3FAA] =	sst s10  }
0x32: {  	s10 =	sld [smem:$0x3FA8];
	_ =	sdelay $0x3  }
0x33: {  	p0 =	seq.s32 s10, $0x1;
	s10 =	sld [smem:$0x3FAA];
	_ =	sdelay $0x3  }
0x34: {  	[smem:$0x3FAA] =	sst s10  }
0x35: {  	s10 =	sld [smem:$0x3FA9];
	_ =	sdelay $0x3  }
0x36: {  	p1 =	seq.s32 s10, $0x1;
	s10 =	sld [smem:$0x3FAA];
	_ =	sdelay $0x3  }
0x37: {  	[smem:$0x3FAA] =	sst s10  }
0x38: {  	s10 =	sld [smem:$0x3FAB]  }
0x39: {  	_ = 	snop;
	(pc) =	sbr.ind lr, $3  }
0x3a: {  	_ = 	snop  }
0x3b: {  	_ = 	snop  }
0x3c: {  	p2 =	seq.s32 s10, $0x1;
	s10 =	sld [smem:$0x3FAA]  }
0x3d: {  	_ =	shalt  }
0x3e: {  	_ =	shalt  }
0x3f: {  	_ =	shalt  }
0x40: {  	_ =	shalt  }
0x41: {  	_ =	shalt  }
0x42: {  	_ =	shalt  }
0x43: {  	_ =	shalt  }
0x44: {  	_ =	shalt  }
0x45: {  	_ =	shalt  }
0x46: {  	_ =	shalt  }
0x47: {  	_ =	shalt  }
0x48: {  	_ =	shalt  }
0x49: {  	_ =	shalt  }
0x4a: {  	_ =	shalt  }
0x4b: {  	_ =	shalt  }
0x4c: {  	_ =	shalt  }
0x4d: {  	_ =	shalt  }
0x4e: {  	_ =	shalt  }
0x4f: {  	_ =	shalt  }
0x50: {  	_ =	shalt  }
0x51: {  	_ =	shalt  }
0x52: {  	_ =	shalt  }
0x53: {  	_ =	shalt  }
0x54: {  	_ =	shalt  }
0x55: {  	_ =	shalt  }
0x56: {  	_ =	shalt  }
0x57: {  	_ =	shalt  }
0x58: {  	_ =	shalt  }
0x59: {  	_ =	shalt  }
0x5a: {  	_ =	shalt  }
0x5b: {  	_ =	shalt  }
0x5c: {  	_ =	shalt  }
0x5d: {  	_ =	shalt  }
0x5e: {  	_ =	shalt  }
0x5f: {  	_ =	shalt  }
0x60: {  	_ =	shalt  }
0x61: {  	_ =	shalt  }
0x62: {  	_ =	shalt  }
0x63: {  	_ =	shalt  }
0x64: {  	_ =	shalt  }
0x65: {  	_ =	shalt  }
0x66: {  	_ =	shalt  }
0x67: {  	_ =	shalt  }
0x68: {  	_ =	shalt  }
0x69: {  	_ =	shalt  }
0x6a: {  	_ =	shalt  }
0x6b: {  	_ =	shalt  }
0x6c: {  	_ =	shalt  }
0x6d: {  	_ =	shalt  }
0x6e: {  	_ =	shalt  }
0x6f: {  	_ =	shalt  }
0x70: {  	_ =	shalt  }
0x71: {  	_ =	shalt  }
0x72: {  	_ =	shalt  }
0x73: {  	_ =	shalt  }
0x74: {  	_ =	shalt  }
0x75: {  	_ =	shalt  }
0x76: {  	_ =	shalt  }
0x77: {  	_ =	shalt  }
0x78: {  	_ =	shalt  }
0x79: {  	_ =	shalt  }
0x7a: {  	_ =	shalt  }
0x7b: {  	_ =	shalt  }
0x7c: {  	_ =	shalt  }
0x7d: {  	_ =	shalt  }
0x7e: {  	_ =	shalt  }
0x7f: {  	_ =	shalt  }
0x80: {  	_ =	shalt  }
0x81: {  	_ =	shalt  }
0x82: {  	_ =	shalt  }
0x83: {  	_ =	shalt  }
0x84: {  	_ =	shalt  }
0x85: {  	_ =	shalt  }
0x86: {  	_ =	shalt  }
0x87: {  	_ =	shalt  }
.Lfunc_end0:
.L_simem_size_0:
called_computation.1_lowered:
.L_overlay_start_0:
0x88: {  	s2 =	sld [smem:$0x3FD9]  }
0x89: {  	s3 =	sld [smem:$0x3FFE];
	_ =	sdelay $0x1  }
0x8a: {  	s1 =	srdreg.scid  }
0x8b: {  	s0 =	sand.u32 $0x1, s1  }
0x8c: {  	s17 =	sshll.u32 s0, $0xA;
	s2 =	sadd.s32 s3, s2  }
0x8d: {  	s2 =	sadd.s32 s2, s17  }
0x8e: {  	[smem:$0x3FB6] =	sst s2  }
0x8f: {  	_ = 	snop  }
0x90: {  	s2 =	sld [smem:$0x3FD0];
	(tm) =	ssettm $0x1  }
0x91: {  	s18 =	sld [smem:$0x3FFB];
	_ =	sdelay $0x3  }
0x92: {  	_ =	strace s18  }
0x93: {  	s3 =	sld [smem:$0x3FFC];
	_ =	sdelay $0x3  }
0x94: {  	_ =	strace s3  }
0x95: {  	s3 =	sld [smem:$0x3FFD];
	_ =	sdelay $0x3  }
0x96: {  	_ =	strace s3  }
0x97: {  	_ =	strace $0x8FFFFFFF  }
0x98: {  	s19 =	sld [smem:$0x3FDB];
	_ =	sdelay $0x1  }
0x99: {  	s4 =	simm.s32 $_scs_section_size  }
0x9a: {  	s5 =	simm.s32 $_size__tile_overlayer_lowered;
	s6 =	simm.s32 $_tile_overlayer_lowered  }
0x9b: {  	s22 =	simm.s32 $0x1BFF;
	s21 =	sshll.u32 s6, $0x1;
	s3 =	sadd.s32 s4, s19  }
0x9c: {  	s7 =	simm.s32 $0x0;
	s20 =	sshll.u32 s5, $0x1;
	s5 =	sadd.s32 s21, s3  }
0x9d: {  	[timem:s7], [sflag:s22] =	dma.local [hbm:s5], s20  }
0x9e: {  	_ =	swait.ge [sflag:s22], s20  }
0x9f: {  	s4 =	ssub.s32 $0x0, s20;
	[sflag:s22] =	ssyncset.done $0x0  }
0xa0: {  	[sflag:s22] =	ssyncadd.s32 s4;
	_ =	sdelay $0x1  }
0xa1: {  	s23 =	simm.s32 $0x1B8B  }
0xa2: {  	_ =	swait.ge [sflag:s23], $0x1  }
0xa3: {  	[sflag:s23] =	ssyncset.done $0x0  }
0xa4: {  	s25 =	simm.s32 $0x1B8E;
	s24 =	sld [smem:$0x3FFE];
	[sflag:s23] =	ssyncadd.s32 $0xFFFFFFFF  }
0xa5: {  	s26 =	simm.s32 $execute0_lowered;
	[smem:$0x3FD2] =	sst s25  }
0xa6: {  	s5 =	sshll.u32 s26, $0x1;
	_ =	strace $0x80000049;
	[dreg:$0x1] =	wrdreg $0xFFFFFFFF  }
0xa7: {  	s28 =	simm.s32 $_size_execute0_lowered;
	s3 =	sadd.s32 s3, s5;
	[dreg:$0x0] =	wrdreg $0x0  }
0xa8: {  	s5 =	sshll.u32 s28, $0x1;
	[dreg:$0x2] =	wrdreg s3  }
0xa9: {  	[dreg:$0x3] =	wrdreg s5  }
0xaa: {  	[dreg:$0x4] =	wrdreg $0xC0  }
0xab: {  	_ =	task [dreg:s7], $0x5FFFF  }
0xac: {  	[dreg:$0x1] =	wrdreg $0xFFFFFFFF  }
0xad: {  	[dreg:$0x0] =	wrdreg $0x60  }
0xae: {  	[dreg:$0x2] =	wrdreg s24  }
0xaf: {  	[dreg:$0x3] =	wrdreg s2  }
0xb0: {  	[dreg:$0x4] =	wrdreg $0x11C100  }
0xb1: {  	[dreg:$0x5] =	wrdreg $0x1BC100  }
0xb2: {  	[dreg:$0x6] =	wrdreg $0x9  }
0xb3: {  	_ =	task.clear_ibuf [dreg:s7], $0x7FFFF;
	_ =	strace $0x90000049  }
0xb4: {  	s29 =	simm.s32 $0x9;
	_ =	strace $0x8000004B  }
0xb5: {  	_ =	swait.ge [sflag:s29], $0x1  }
0xb6: {  	[sflag:s29] =	ssyncadd.s32 $0xFFFFFFFF  }
0xb7: {  	_ =	strace $0x9000004B  }
0xb8: {  	_ =	sfence  }
0xb9: {  	s30 =	sld [smem:$0x0];
	_ =	sdelay $0x2  }
0xba: {  	s31 =	sshll.u32 s1, $0xD;
	s1 =	sshrl.u32 s1, $0x2  }
0xbb: {  	s3 =	sand.u32 $0x4000, s31;
	s1 =	sadd.s32 s1, s30  }
0xbc: {  	s0 =	sor.u32 s3, s0;
	s1 =	sshll.u32 s1, $0x11  }
0xbd: {  	s0 =	sor.u32 s1, s0  }
0xbe: {  	s0 =	sadd.s32 $0x8F2B, s0  }
0xbf: {  	[sflag:s0] =	ssyncadd.remote.s32 $0x1  }
0xc0: {  	_ =	sfence.sel $0xFFFF  }
0xc1: {  	[dreg:$0x0] =	wrdreg $0xFFFFFFFF;
	(pc) =	sbr.abs _section_cstart, $3  }
0xc2: {  	[dreg:$0x1] =	wrdreg $0xFFFFFFFF  }
0xc3: {  	_ =	task.clear_ibuf [dreg:s7], $0x2FFFF;
	_ =	strace $0x9FFFFFFF  }
0xc4: {  	(tm) =	ssettm $0x7FFFFFFF  }
0xc5: {  	_ =	shalt  }
tec
execute0_lowered:
.L_overlay_start_1:
0x0: {  	(tag) =	ssettag $0x1  }
0x1: {  	s1 =	rddreg [dreg:$0x0]  }
0x2: {  	s11 =	rddreg [dreg:$0x1]  }
0x3: {  	s3 =	srdreg.scid;
	s0 =	stileid.u32  }
0x4: {  	s2 =	rddreg [dreg:$0x2];
	s18 =	simm.s32 $0xF410;
	s7 =	smul.u32 $0xA000, s0  }
0x5: {  	s19 =	simm.s32 $0x2710;
	s20 =	simm.s32 $0x3B10;
	s12 =	smul.u32 $0x2800, s0  }
0x6: {  	s21 =	simm.s32 $0x1;
	s8 =	sand.u32 $0x1, s3;
	s17 =	smul.u32 $0x4E20, s0  }
0x7: {  	s28 =	simm.s32 $0x26C0;
	s29 =	simm.s32 $0x0;
	s9 =	smul.u32 $0xA0000, s8  }
0x8: {  	s4 =	sshll.u32 s0, $0x1;
	s3 =	rddreg [dreg:$0x3];
	s24 =	smul.u32 $0x28000, s8  }
0x9: {  	s14 =	sadd.s32 $0x29D400, s1;
	s5 =	sor.u32 s8, s4;
	s26 =	smul.u32 $0x2710, s8  }
0xa: {  	s4 =	simm.s32 $0x0;
	s23 =	ssub.s32 $0x2, s8;
	s6 =	smul.u32 $0x2710, s5  }
0xb: {  	[smem:$0x7FF] =	sst s4;
	s13 =	smul.u32 $0x13880, s5;
	s15 =	sshrl.u32 s23, $0x1  }
0xc: {  	s16 =	smul.u32 $0x9C400, s5;
	s5 =	sadd.s32 s7, s2;
	_ =	strace $0x8000004A  }
0xd: {  	s22 =	sadd.s32 s7, s9;
	s15 =	ssub.s32 s23, s15;
	s30 =	sadd.s32 s26, s17  }
0xe: {  	s17 =	simm.s32 $0x3;
	s23 =	simm.s32 $0xEF10;
	s26 =	simm.s32 $0x2670  }
0xf: {  	s6 =	sshrl.u32 s6, $0x3;
	s25 =	sshrl.u32 s16, $0x3;
	s8 =	sadd.s32 s14, s13  }
0x10: {  	s31 =	sshll.u32 s30, $0x3;
	s16 =	simm.s32 $0x4F10;
	s10 =	sadd.s32 s6, s1  }
0x11: {  	s6 =	sshrl.u32 s22, $0x3;
	s13 =	sadd.s32 $0x13600, s8;
	s22 =	simm.s32 $0x50  }
0x12: {  	s1 =	sadd.s32 s6, s1;
	s6 =	sadd.s32 s12, s3;
	s7 =	sadd.s32 $0xEC00, s10  }
0x13: {  	s10 =	sadd.s32 s14, s25;
	s12 =	sadd.s32 s12, s24;
	s24 =	simm.s32 $0x2  }
0x14: {  	s25 =	simm.s32 $0x2620;
	s9 =	sadd.s32 $0x280, s10;
	s12 =	sshrl.u32 s12, $0x3  }
0x15: {  	s10 =	sadd.s32 $0x18A00, s1;
	s1 =	sadd.s32 s14, s31;
	s11 =	sadd.s32 s11, s12  }
0x16: {  	v0 =	vimm.f32 $0.0e+00;
	v1 =	vimm.f32 $1.000000000e+00;
	s12 =	smax.u32 s15, $0x1;
	s14 =	sadd.s32 $0x780, s1;
	s15 =	sadd.s32 $0x500, s1  }
.LBB2_1:
0x17: {  	s31 =	simm.s32 $0x100;
	s30 =	simm.s32 $0x0  }
.LBB2_2:
0x18: {  	p0 =	sne.s32 s31, $0x27F00;
	[tilespmem:s30+$0x4F40] =	vst v0;
	s1 =	smov.u32 s31;
	s31 =	sadd.s32 $0x100, s31  }
.Ltmp0:
0x19: {  	[tilespmem:s30+$0x4F30] =	vst v0;
	(pc) =	sbr.rel @p0 .LBB2_2-.Ltmp0, $3  }
0x1a: {  	[tilespmem:s30+$0x4F10] =	vst v0  }
0x1b: {  	[tilespmem:s30+$0x4F20] =	vst v0;
	_ =	sdelay $0x1  }
0x1c: {  	s30 =	sshra.s32 s1, $0x2  }
0x1d: {  	[tilespmem:s30+$0x4F40] =	vst v0  }
0x1e: {  	[tilespmem:s30+$0x4F30] =	vst v0  }
0x1f: {  	[tilespmem:s30+$0x4F10] =	vst v0  }
0x20: {  	[tilespmem:s30+$0x4F20] =	vst v0  }
0x21: {  	[spmem:s5] =	stream.linear.scatter [tilespmem:s16], [sflag:$0x3], $0xA000, $0x38;
	[tilespmem:$0x1E410] =	vst v63  }
0x22: {  	_ =	swait.ge [sflag:s17], $0xA000  }
0x23: {  	[sflag:s17] =	ssyncset.done $0x0  }
0x24: {  	s30 =	simm.s32 $0x40;
	s1 =	simm.s32 $0x0;
	[sflag:s17] =	ssyncadd.s32 $0xFFFF6000  }
.LBB2_4:
0x25: {  	p0 =	sne.s32 s30, $0x13C0;
	[tilespmem:s1+$0xEF10] =	vst v1;
	s1 =	smov.u32 s30;
	s30 =	sadd.s32 $0x40, s30  }
.Ltmp1:
0x26: {  	(pc) =	sbr.rel @p0 .LBB2_4-.Ltmp1, $2  }
0x27: {  	_ =	sdelay $0x2  }
0x28: {  	s1 =	sshra.s32 s1, $0x2  }
0x29: {  	[tilespmem:s1+$0xEF10] =	vst v1;
	s30 =	simm.s32 $0x40;
	s1 =	simm.s32 $0x0  }
.LBB2_6:
0x2a: {  	p0 =	sne.s32 s30, $0x9FC0;
	[tilespmem:s1+$0xF410] =	vst v0;
	s1 =	smov.u32 s30;
	s30 =	sadd.s32 $0x40, s30  }
.Ltmp2:
0x2b: {  	(pc) =	sbr.rel @p0 .LBB2_6-.Ltmp2, $2  }
0x2c: {  	_ =	sdelay $0x2  }
0x2d: {  	s1 =	sshra.s32 s1, $0x2  }
0x2e: {  	[tilespmem:s1+$0xF410] =	vst v0  }
0x2f: {  	[spmem:s6] =	stream.linear.scatter [tilespmem:s18], [sflag:$0x3], $0x2800, $0x38;
	[tilespmem:$0x1E410] =	vst v63  }
0x30: {  	_ =	swait.ge [sflag:s17], $0x2800  }
0x31: {  	[sflag:s17] =	ssyncset.done $0x0  }
0x32: {  	[sflag:s17] =	ssyncadd.s32 $0xFFFFD800  }
0x33: {  	s0 =	simm.s32 $0x0;
	[bflag:$0x0] =	sbarrier.arrive $0xFFFF  }
0x34: {  	[tilespmem:s0], [sflag:$0x3] =	stream.linear.gather [hbm4b:s7+s0], $0x2710, $0x38;
	[tilespmem:$0x1E410] =	vst v63  }
0x35: {  	_ =	swait.ge [sflag:s17], $0x2710  }
0x36: {  	[sflag:s17] =	ssyncset.done $0x0  }
0x37: {  	[sflag:s17] =	ssyncadd.s32 $0xFFFFD8F0  }
0x38: {  	[tilespmem:s19], [sflag:$0x1] =	stream.linear.gather [hbm4b:s8+s0], $0x1400, $0x38;
	[tilespmem:$0x1E410] =	vst v63  }
0x39: {  	_ = 	snop  }
0x3a: {  	[tilespmem:s20], [sflag:$0x2] =	stream.linear.gather [hbm4b:s9+s0], $0x1400, $0x38;
	[tilespmem:$0x1E410] =	vst v63  }
0x3b: {  	_ =	swait.ge [sflag:s21], $0x1400  }
0x3c: {  	[sflag:s21] =	ssyncset.done $0x0  }
0x3d: {  	s0 =	simm.s32 $0x0;
	[sflag:s21] =	ssyncadd.s32 $0xFFFFEC00  }
0x3e: {  	[spmem:s2] =	stream.indirect.scatter.add.f32 [tilespmem:s19], [sflag:$0x3], $0x40, s0, s22, $0xb8;
	[tilespmem:$0x1E410] =	vst v63  }
0x3f: {  	_ =	swait.ge [sflag:s17], $0x1400  }
0x40: {  	[sflag:s17] =	ssyncset.done $0x0  }
0x41: {  	[sflag:s17] =	ssyncadd.s32 $0xFFFFEC00  }
0x42: {  	[spmem:s3] =	stream.indirect.scatter.add.f32 [tilespmem:s23], [sflag:$0x3], $0x10, s0, s22, $0xb8;
	[tilespmem:$0x1E410] =	vst v63  }
0x43: {  	_ =	swait.ge [sflag:s17], $0x500  }
0x44: {  	[sflag:s17] =	ssyncset.done $0x0  }
0x45: {  	s0 =	sadd.s32 $0x0, s15;
	[sflag:s17] =	ssyncadd.s32 $0xFFFFFB00  }
0x46: {  	[tilespmem:s19], [sflag:$0x1] =	stream.linear.gather [hbm4b:s0+s4], $0x1400, $0x38;
	[tilespmem:$0x1E410] =	vst v63  }
0x47: {  	_ =	swait.ge [sflag:s24], $0x1400  }
0x48: {  	[sflag:s24] =	ssyncset.done $0x0  }
0x49: {  	s0 =	simm.s32 $0x50;
	[sflag:s24] =	ssyncadd.s32 $0xFFFFEC00  }
0x4a: {  	[spmem:s2] =	stream.indirect.scatter.add.f32 [tilespmem:s20], [sflag:$0x3], $0x40, s0, s22, $0xb8;
	[tilespmem:$0x1E410] =	vst v63  }
0x4b: {  	_ =	swait.ge [sflag:s17], $0x1400  }
0x4c: {  	[sflag:s17] =	ssyncset.done $0x0  }
0x4d: {  	[sflag:s17] =	ssyncadd.s32 $0xFFFFEC00  }
0x4e: {  	[spmem:s3] =	stream.indirect.scatter.add.f32 [tilespmem:s23], [sflag:$0x3], $0x10, s0, s22, $0xb8;
	[tilespmem:$0x1E410] =	vst v63  }
0x4f: {  	_ =	swait.ge [sflag:s17], $0x500  }
0x50: {  	s30 =	simm.s32 $0x500;
	[sflag:s17] =	ssyncset.done $0x0  }
0x51: {  	s1 =	sadd.s32 $0x0, s14;
	s31 =	simm.s32 $0xF0;
	[sflag:s17] =	ssyncadd.s32 $0xFFFFFB00  }
.LBB2_8:
0x52: {  	[tilespmem:s20], [sflag:$0x2] =	stream.linear.gather [hbm4b:s1+s4], $0x1400, $0x38;
	[tilespmem:$0x1E410] =	vst v63  }
0x53: {  	s1 =	smov.u32 s30  }
0x54: {  	p0 =	sne.s32 s30, $0x12C00;
	s30 =	sadd.s32 $0x500, s30;
	_ =	swait.ge [sflag:s21], $0x1400  }
0x55: {  	[sflag:s21] =	ssyncset.done $0x0  }
0x56: {  	s0 =	sadd.s32 $0xFFFFFFB0, s31;
	[sflag:s21] =	ssyncadd.s32 $0xFFFFEC00  }
0x57: {  	[spmem:s2] =	stream.indirect.scatter.add.f32 [tilespmem:s19], [sflag:$0x3], $0x40, s0, s22, $0xb8;
	[tilespmem:$0x1E410] =	vst v63  }
0x58: {  	_ =	swait.ge [sflag:s17], $0x1400  }
0x59: {  	[sflag:s17] =	ssyncset.done $0x0  }
0x5a: {  	[sflag:s17] =	ssyncadd.s32 $0xFFFFEC00  }
0x5b: {  	[spmem:s3] =	stream.indirect.scatter.add.f32 [tilespmem:s23], [sflag:$0x3], $0x10, s0, s22, $0xb8;
	[tilespmem:$0x1E410] =	vst v63  }
0x5c: {  	_ =	swait.ge [sflag:s17], $0x500  }
0x5d: {  	[sflag:s17] =	ssyncset.done $0x0  }
0x5e: {  	s0 =	sadd.s32 s1, s15;
	[sflag:s17] =	ssyncadd.s32 $0xFFFFFB00  }
0x5f: {  	[tilespmem:s19], [sflag:$0x1] =	stream.linear.gather [hbm4b:s0+s4], $0x1400, $0x38;
	[tilespmem:$0x1E410] =	vst v63  }
0x60: {  	_ =	swait.ge [sflag:s24], $0x1400  }
0x61: {  	[sflag:s24] =	ssyncset.done $0x0  }
0x62: {  	[sflag:s24] =	ssyncadd.s32 $0xFFFFEC00  }
0x63: {  	[spmem:s2] =	stream.indirect.scatter.add.f32 [tilespmem:s20], [sflag:$0x3], $0x40, s31, s22, $0xb8;
	[tilespmem:$0x1E410] =	vst v63  }
0x64: {  	_ =	swait.ge [sflag:s17], $0x1400  }
0x65: {  	[sflag:s17] =	ssyncset.done $0x0  }
.Ltmp3:
0x66: {  	[sflag:s17] =	ssyncadd.s32 $0xFFFFEC00;
	(pc) =	sbr.rel @p0 .LBB2_8-.Ltmp3, $4  }
0x67: {  	[spmem:s3] =	stream.indirect.scatter.add.f32 [tilespmem:s23], [sflag:$0x3], $0x10, s31, s22, $0xb8;
	[tilespmem:$0x1E410] =	vst v63  }
0x68: {  	_ =	swait.ge [sflag:s17], $0x500  }
0x69: {  	[sflag:s17] =	ssyncset.done $0x0  }
0x6a: {  	s1 =	sadd.s32 s1, s14;
	s31 =	sadd.s32 $0xA0, s31;
	[sflag:s17] =	ssyncadd.s32 $0xFFFFFB00  }
0x6b: {  	[tilespmem:s20], [sflag:$0x2] =	stream.linear.gather [hbm4b:s1+s4], $0x1400, $0x38;
	[tilespmem:$0x1E410] =	vst v63  }
0x6c: {  	_ =	swait.ge [sflag:s21], $0x1400  }
0x6d: {  	[sflag:s21] =	ssyncset.done $0x0  }
0x6e: {  	[sflag:s21] =	ssyncadd.s32 $0xFFFFEC00  }
0x6f: {  	[spmem:s2] =	stream.indirect.scatter.add.f32 [tilespmem:s19], [sflag:$0x3], $0x40, s25, s22, $0xb8;
	[tilespmem:$0x1E410] =	vst v63  }
0x70: {  	_ =	swait.ge [sflag:s17], $0x1400  }
0x71: {  	[sflag:s17] =	ssyncset.done $0x0  }
0x72: {  	[sflag:s17] =	ssyncadd.s32 $0xFFFFEC00  }
0x73: {  	[spmem:s3] =	stream.indirect.scatter.add.f32 [tilespmem:s23], [sflag:$0x3], $0x10, s25, s22, $0xb8;
	[tilespmem:$0x1E410] =	vst v63  }
0x74: {  	_ =	swait.ge [sflag:s17], $0x500  }
0x75: {  	[sflag:s17] =	ssyncset.done $0x0  }
0x76: {  	[sflag:s17] =	ssyncadd.s32 $0xFFFFFB00  }
0x77: {  	[tilespmem:s19], [sflag:$0x1] =	stream.linear.gather [hbm4b:s13+s4], $0x1400, $0x38;
	[tilespmem:$0x1E410] =	vst v63  }
0x78: {  	_ =	swait.ge [sflag:s24], $0x1400  }
0x79: {  	[sflag:s24] =	ssyncset.done $0x0  }
0x7a: {  	[sflag:s24] =	ssyncadd.s32 $0xFFFFEC00  }
0x7b: {  	[spmem:s2] =	stream.indirect.scatter.add.f32 [tilespmem:s20], [sflag:$0x3], $0x40, s26, s22, $0xb8;
	[tilespmem:$0x1E410] =	vst v63  }
0x7c: {  	_ =	swait.ge [sflag:s17], $0x1400  }
0x7d: {  	[sflag:s17] =	ssyncset.done $0x0  }
0x7e: {  	[sflag:s17] =	ssyncadd.s32 $0xFFFFEC00  }
0x7f: {  	[spmem:s3] =	stream.indirect.scatter.add.f32 [tilespmem:s23], [sflag:$0x3], $0x10, s26, s22, $0xb8;
	[tilespmem:$0x1E410] =	vst v63  }
0x80: {  	_ =	swait.ge [sflag:s17], $0x500  }
0x81: {  	[sflag:s17] =	ssyncset.done $0x0  }
0x82: {  	[sflag:s17] =	ssyncadd.s32 $0xFFFFFB00  }
0x83: {  	_ =	swait.ge [sflag:s21], $0x1400  }
0x84: {  	[sflag:s21] =	ssyncset.done $0x0  }
0x85: {  	[sflag:s21] =	ssyncadd.s32 $0xFFFFEC00  }
0x86: {  	[spmem:s2] =	stream.indirect.scatter.add.f32 [tilespmem:s19], [sflag:$0x3], $0x40, s28, s22, $0xb8;
	[tilespmem:$0x1E410] =	vst v63  }
0x87: {  	_ =	swait.ge [sflag:s17], $0x1400  }
0x88: {  	[sflag:s17] =	ssyncset.done $0x0  }
0x89: {  	[sflag:s17] =	ssyncadd.s32 $0xFFFFEC00  }
0x8a: {  	[spmem:s3] =	stream.indirect.scatter.add.f32 [tilespmem:s23], [sflag:$0x3], $0x10, s28, s22, $0xb8;
	[tilespmem:$0x1E410] =	vst v63  }
0x8b: {  	_ =	swait.ge [sflag:s17], $0x500  }
0x8c: {  	[sflag:s17] =	ssyncset.done $0x0  }
0x8d: {  	[sflag:s17] =	ssyncadd.s32 $0xFFFFFB00  }
0x8e: {  	[bflag:$0x0] =	sbarrier.arrive $0xFFFF  }
0x8f: {  	[tilespmem:s16], [sflag:$0x3] =	stream.linear.gather [spmem:s5], $0xA000, $0x38;
	[tilespmem:$0x1E410] =	vst v63  }
0x90: {  	_ =	swait.ge [sflag:s17], $0xA000  }
0x91: {  	[sflag:s17] =	ssyncset.done $0x0  }
0x92: {  	[sflag:s17] =	ssyncadd.s32 $0xFFFF6000  }
0x93: {  	[hbm4b:s10+s4] =	stream.linear.scatter [tilespmem:s16], [sflag:$0x3], $0xA000, $0x38;
	[tilespmem:$0x1E410] =	vst v63  }
0x94: {  	_ =	swait.ge [sflag:s17], $0xA000  }
0x95: {  	[sflag:s17] =	ssyncset.done $0x0  }
0x96: {  	[sflag:s17] =	ssyncadd.s32 $0xFFFF6000  }
0x97: {  	[tilespmem:s18], [sflag:$0x3] =	stream.linear.gather [spmem:s6], $0x2800, $0x38;
	[tilespmem:$0x1E410] =	vst v63  }
0x98: {  	s29 =	sadd.s32 $0x1, s29;
	_ =	swait.ge [sflag:s17], $0x2800  }
0x99: {  	p0 =	sne.s32 s29, s12;
	[sflag:s17] =	ssyncset.done $0x0  }
.Ltmp4:
0x9a: {  	[sflag:s17] =	ssyncadd.s32 $0xFFFFD800;
	(pc) =	sbr.rel @p0 .LBB2_1-.Ltmp4, $4  }
0x9b: {  	[hbm4b:s11+s4] =	stream.linear.scatter [tilespmem:s18], [sflag:$0x3], $0x2800, $0x38;
	[tilespmem:$0x1E410] =	vst v63  }
0x9c: {  	_ =	swait.ge [sflag:s17], $0x2800  }
0x9d: {  	[sflag:s17] =	ssyncset.done $0x0  }
0x9e: {  	[sflag:s17] =	ssyncadd.s32 $0xFFFFD800  }
0x9f: {  	_ =	sfence.sel $0x180000  }
0xa0: {  	[bflag:$0x0] =	sbarrier.arrive $0xFFFF  }
0xa1: {  	_ =	strace $0x9000004A  }
0xa2: {  	s0 =	stileid.u32;
	[bflag:$0x2] =	sbarrier.arrive $0xFFFF  }
0xa3: {  	p0 =	sne.s32 s0, $0x0;
	s0 =	rddreg [dreg:$0x4]  }
0xa4: {  	s0 =	sadd.s32 @!p0 $0x100000, s0  }
0xa5: {  	[sflag:s0] =	ssyncadd.tile.s32 @!p0 $0x1;
	_ =	shalt  }
.Lfunc_end2:
_tile_overlayer_lowered:
.L_overlay_start_2:
0xa6: {  	(tag) =	ssettag $0x2  }
0xa7: {  	s0 =	rddreg [dreg:$0x0];
	s2 =	stileid.u32  }
0xa8: {  	s1 =	rddreg [dreg:$0x1];
	p0 =	sne.s32 s2, $0x0  }
0xa9: {  	s3 =	rddreg [dreg:$0x2];
	[bflag:$0x3] =	sbarrier.arrive $0xFFFF;
	s2 =	simm.s32 @!p0 $0x1C03  }
0xaa: {  	[timem:s3], [sflag:s2] =	dma.local @!p0 [hbm:s0], s1  }
0xab: {  	s0 =	simm.s32 @!p0 $0x3  }
0xac: {  	_ =	swait.ge @!p0 [sflag:s0], s1  }
0xad: {  	s1 =	ssub.s32 @!p0 $0x0, s1;
	[sflag:s0] =	ssyncset.done @!p0 $0x0  }
0xae: {  	[sflag:s0] =	ssyncadd.s32 @!p0 s1  }
0xaf: {  	[bflag:$0x3] =	sbarrier.arrive $0xFFFF  }
0xb0: {  	_ =	shalt  }

// kernel: kernel.17.cloned.1.call-start
scs
__scs_entry_jumppad:
0x0: {  	(pc) =	sbr.rel $0x88, $3  }
0x1: {  	(tag) =	ssettag $0x0;
	lr =	simm.s32 $0x1  }
0x2: {  	[smem:$0x3F8F] =	sst lr;
	_ =	strace $0xD0000000  }
0x3: {  	_ = 	snop  }
0x4: {  	_ = 	snop  }
0x5: {  	_ = 	snop  }
0x6: {  	_ = 	snop  }
0x7: {  	_ = 	snop  }
__scs_overlays_trampoline_lowered:
0x8: {  	[smem:$0x3F9E] =	sst s0  }
0x9: {  	[smem:$0x3F9F] =	sst s1  }
0xa: {  	[smem:$0x3FA0] =	sst s2  }
0xb: {  	[smem:$0x3FA1] =	sst s3  }
0xc: {  	[smem:$0x3FA2] =	sst s4  }
0xd: {  	[smem:$0x3FA3] =	sst s5  }
0xe: {  	[smem:$0x3FA4] =	sst s6  }
0xf: {  	[smem:$0x3FA5] =	sst s7  }
0x10: {  	[smem:$0x3FA6] =	sst s8  }
0x11: {  	[smem:$0x3FA7] =	sst s9;
	s0 =	simm.s32 @!p0 $0x0  }
0x12: {  	s1 =	sld [smem:$0x3F8D];
	s0 =	simm.s32 @p0 $0x1  }
0x13: {  	[smem:$0x3FA8] =	sst s0;
	s0 =	simm.s32 @!p1 $0x0  }
0x14: {  	s2 =	sld [smem:$0x3F8C];
	s0 =	simm.s32 @p1 $0x1  }
0x15: {  	[smem:$0x3FA9] =	sst s0;
	s0 =	simm.s32 @!p2 $0x0  }
0x16: {  	s3 =	sld [smem:$0x3FDB];
	s0 =	simm.s32 @p2 $0x1  }
0x17: {  	s4 =	simm.s32 $0x1BF5;
	[smem:$0x3FAB] =	sst s0  }
0x18: {  	s0 =	sld [smem:$0x3F8E];
	_ =	swait.ge [sflag:s4], $0x0  }
0x19: {  	s7 =	sld [smem:$0x3F8F]  }
0x1a: {  	s8 =	sadd.s32 $0xFFFFE003, lr  }
0x1b: {  	s9 =	sadd.s32 $0xFFFFFEF7, lr;
	s5 =	simm.s32 $0xFFFFFFFF;
	p2 =	slt.u32 s8, $0xFFFFF086  }
0x1c: {  	p1 =	slt.u32 s9, $0xF7A;
	s5 =	simm.s32 @!p2 $0x0  }
0x1d: {  	s5 =	simm.s32 @p1 $0x1;
	p0 =	seq.s32 s7, s2  }
0x1e: {  	s7 =	smul.u32 @!p0 $0xF7A, s2;
	p2 =	seq.s32 @!p0 s5, $0x0  }
0x1f: {  	s9 =	smul.u32 $0xF7A, s1;
	s8 =	simm.s32 @!p0 $0x1BF5;
	p2 =	por !p2, p0  }
0x20: {  	[sflag:s8] =	ssyncset.s32 @!p0 $0xFFFFF086;
	s6 =	sadd.s32 @!p0 s3, s7;
	s7 =	simm.s32 @!p0 $0x108  }
0x21: {  	s3 =	sadd.s32 s3, s9;
	s6 =	sadd.s32 @!p0 $0x88, s6;
	s7 =	simm.s32 @p2 $0x1082  }
0x22: {  	[simem:s7], [sflag:s8] =	dma.local @!p0 [hbm:s6], $0xF7A  }
0x23: {  	s9 =	sor.u32 $0xD0000000, s2;
	s6 =	simm.s32 $0x108;
	_ =	swait.ge @!p0 [sflag:s8], $0x0  }
0x24: {  	s3 =	sadd.s32 $0x88, s3;
	s6 =	simm.s32 @!p1 $0x1082;
	[sflag:s4] =	ssyncset.s32 $0xFFFFF086  }
0x25: {  	[simem:s6], [sflag:s4] =	dma.local [hbm:s3], $0xF7A  }
0x26: {  	[smem:$0x3F8F] =	sst s1;
	(tag) =	ssettag s2;
	_ =	strace s9  }
0x27: {  	s1 =	sld [smem:$0x3F9F]  }
0x28: {  	s2 =	sld [smem:$0x3FA0]  }
0x29: {  	s4 =	sld [smem:$0x3FA2]  }
0x2a: {  	p0 =	seq.s32 s5, $0x0;
	s5 =	sld [smem:$0x3FA3]  }
0x2b: {  	s6 =	sld [smem:$0x3FA4]  }
0x2c: {  	s7 =	sld [smem:$0x3FA5]  }
0x2d: {  	s3 =	simm.s32 $0x108;
	s8 =	sld [smem:$0x3FA6]  }
0x2e: {  	s3 =	simm.s32 @!p0 $0x1082;
	s9 =	sld [smem:$0x3FA7]  }
0x2f: {  	lr =	sadd.s32 s0, s3;
	s0 =	sld [smem:$0x3F9E]  }
0x30: {  	s3 =	sld [smem:$0x3FA1]  }
0x31: {  	[smem:$0x3FAA] =	sst s10  }
0x32: {  	s10 =	sld [smem:$0x3FA8];
	_ =	sdelay $0x3  }
0x33: {  	p0 =	seq.s32 s10, $0x1;
	s10 =	sld [smem:$0x3FAA];
	_ =	sdelay $0x3  }
0x34: {  	[smem:$0x3FAA] =	sst s10  }
0x35: {  	s10 =	sld [smem:$0x3FA9];
	_ =	sdelay $0x3  }
0x36: {  	p1 =	seq.s32 s10, $0x1;
	s10 =	sld [smem:$0x3FAA];
	_ =	sdelay $0x3  }
0x37: {  	[smem:$0x3FAA] =	sst s10  }
0x38: {  	s10 =	sld [smem:$0x3FAB]  }
0x39: {  	_ = 	snop;
	(pc) =	sbr.ind lr, $3  }
0x3a: {  	_ = 	snop  }
0x3b: {  	_ = 	snop  }
0x3c: {  	p2 =	seq.s32 s10, $0x1;
	s10 =	sld [smem:$0x3FAA]  }
0x3d: {  	_ =	shalt  }
0x3e: {  	_ =	shalt  }
0x3f: {  	_ =	shalt  }
0x40: {  	_ =	shalt  }
0x41: {  	_ =	shalt  }
0x42: {  	_ =	shalt  }
0x43: {  	_ =	shalt  }
0x44: {  	_ =	shalt  }
0x45: {  	_ =	shalt  }
0x46: {  	_ =	shalt  }
0x47: {  	_ =	shalt  }
0x48: {  	_ =	shalt  }
0x49: {  	_ =	shalt  }
0x4a: {  	_ =	shalt  }
0x4b: {  	_ =	shalt  }
0x4c: {  	_ =	shalt  }
0x4d: {  	_ =	shalt  }
0x4e: {  	_ =	shalt  }
0x4f: {  	_ =	shalt  }
0x50: {  	_ =	shalt  }
0x51: {  	_ =	shalt  }
0x52: {  	_ =	shalt  }
0x53: {  	_ =	shalt  }
0x54: {  	_ =	shalt  }
0x55: {  	_ =	shalt  }
0x56: {  	_ =	shalt  }
0x57: {  	_ =	shalt  }
0x58: {  	_ =	shalt  }
0x59: {  	_ =	shalt  }
0x5a: {  	_ =	shalt  }
0x5b: {  	_ =	shalt  }
0x5c: {  	_ =	shalt  }
0x5d: {  	_ =	shalt  }
0x5e: {  	_ =	shalt  }
0x5f: {  	_ =	shalt  }
0x60: {  	_ =	shalt  }
0x61: {  	_ =	shalt  }
0x62: {  	_ =	shalt  }
0x63: {  	_ =	shalt  }
0x64: {  	_ =	shalt  }
0x65: {  	_ =	shalt  }
0x66: {  	_ =	shalt  }
0x67: {  	_ =	shalt  }
0x68: {  	_ =	shalt  }
0x69: {  	_ =	shalt  }
0x6a: {  	_ =	shalt  }
0x6b: {  	_ =	shalt  }
0x6c: {  	_ =	shalt  }
0x6d: {  	_ =	shalt  }
0x6e: {  	_ =	shalt  }
0x6f: {  	_ =	shalt  }
0x70: {  	_ =	shalt  }
0x71: {  	_ =	shalt  }
0x72: {  	_ =	shalt  }
0x73: {  	_ =	shalt  }
0x74: {  	_ =	shalt  }
0x75: {  	_ =	shalt  }
0x76: {  	_ =	shalt  }
0x77: {  	_ =	shalt  }
0x78: {  	_ =	shalt  }
0x79: {  	_ =	shalt  }
0x7a: {  	_ =	shalt  }
0x7b: {  	_ =	shalt  }
0x7c: {  	_ =	shalt  }
0x7d: {  	_ =	shalt  }
0x7e: {  	_ =	shalt  }
0x7f: {  	_ =	shalt  }
0x80: {  	_ =	shalt  }
0x81: {  	_ =	shalt  }
0x82: {  	_ =	shalt  }
0x83: {  	_ =	shalt  }
0x84: {  	_ =	shalt  }
0x85: {  	_ =	shalt  }
0x86: {  	_ =	shalt  }
0x87: {  	_ =	shalt  }
.Lfunc_end0:
.L_simem_size_0:
called_computation.2_lowered:
.L_overlay_start_0:
0x88: {  	s2 =	sld [smem:$0x3FD9]  }
0x89: {  	s3 =	sld [smem:$0x3FFE];
	_ =	sdelay $0x1  }
0x8a: {  	s1 =	srdreg.scid  }
0x8b: {  	s0 =	sand.u32 $0x1, s1  }
0x8c: {  	s17 =	sshll.u32 s0, $0xA;
	s2 =	sadd.s32 s3, s2  }
0x8d: {  	s2 =	sadd.s32 s2, s17  }
0x8e: {  	[smem:$0x3FB6] =	sst s2  }
0x8f: {  	_ = 	snop  }
0x90: {  	s2 =	sld [smem:$0x3FD0];
	(tm) =	ssettm $0x1  }
0x91: {  	s18 =	sld [smem:$0x3FFB];
	_ =	sdelay $0x3  }
0x92: {  	_ =	strace s18  }
0x93: {  	s3 =	sld [smem:$0x3FFC];
	_ =	sdelay $0x3  }
0x94: {  	_ =	strace s3  }
0x95: {  	s3 =	sld [smem:$0x3FFD];
	_ =	sdelay $0x3  }
0x96: {  	_ =	strace s3  }
0x97: {  	_ =	strace $0x8FFFFFFF  }
0x98: {  	s19 =	sld [smem:$0x3FDB];
	_ =	sdelay $0x1  }
0x99: {  	s4 =	simm.s32 $_scs_section_size  }
0x9a: {  	s5 =	simm.s32 $_size__tile_overlayer_lowered;
	s6 =	simm.s32 $_tile_overlayer_lowered  }
0x9b: {  	s22 =	simm.s32 $0x1BFF;
	s21 =	sshll.u32 s6, $0x1;
	s3 =	sadd.s32 s4, s19  }
0x9c: {  	s7 =	simm.s32 $0x0;
	s20 =	sshll.u32 s5, $0x1;
	s5 =	sadd.s32 s21, s3  }
0x9d: {  	[timem:s7], [sflag:s22] =	dma.local [hbm:s5], s20  }
0x9e: {  	_ =	swait.ge [sflag:s22], s20  }
0x9f: {  	s4 =	ssub.s32 $0x0, s20;
	[sflag:s22] =	ssyncset.done $0x0  }
0xa0: {  	[sflag:s22] =	ssyncadd.s32 s4;
	_ =	sdelay $0x1  }
0xa1: {  	s23 =	simm.s32 $0x1B8B  }
0xa2: {  	_ =	swait.ge [sflag:s23], $0x1  }
0xa3: {  	[sflag:s23] =	ssyncset.done $0x0  }
0xa4: {  	s25 =	simm.s32 $0x1B8E;
	s24 =	sld [smem:$0x3FFE];
	[sflag:s23] =	ssyncadd.s32 $0xFFFFFFFF  }
0xa5: {  	s26 =	simm.s32 $execute0_lowered;
	[smem:$0x3FD2] =	sst s25  }
0xa6: {  	s5 =	sshll.u32 s26, $0x1;
	_ =	strace $0x8000004C;
	[dreg:$0x1] =	wrdreg $0xFFFFFFFF  }
0xa7: {  	s28 =	simm.s32 $_size_execute0_lowered;
	s3 =	sadd.s32 s3, s5;
	[dreg:$0x0] =	wrdreg $0x0  }
0xa8: {  	s5 =	sshll.u32 s28, $0x1;
	[dreg:$0x2] =	wrdreg s3  }
0xa9: {  	[dreg:$0x3] =	wrdreg s5  }
0xaa: {  	[dreg:$0x4] =	wrdreg $0xC0  }
0xab: {  	_ =	task [dreg:s7], $0x5FFFF  }
0xac: {  	[dreg:$0x1] =	wrdreg $0xFFFFFFFF  }
0xad: {  	[dreg:$0x0] =	wrdreg $0x60  }
0xae: {  	[dreg:$0x2] =	wrdreg s2  }
0xaf: {  	[dreg:$0x3] =	wrdreg s24  }
0xb0: {  	[dreg:$0x4] =	wrdreg $0x9  }
0xb1: {  	_ =	task.clear_ibuf [dreg:s7], $0x5FFFF;
	_ =	strace $0x9000004C  }
0xb2: {  	s29 =	simm.s32 $0x9;
	_ =	strace $0x8000004E  }
0xb3: {  	_ =	swait.ge [sflag:s29], $0x1  }
0xb4: {  	[sflag:s29] =	ssyncadd.s32 $0xFFFFFFFF  }
0xb5: {  	_ =	strace $0x9000004E  }
0xb6: {  	_ =	sfence  }
0xb7: {  	s30 =	sld [smem:$0x0];
	_ =	sdelay $0x2  }
0xb8: {  	s31 =	sshll.u32 s1, $0xD;
	s1 =	sshrl.u32 s1, $0x2  }
0xb9: {  	s3 =	sand.u32 $0x4000, s31;
	s1 =	sadd.s32 s1, s30  }
0xba: {  	s0 =	sor.u32 s3, s0;
	s1 =	sshll.u32 s1, $0x11  }
0xbb: {  	s0 =	sor.u32 s1, s0  }
0xbc: {  	s0 =	sadd.s32 $0x8F2B, s0  }
0xbd: {  	[sflag:s0] =	ssyncadd.remote.s32 $0x1  }
0xbe: {  	_ =	sfence.sel $0xFFFF  }
0xbf: {  	[dreg:$0x0] =	wrdreg $0xFFFFFFFF;
	(pc) =	sbr.abs _section_cstart, $3  }
0xc0: {  	[dreg:$0x1] =	wrdreg $0xFFFFFFFF  }
0xc1: {  	_ =	task.clear_ibuf [dreg:s7], $0x2FFFF;
	_ =	strace $0x9FFFFFFF  }
0xc2: {  	(tm) =	ssettm $0x7FFFFFFF  }
0xc3: {  	_ =	shalt  }
tec
execute0_lowered:
.L_overlay_start_1:
0x0: {  	(tag) =	ssettag $0x1  }
0x1: {  	s1 =	srdreg.scid;
	s2 =	rddreg [dreg:$0x0]  }
0x2: {  	s0 =	stileid.u32;
	s7 =	rddreg [dreg:$0x1];
	s3 =	simm.s32 $0x0  }
0x3: {  	s12 =	simm.s32 $0x3;
	s13 =	simm.s32 $0x2710;
	s14 =	simm.s32 $0x50  }
0x4: {  	s15 =	simm.s32 $0x4E20;
	s16 =	simm.s32 $0x6220;
	s17 =	simm.s32 $0x7620  }
0x5: {  	s18 =	simm.s32 $0x2760;
	s19 =	simm.s32 $0x8A20;
	s20 =	simm.s32 $0x1  }
0x6: {  	s21 =	simm.s32 $0x2;
	s6 =	sand.u32 $0x1, s1;
	s29 =	sshll.u32 s0, $0x1  }
0x7: {  	s22 =	simm.s32 $0x0;
	s1 =	rddreg [dreg:$0x2];
	s5 =	sor.u32 s6, s29  }
0x8: {  	[smem:$0x7FF] =	sst s3;
	s10 =	ssub.s32 $0x2, s6;
	s4 =	smul.u32 $0x2710, s5  }
0x9: {  	_ =	strace $0x8000004D;
	s9 =	smul.u32 $0x9C400, s5;
	s30 =	sshrl.u32 s10, $0x1  }
0xa: {  	s6 =	sadd.s32 $0x7C400, s7;
	s5 =	sadd.s32 $0x68A00, s7;
	s11 =	ssub.s32 s10, s30  }
0xb: {  	s8 =	sshrl.u32 s4, $0x3;
	s9 =	sshrl.u32 s9, $0x3;
	s11 =	smax.u32 s11, $0x1  }
0xc: {  	s8 =	sadd.s32 s8, s7;
	s31 =	sadd.s32 s6, s9;
	s9 =	sadd.s32 $0x50, s4  }
0xd: {  	s7 =	sadd.s32 $0xEC00, s8;
	s8 =	sadd.s32 $0x4E00, s8;
	s10 =	sadd.s32 $0x13600, s31  }
.LBB2_1:
0xe: {  	[tilespmem:s3], [sflag:$0x3] =	stream.linear.gather [hbm4b:s7+s3], $0x2710, $0x38;
	[tilespmem:$0x9E20] =	vst v63  }
0xf: {  	_ =	swait.ge [sflag:s12], $0x2710  }
0x10: {  	[sflag:s12] =	ssyncset.done $0x0  }
0x11: {  	[sflag:s12] =	ssyncadd.s32 $0xFFFFD8F0  }
0x12: {  	[tilespmem:s13], [sflag:$0x3] =	stream.linear.gather [hbm4b:s8+s3], $0x2710, $0x38;
	[tilespmem:$0x9E20] =	vst v63  }
0x13: {  	_ =	swait.ge [sflag:s12], $0x2710  }
0x14: {  	[sflag:s12] =	ssyncset.done $0x0  }
0x15: {  	[sflag:s12] =	ssyncadd.s32 $0xFFFFD8F0  }
0x16: {  	[tilespmem:s15], [sflag:$0x1] =	stream.indirect.gather [hbm4b:s2+s14], $0x40, s3, s14, $0xb8;
	[tilespmem:$0x9E20] =	vst v63  }
0x17: {  	_ = 	snop  }
0x18: {  	[tilespmem:s16], [sflag:$0x1] =	stream.indirect.gather [hbm4b:s5+s14], $0x40, s13, s14, $0xb8;
	[tilespmem:$0x9E20] =	vst v63  }
0x19: {  	_ = 	snop  }
0x1a: {  	[tilespmem:s17], [sflag:$0x2] =	stream.indirect.gather [hbm4b:s2+s14], $0x40, s14, s14, $0xb8;
	[tilespmem:$0x9E20] =	vst v63  }
0x1b: {  	s23 =	simm.s32 $0x0  }
0x1c: {  	[tilespmem:s19], [sflag:$0x2] =	stream.indirect.gather [hbm4b:s5+s14], $0x40, s18, s14, $0xb8;
	[tilespmem:$0x9E20] =	vst v63  }
.LBB2_2:
0x1d: {  	_ =	swait.ge [sflag:s20], $0x1400  }
0x1e: {  	[sflag:s20] =	ssyncset.done $0x0  }
0x1f: {  	[sflag:s20] =	ssyncadd.s32 $0xFFFFEC00  }
0x20: {  	_ =	swait.ge [sflag:s20], $0x1400  }
0x21: {  	[sflag:s20] =	ssyncset.done $0x0  }
0x22: {  	s25 =	simm.s32 $0x4EA0;
	[sflag:s20] =	ssyncadd.s32 $0xFFFFEC00  }
0x23: {  	s24 =	simm.s32 $0x62A0;
	v0 =	vld [tilespmem:s25+$0x40]  }
0x24: {  	v1 =	vld [tilespmem:s24+$0x40]  }
0x25: {  	v2 =	vld [tilespmem:s25+$0xFFFFFFC0]  }
0x26: {  	v3 =	vld [tilespmem:s24+$0xFFFFFFC0]  }
0x27: {  	v4 =	vld [tilespmem:s25+$0x0]  }
0x28: {  	v5 =	vld [tilespmem:s24+$0x0]  }
0x29: {  	v6 =	vld [tilespmem:s25+$0xFFFFFF80];
	v0 =	vadd.f32 v1, v0  }
0x2a: {  	v1 =	vld [tilespmem:s24+$0xFFFFFF80]  }
0x2b: {  	[tilespmem:s25+$0x40] =	vst v0;
	v0 =	vld [tilespmem:s25+$0x50]  }
0x2c: {  	v2 =	vadd.f32 v3, v2;
	v3 =	vld [tilespmem:s24+$0x50]  }
0x2d: {  	v7 =	vld [tilespmem:s25+$0xFFFFFF90]  }
0x2e: {  	[tilespmem:s25+$0xFFFFFFC0] =	vst v2;
	v2 =	vadd.f32 v5, v4;
	v4 =	vld [tilespmem:s25+$0xFFFFFFD0]  }
0x2f: {  	v5 =	vld [tilespmem:s24+$0xFFFFFFD0];
	v1 =	vadd.f32 v1, v6  }
0x30: {  	[tilespmem:s25+$0x0] =	vst v2;
	v2 =	vld [tilespmem:s25+$0x10]  }
0x31: {  	v6 =	vld [tilespmem:s24+$0x10];
	[tilespmem:s25+$0xFFFFFF80] =	vst v1;
	v0 =	vadd.f32 v3, v0  }
0x32: {  	v1 =	vld [tilespmem:s24+$0xFFFFFF90]  }
0x33: {  	[tilespmem:s25+$0x50] =	vst v0;
	v0 =	vld [tilespmem:s25+$0x60]  }
0x34: {  	v3 =	vadd.f32 v5, v4;
	v4 =	vld [tilespmem:s24+$0x60]  }
0x35: {  	v5 =	vld [tilespmem:s25+$0xFFFFFFA0]  }
0x36: {  	[tilespmem:s25+$0xFFFFFFD0] =	vst v3;
	v2 =	vadd.f32 v6, v2;
	v3 =	vld [tilespmem:s25+$0xFFFFFFE0]  }
0x37: {  	v6 =	vld [tilespmem:s24+$0xFFFFFFE0];
	v1 =	vadd.f32 v1, v7  }
0x38: {  	[tilespmem:s25+$0x10] =	vst v2;
	v2 =	vld [tilespmem:s25+$0x20]  }
0x39: {  	v7 =	vld [tilespmem:s24+$0x20];
	[tilespmem:s25+$0xFFFFFF90] =	vst v1;
	v0 =	vadd.f32 v4, v0  }
0x3a: {  	v4 =	vld [tilespmem:s24+$0xFFFFFFA0]  }
0x3b: {  	v8 =	vld [tilespmem:s25+$0x70];
	[tilespmem:s25+$0x60] =	vst v0  }
0x3c: {  	v1 =	vadd.f32 v6, v3;
	v6 =	vld [tilespmem:s24+$0x70]  }
0x3d: {  	v0 =	vld [tilespmem:s25+$0xFFFFFFB0]  }
0x3e: {  	[tilespmem:s25+$0xFFFFFFE0] =	vst v1;
	v2 =	vadd.f32 v7, v2;
	v1 =	vld [tilespmem:s25+$0xFFFFFFF0]  }
0x3f: {  	v3 =	vld [tilespmem:s24+$0xFFFFFFF0];
	v4 =	vadd.f32 v4, v5  }
0x40: {  	[tilespmem:s25+$0x20] =	vst v2;
	v2 =	vld [tilespmem:s25+$0x30]  }
0x41: {  	[tilespmem:s25+$0xFFFFFFA0] =	vst v4;
	v4 =	vld [tilespmem:s24+$0x30];
	v6 =	vadd.f32 v6, v8  }
0x42: {  	s26 =	simm.s32 $0x0;
	s28 =	simm.s32 $0x4FA0;
	v5 =	vld [tilespmem:s24+$0xFFFFFFB0]  }
.LBB2_3:
0x43: {  	v7 =	vld [tilespmem:s28+$0x40];
	[tilespmem:s25+$0x70] =	vst v6;
	s24 =	sadd.s32 $0x100, s24  }
0x44: {  	s26 =	sadd.s32 $0x4, s26;
	v6 =	vld [tilespmem:s24+$0x40];
	v1 =	vadd.f32 v3, v1  }
0x45: {  	p0 =	slt.u32 s26, $0x4C;
	v3 =	vld [tilespmem:s24+$0xFFFFFF80]  }
0x46: {  	v8 =	vld [tilespmem:s28+$0xFFFFFFC0];
	[tilespmem:s25+$0xFFFFFFF0] =	vst v1;
	v1 =	vadd.f32 v4, v2  }
0x47: {  	v2 =	vld [tilespmem:s24+$0xFFFFFFC0];
	v0 =	vadd.f32 v5, v0  }
0x48: {  	v4 =	vld [tilespmem:s28+$0x0];
	[tilespmem:s25+$0x30] =	vst v1  }
0x49: {  	v1 =	vld [tilespmem:s24+$0x0];
	v5 =	vadd.f32 v6, v7;
	[tilespmem:s25+$0xFFFFFFB0] =	vst v0;
	s25 =	smov.u32 s28  }
0x4a: {  	v0 =	vld [tilespmem:s28+$0xFFFFFF80]  }
0x4b: {  	[tilespmem:s28+$0x40] =	vst v5;
	v5 =	vld [tilespmem:s28+$0x50]  }
0x4c: {  	v2 =	vadd.f32 v2, v8;
	v6 =	vld [tilespmem:s24+$0x50]  }
0x4d: {  	v7 =	vld [tilespmem:s28+$0xFFFFFF90]  }
0x4e: {  	[tilespmem:s28+$0xFFFFFFC0] =	vst v2;
	v2 =	vld [tilespmem:s28+$0xFFFFFFD0];
	v1 =	vadd.f32 v1, v4  }
0x4f: {  	v0 =	vadd.f32 v3, v0;
	v3 =	vld [tilespmem:s24+$0xFFFFFFD0]  }
0x50: {  	[tilespmem:s28+$0x0] =	vst v1;
	v1 =	vld [tilespmem:s28+$0x10]  }
0x51: {  	[tilespmem:s28+$0xFFFFFF80] =	vst v0;
	v0 =	vld [tilespmem:s24+$0x10];
	v4 =	vadd.f32 v6, v5  }
0x52: {  	v5 =	vld [tilespmem:s24+$0xFFFFFF90]  }
0x53: {  	[tilespmem:s28+$0x50] =	vst v4;
	v4 =	vld [tilespmem:s28+$0x60]  }
0x54: {  	v2 =	vadd.f32 v3, v2;
	v3 =	vld [tilespmem:s24+$0x60]  }
0x55: {  	v6 =	vld [tilespmem:s28+$0xFFFFFFA0]  }
0x56: {  	[tilespmem:s28+$0xFFFFFFD0] =	vst v2;
	v2 =	vld [tilespmem:s28+$0xFFFFFFE0];
	v0 =	vadd.f32 v0, v1  }
0x57: {  	v1 =	vadd.f32 v5, v7;
	v5 =	vld [tilespmem:s24+$0xFFFFFFE0]  }
0x58: {  	[tilespmem:s28+$0x10] =	vst v0;
	v7 =	vld [tilespmem:s28+$0x20]  }
0x59: {  	[tilespmem:s28+$0xFFFFFF90] =	vst v1;
	v8 =	vld [tilespmem:s24+$0x20];
	v0 =	vadd.f32 v3, v4  }
0x5a: {  	v3 =	vld [tilespmem:s24+$0xFFFFFFA0]  }
0x5b: {  	[tilespmem:s28+$0x60] =	vst v0;
	v9 =	vld [tilespmem:s28+$0x70]  }
0x5c: {  	v1 =	vadd.f32 v5, v2;
	v5 =	vld [tilespmem:s24+$0x70]  }
0x5d: {  	v0 =	vld [tilespmem:s28+$0xFFFFFFB0]  }
.Ltmp0:
0x5e: {  	[tilespmem:s28+$0xFFFFFFE0] =	vst v1;
	v1 =	vld [tilespmem:s28+$0xFFFFFFF0];
	v2 =	vadd.f32 v8, v7;
	(pc) =	sbr.rel @p0 .LBB2_3-.Ltmp0, $4  }
0x5f: {  	v4 =	vadd.f32 v3, v6;
	v3 =	vld [tilespmem:s24+$0xFFFFFFF0]  }
0x60: {  	[tilespmem:s28+$0x20] =	vst v2;
	v2 =	vld [tilespmem:s28+$0x30]  }
0x61: {  	[tilespmem:s28+$0xFFFFFFA0] =	vst v4;
	v4 =	vld [tilespmem:s24+$0x30];
	v6 =	vadd.f32 v5, v9  }
0x62: {  	s28 =	sadd.s32 $0x100, s28;
	v5 =	vld [tilespmem:s24+$0xFFFFFFB0]  }
0x63: {  	_ =	sdelay $0x1  }
0x64: {  	s24 =	smul.u32 $0xA0, s23;
	v1 =	vadd.f32 v3, v1  }
0x65: {  	[tilespmem:s25+$0x70] =	vst v6;
	v2 =	vadd.f32 v4, v2  }
0x66: {  	s26 =	sadd.s32 s4, s24;
	[tilespmem:s25+$0xFFFFFFF0] =	vst v1;
	v0 =	vadd.f32 v5, v0  }
0x67: {  	s26 =	sshll.u32 s26, $0x3;
	[tilespmem:s25+$0x30] =	vst v2  }
0x68: {  	s26 =	sadd.s32 s6, s26;
	[tilespmem:s25+$0xFFFFFFB0] =	vst v0  }
0x69: {  	[hbm4b:s26+s3] =	stream.linear.scatter [tilespmem:s15], [sflag:$0x3], $0x1400, $0x38;
	[tilespmem:$0x9E20] =	vst v63  }
0x6a: {  	_ =	swait.ge [sflag:s12], $0x1400  }
0x6b: {  	[sflag:s12] =	ssyncset.done $0x0  }
0x6c: {  	s30 =	sadd.s32 $0xA0, s24;
	[sflag:s12] =	ssyncadd.s32 $0xFFFFEC00  }
0x6d: {  	[tilespmem:s15], [sflag:$0x1] =	stream.indirect.gather [hbm4b:s2+s14], $0x40, s30, s14, $0xb8;
	[tilespmem:$0x9E20] =	vst v63  }
0x6e: {  	s31 =	sadd.s32 $0x27B0, s24  }
0x6f: {  	[tilespmem:s16], [sflag:$0x1] =	stream.indirect.gather [hbm4b:s5+s14], $0x40, s31, s14, $0xb8;
	[tilespmem:$0x9E20] =	vst v63  }
0x70: {  	_ =	swait.ge [sflag:s21], $0x1400  }
0x71: {  	[sflag:s21] =	ssyncset.done $0x0  }
0x72: {  	[sflag:s21] =	ssyncadd.s32 $0xFFFFEC00  }
0x73: {  	_ =	swait.ge [sflag:s21], $0x1400  }
0x74: {  	[sflag:s21] =	ssyncset.done $0x0  }
0x75: {  	s25 =	simm.s32 $0x76A0;
	[sflag:s21] =	ssyncadd.s32 $0xFFFFEC00  }
0x76: {  	s26 =	simm.s32 $0x8AA0;
	v0 =	vld [tilespmem:s25+$0x40]  }
0x77: {  	v1 =	vld [tilespmem:s26+$0x40]  }
0x78: {  	v2 =	vld [tilespmem:s25+$0xFFFFFFC0]  }
0x79: {  	v3 =	vld [tilespmem:s26+$0xFFFFFFC0]  }
0x7a: {  	v4 =	vld [tilespmem:s25+$0x0]  }
0x7b: {  	v5 =	vld [tilespmem:s26+$0x0]  }
0x7c: {  	v6 =	vld [tilespmem:s25+$0xFFFFFF80];
	v0 =	vadd.f32 v1, v0  }
0x7d: {  	v1 =	vld [tilespmem:s26+$0xFFFFFF80]  }
0x7e: {  	[tilespmem:s25+$0x40] =	vst v0;
	v0 =	vld [tilespmem:s25+$0x50]  }
0x7f: {  	v2 =	vadd.f32 v3, v2;
	v3 =	vld [tilespmem:s26+$0x50]  }
0x80: {  	v7 =	vld [tilespmem:s25+$0xFFFFFF90]  }
0x81: {  	[tilespmem:s25+$0xFFFFFFC0] =	vst v2;
	v2 =	vadd.f32 v5, v4;
	v4 =	vld [tilespmem:s25+$0xFFFFFFD0]  }
0x82: {  	v5 =	vld [tilespmem:s26+$0xFFFFFFD0];
	v1 =	vadd.f32 v1, v6  }
0x83: {  	[tilespmem:s25+$0x0] =	vst v2;
	v2 =	vld [tilespmem:s25+$0x10]  }
0x84: {  	v6 =	vld [tilespmem:s26+$0x10];
	[tilespmem:s25+$0xFFFFFF80] =	vst v1;
	v0 =	vadd.f32 v3, v0  }
0x85: {  	v1 =	vld [tilespmem:s26+$0xFFFFFF90]  }
0x86: {  	[tilespmem:s25+$0x50] =	vst v0;
	v0 =	vld [tilespmem:s25+$0x60]  }
0x87: {  	v3 =	vadd.f32 v5, v4;
	v4 =	vld [tilespmem:s26+$0x60]  }
0x88: {  	v5 =	vld [tilespmem:s25+$0xFFFFFFA0]  }
0x89: {  	[tilespmem:s25+$0xFFFFFFD0] =	vst v3;
	v2 =	vadd.f32 v6, v2;
	v3 =	vld [tilespmem:s25+$0xFFFFFFE0]  }
0x8a: {  	v6 =	vld [tilespmem:s26+$0xFFFFFFE0];
	v1 =	vadd.f32 v1, v7  }
0x8b: {  	[tilespmem:s25+$0x10] =	vst v2;
	v2 =	vld [tilespmem:s25+$0x20]  }
0x8c: {  	v7 =	vld [tilespmem:s26+$0x20];
	[tilespmem:s25+$0xFFFFFF90] =	vst v1;
	v0 =	vadd.f32 v4, v0  }
0x8d: {  	v4 =	vld [tilespmem:s26+$0xFFFFFFA0]  }
0x8e: {  	v8 =	vld [tilespmem:s25+$0x70];
	[tilespmem:s25+$0x60] =	vst v0  }
0x8f: {  	v1 =	vadd.f32 v6, v3;
	v6 =	vld [tilespmem:s26+$0x70]  }
0x90: {  	v0 =	vld [tilespmem:s25+$0xFFFFFFB0]  }
0x91: {  	[tilespmem:s25+$0xFFFFFFE0] =	vst v1;
	v2 =	vadd.f32 v7, v2;
	v1 =	vld [tilespmem:s25+$0xFFFFFFF0]  }
0x92: {  	v3 =	vld [tilespmem:s26+$0xFFFFFFF0];
	v4 =	vadd.f32 v4, v5  }
0x93: {  	[tilespmem:s25+$0x20] =	vst v2;
	v2 =	vld [tilespmem:s25+$0x30]  }
0x94: {  	[tilespmem:s25+$0xFFFFFFA0] =	vst v4;
	v4 =	vld [tilespmem:s26+$0x30];
	v6 =	vadd.f32 v6, v8  }
0x95: {  	s28 =	simm.s32 $0x0;
	s29 =	simm.s32 $0x77A0;
	v5 =	vld [tilespmem:s26+$0xFFFFFFB0]  }
.LBB2_5:
0x96: {  	v7 =	vld [tilespmem:s29+$0x40];
	[tilespmem:s25+$0x70] =	vst v6;
	s26 =	sadd.s32 $0x100, s26  }
0x97: {  	s28 =	sadd.s32 $0x4, s28;
	v6 =	vld [tilespmem:s26+$0x40];
	v1 =	vadd.f32 v3, v1  }
0x98: {  	p0 =	slt.u32 s28, $0x4C;
	v3 =	vld [tilespmem:s26+$0xFFFFFF80]  }
0x99: {  	v8 =	vld [tilespmem:s29+$0xFFFFFFC0];
	[tilespmem:s25+$0xFFFFFFF0] =	vst v1;
	v1 =	vadd.f32 v4, v2  }
0x9a: {  	v2 =	vld [tilespmem:s26+$0xFFFFFFC0];
	v0 =	vadd.f32 v5, v0  }
0x9b: {  	v4 =	vld [tilespmem:s29+$0x0];
	[tilespmem:s25+$0x30] =	vst v1  }
0x9c: {  	v1 =	vld [tilespmem:s26+$0x0];
	v5 =	vadd.f32 v6, v7;
	[tilespmem:s25+$0xFFFFFFB0] =	vst v0;
	s25 =	smov.u32 s29  }
0x9d: {  	v0 =	vld [tilespmem:s29+$0xFFFFFF80]  }
0x9e: {  	[tilespmem:s29+$0x40] =	vst v5;
	v5 =	vld [tilespmem:s29+$0x50]  }
0x9f: {  	v2 =	vadd.f32 v2, v8;
	v6 =	vld [tilespmem:s26+$0x50]  }
0xa0: {  	v7 =	vld [tilespmem:s29+$0xFFFFFF90]  }
0xa1: {  	[tilespmem:s29+$0xFFFFFFC0] =	vst v2;
	v2 =	vld [tilespmem:s29+$0xFFFFFFD0];
	v1 =	vadd.f32 v1, v4  }
0xa2: {  	v0 =	vadd.f32 v3, v0;
	v3 =	vld [tilespmem:s26+$0xFFFFFFD0]  }
0xa3: {  	[tilespmem:s29+$0x0] =	vst v1;
	v1 =	vld [tilespmem:s29+$0x10]  }
0xa4: {  	[tilespmem:s29+$0xFFFFFF80] =	vst v0;
	v0 =	vld [tilespmem:s26+$0x10];
	v4 =	vadd.f32 v6, v5  }
0xa5: {  	v5 =	vld [tilespmem:s26+$0xFFFFFF90]  }
0xa6: {  	[tilespmem:s29+$0x50] =	vst v4;
	v4 =	vld [tilespmem:s29+$0x60]  }
0xa7: {  	v2 =	vadd.f32 v3, v2;
	v3 =	vld [tilespmem:s26+$0x60]  }
0xa8: {  	v6 =	vld [tilespmem:s29+$0xFFFFFFA0]  }
0xa9: {  	[tilespmem:s29+$0xFFFFFFD0] =	vst v2;
	v2 =	vld [tilespmem:s29+$0xFFFFFFE0];
	v0 =	vadd.f32 v0, v1  }
0xaa: {  	v1 =	vadd.f32 v5, v7;
	v5 =	vld [tilespmem:s26+$0xFFFFFFE0]  }
0xab: {  	[tilespmem:s29+$0x10] =	vst v0;
	v7 =	vld [tilespmem:s29+$0x20]  }
0xac: {  	[tilespmem:s29+$0xFFFFFF90] =	vst v1;
	v8 =	vld [tilespmem:s26+$0x20];
	v0 =	vadd.f32 v3, v4  }
0xad: {  	v3 =	vld [tilespmem:s26+$0xFFFFFFA0]  }
0xae: {  	[tilespmem:s29+$0x60] =	vst v0;
	v9 =	vld [tilespmem:s29+$0x70]  }
0xaf: {  	v1 =	vadd.f32 v5, v2;
	v5 =	vld [tilespmem:s26+$0x70]  }
0xb0: {  	v0 =	vld [tilespmem:s29+$0xFFFFFFB0]  }
.Ltmp1:
0xb1: {  	[tilespmem:s29+$0xFFFFFFE0] =	vst v1;
	v1 =	vld [tilespmem:s29+$0xFFFFFFF0];
	v2 =	vadd.f32 v8, v7;
	(pc) =	sbr.rel @p0 .LBB2_5-.Ltmp1, $4  }
0xb2: {  	v4 =	vadd.f32 v3, v6;
	v3 =	vld [tilespmem:s26+$0xFFFFFFF0]  }
0xb3: {  	[tilespmem:s29+$0x20] =	vst v2;
	v2 =	vld [tilespmem:s29+$0x30]  }
0xb4: {  	[tilespmem:s29+$0xFFFFFFA0] =	vst v4;
	v4 =	vld [tilespmem:s26+$0x30];
	v6 =	vadd.f32 v5, v9  }
0xb5: {  	s29 =	sadd.s32 $0x100, s29;
	v5 =	vld [tilespmem:s26+$0xFFFFFFB0]  }
0xb6: {  	_ =	sdelay $0x1  }
0xb7: {  	v1 =	vadd.f32 v3, v1  }
0xb8: {  	[tilespmem:s25+$0x70] =	vst v6;
	s26 =	sadd.s32 s24, s9;
	v2 =	vadd.f32 v4, v2  }
0xb9: {  	s26 =	sshll.u32 s26, $0x3;
	[tilespmem:s25+$0xFFFFFFF0] =	vst v1;
	v0 =	vadd.f32 v5, v0  }
0xba: {  	p0 =	seq.s32 s23, $0x3D;
	s26 =	sand.u32 $0x1FFFFF80, s26;
	[tilespmem:s25+$0x30] =	vst v2  }
.Ltmp2:
0xbb: {  	s31 =	sadd.s32 s6, s26;
	[tilespmem:s25+$0xFFFFFFB0] =	vst v0;
	(pc) =	sbr.rel @p0 .LBB2_8-.Ltmp2, $4  }
0xbc: {  	[hbm4b:s31+s3] =	stream.linear.scatter [tilespmem:s17], [sflag:$0x3], $0x1400, $0x38;
	[tilespmem:$0x9E20] =	vst v63  }
0xbd: {  	_ =	swait.ge [sflag:s12], $0x1400  }
0xbe: {  	[sflag:s12] =	ssyncset.done $0x0  }
0xbf: {  	[sflag:s12] =	ssyncadd.s32 $0xFFFFEC00  }
.Ltmp3:
0xc0: {  	(pc) =	sbr.rel .LBB2_2-.Ltmp3, $4  }
0xc1: {  	s25 =	sadd.s32 $0xF0, s24  }
0xc2: {  	[tilespmem:s17], [sflag:$0x2] =	stream.indirect.gather [hbm4b:s2+s14], $0x40, s25, s14, $0xb8;
	[tilespmem:$0x9E20] =	vst v63  }
0xc3: {  	s31 =	sadd.s32 $0x2800, s24;
	s23 =	sadd.s32 $0x1, s23  }
0xc4: {  	[tilespmem:s19], [sflag:$0x2] =	stream.indirect.gather [hbm4b:s5+s14], $0x40, s31, s14, $0xb8;
	[tilespmem:$0x9E20] =	vst v63  }
.LBB2_8:
0xc5: {  	_ =	swait.ge [sflag:s20], $0x1400  }
0xc6: {  	[sflag:s20] =	ssyncset.done $0x0  }
0xc7: {  	[sflag:s20] =	ssyncadd.s32 $0xFFFFEC00  }
0xc8: {  	_ =	swait.ge [sflag:s20], $0x1400  }
0xc9: {  	[sflag:s20] =	ssyncset.done $0x0  }
0xca: {  	s23 =	simm.s32 $0x4EA0;
	[sflag:s20] =	ssyncadd.s32 $0xFFFFEC00  }
0xcb: {  	s24 =	simm.s32 $0x62A0;
	v0 =	vld [tilespmem:s23+$0x40]  }
0xcc: {  	v1 =	vld [tilespmem:s24+$0x40]  }
0xcd: {  	v2 =	vld [tilespmem:s23+$0xFFFFFFC0]  }
0xce: {  	v3 =	vld [tilespmem:s24+$0xFFFFFFC0]  }
0xcf: {  	v4 =	vld [tilespmem:s23+$0x0]  }
0xd0: {  	v5 =	vld [tilespmem:s24+$0x0]  }
0xd1: {  	v6 =	vld [tilespmem:s23+$0xFFFFFF80];
	v0 =	vadd.f32 v1, v0  }
0xd2: {  	v1 =	vld [tilespmem:s24+$0xFFFFFF80]  }
0xd3: {  	[tilespmem:s23+$0x40] =	vst v0;
	v0 =	vld [tilespmem:s23+$0x50]  }
0xd4: {  	v2 =	vadd.f32 v3, v2;
	v3 =	vld [tilespmem:s24+$0x50]  }
0xd5: {  	v7 =	vld [tilespmem:s23+$0xFFFFFF90]  }
0xd6: {  	[tilespmem:s23+$0xFFFFFFC0] =	vst v2;
	v2 =	vadd.f32 v5, v4;
	v4 =	vld [tilespmem:s23+$0xFFFFFFD0]  }
0xd7: {  	v5 =	vld [tilespmem:s24+$0xFFFFFFD0];
	v1 =	vadd.f32 v1, v6  }
0xd8: {  	[tilespmem:s23+$0x0] =	vst v2;
	v2 =	vld [tilespmem:s23+$0x10]  }
0xd9: {  	v6 =	vld [tilespmem:s24+$0x10];
	[tilespmem:s23+$0xFFFFFF80] =	vst v1;
	v0 =	vadd.f32 v3, v0  }
0xda: {  	v1 =	vld [tilespmem:s24+$0xFFFFFF90]  }
0xdb: {  	[tilespmem:s23+$0x50] =	vst v0;
	v0 =	vld [tilespmem:s23+$0x60]  }
0xdc: {  	v3 =	vadd.f32 v5, v4;
	v4 =	vld [tilespmem:s24+$0x60]  }
0xdd: {  	v5 =	vld [tilespmem:s23+$0xFFFFFFA0]  }
0xde: {  	[tilespmem:s23+$0xFFFFFFD0] =	vst v3;
	v2 =	vadd.f32 v6, v2;
	v3 =	vld [tilespmem:s23+$0xFFFFFFE0]  }
0xdf: {  	v6 =	vld [tilespmem:s24+$0xFFFFFFE0];
	v1 =	vadd.f32 v1, v7  }
0xe0: {  	[tilespmem:s23+$0x10] =	vst v2;
	v2 =	vld [tilespmem:s23+$0x20]  }
0xe1: {  	v7 =	vld [tilespmem:s24+$0x20];
	[tilespmem:s23+$0xFFFFFF90] =	vst v1;
	v0 =	vadd.f32 v4, v0  }
0xe2: {  	v4 =	vld [tilespmem:s24+$0xFFFFFFA0]  }
0xe3: {  	v8 =	vld [tilespmem:s23+$0x70];
	[tilespmem:s23+$0x60] =	vst v0  }
0xe4: {  	v1 =	vadd.f32 v6, v3;
	v6 =	vld [tilespmem:s24+$0x70]  }
0xe5: {  	v0 =	vld [tilespmem:s23+$0xFFFFFFB0]  }
0xe6: {  	[tilespmem:s23+$0xFFFFFFE0] =	vst v1;
	v2 =	vadd.f32 v7, v2;
	v1 =	vld [tilespmem:s23+$0xFFFFFFF0]  }
0xe7: {  	v3 =	vld [tilespmem:s24+$0xFFFFFFF0];
	v4 =	vadd.f32 v4, v5  }
0xe8: {  	[tilespmem:s23+$0x20] =	vst v2;
	v2 =	vld [tilespmem:s23+$0x30]  }
0xe9: {  	[tilespmem:s23+$0xFFFFFFA0] =	vst v4;
	v4 =	vld [tilespmem:s24+$0x30];
	v6 =	vadd.f32 v6, v8  }
0xea: {  	s25 =	simm.s32 $0x0;
	s26 =	simm.s32 $0x4FA0;
	v5 =	vld [tilespmem:s24+$0xFFFFFFB0]  }
.LBB2_9:
0xeb: {  	v7 =	vld [tilespmem:s26+$0x40];
	[tilespmem:s23+$0x70] =	vst v6;
	s24 =	sadd.s32 $0x100, s24  }
0xec: {  	s25 =	sadd.s32 $0x4, s25;
	v6 =	vld [tilespmem:s24+$0x40];
	v1 =	vadd.f32 v3, v1  }
0xed: {  	p0 =	slt.u32 s25, $0x4C;
	v3 =	vld [tilespmem:s24+$0xFFFFFF80]  }
0xee: {  	v8 =	vld [tilespmem:s26+$0xFFFFFFC0];
	[tilespmem:s23+$0xFFFFFFF0] =	vst v1;
	v1 =	vadd.f32 v4, v2  }
0xef: {  	v2 =	vld [tilespmem:s24+$0xFFFFFFC0];
	v0 =	vadd.f32 v5, v0  }
0xf0: {  	v4 =	vld [tilespmem:s26+$0x0];
	[tilespmem:s23+$0x30] =	vst v1  }
0xf1: {  	v1 =	vld [tilespmem:s24+$0x0];
	v5 =	vadd.f32 v6, v7;
	[tilespmem:s23+$0xFFFFFFB0] =	vst v0;
	s23 =	smov.u32 s26  }
0xf2: {  	v0 =	vld [tilespmem:s26+$0xFFFFFF80]  }
0xf3: {  	[tilespmem:s26+$0x40] =	vst v5;
	v5 =	vld [tilespmem:s26+$0x50]  }
0xf4: {  	v2 =	vadd.f32 v2, v8;
	v6 =	vld [tilespmem:s24+$0x50]  }
0xf5: {  	v7 =	vld [tilespmem:s26+$0xFFFFFF90]  }
0xf6: {  	[tilespmem:s26+$0xFFFFFFC0] =	vst v2;
	v2 =	vld [tilespmem:s26+$0xFFFFFFD0];
	v1 =	vadd.f32 v1, v4  }
0xf7: {  	v0 =	vadd.f32 v3, v0;
	v3 =	vld [tilespmem:s24+$0xFFFFFFD0]  }
0xf8: {  	[tilespmem:s26+$0x0] =	vst v1;
	v1 =	vld [tilespmem:s26+$0x10]  }
0xf9: {  	[tilespmem:s26+$0xFFFFFF80] =	vst v0;
	v0 =	vld [tilespmem:s24+$0x10];
	v4 =	vadd.f32 v6, v5  }
0xfa: {  	v5 =	vld [tilespmem:s24+$0xFFFFFF90]  }
0xfb: {  	[tilespmem:s26+$0x50] =	vst v4;
	v4 =	vld [tilespmem:s26+$0x60]  }
0xfc: {  	v2 =	vadd.f32 v3, v2;
	v3 =	vld [tilespmem:s24+$0x60]  }
0xfd: {  	v6 =	vld [tilespmem:s26+$0xFFFFFFA0]  }
0xfe: {  	[tilespmem:s26+$0xFFFFFFD0] =	vst v2;
	v2 =	vld [tilespmem:s26+$0xFFFFFFE0];
	v0 =	vadd.f32 v0, v1  }
0xff: {  	v1 =	vadd.f32 v5, v7;
	v5 =	vld [tilespmem:s24+$0xFFFFFFE0]  }
0x100: {  	[tilespmem:s26+$0x10] =	vst v0;
	v7 =	vld [tilespmem:s26+$0x20]  }
0x101: {  	[tilespmem:s26+$0xFFFFFF90] =	vst v1;
	v8 =	vld [tilespmem:s24+$0x20];
	v0 =	vadd.f32 v3, v4  }
0x102: {  	v3 =	vld [tilespmem:s24+$0xFFFFFFA0]  }
0x103: {  	[tilespmem:s26+$0x60] =	vst v0;
	v9 =	vld [tilespmem:s26+$0x70]  }
0x104: {  	v1 =	vadd.f32 v5, v2;
	v5 =	vld [tilespmem:s24+$0x70]  }
0x105: {  	v0 =	vld [tilespmem:s26+$0xFFFFFFB0]  }
.Ltmp4:
0x106: {  	[tilespmem:s26+$0xFFFFFFE0] =	vst v1;
	v1 =	vld [tilespmem:s26+$0xFFFFFFF0];
	v2 =	vadd.f32 v8, v7;
	(pc) =	sbr.rel @p0 .LBB2_9-.Ltmp4, $4  }
0x107: {  	v4 =	vadd.f32 v3, v6;
	v3 =	vld [tilespmem:s24+$0xFFFFFFF0]  }
0x108: {  	[tilespmem:s26+$0x20] =	vst v2;
	v2 =	vld [tilespmem:s26+$0x30]  }
0x109: {  	[tilespmem:s26+$0xFFFFFFA0] =	vst v4;
	v4 =	vld [tilespmem:s24+$0x30];
	v6 =	vadd.f32 v5, v9  }
0x10a: {  	s26 =	sadd.s32 $0x100, s26;
	v5 =	vld [tilespmem:s24+$0xFFFFFFB0]  }
0x10b: {  	_ =	sdelay $0x1  }
0x10c: {  	v1 =	vadd.f32 v3, v1  }
0x10d: {  	[tilespmem:s23+$0x70] =	vst v6;
	v2 =	vadd.f32 v4, v2  }
0x10e: {  	s22 =	sadd.s32 $0x1, s22;
	[tilespmem:s23+$0xFFFFFFF0] =	vst v1;
	v0 =	vadd.f32 v5, v0  }
0x10f: {  	p0 =	sne.s32 s22, s11;
	[tilespmem:s23+$0x30] =	vst v2  }
.Ltmp5:
0x110: {  	[tilespmem:s23+$0xFFFFFFB0] =	vst v0;
	(pc) =	sbr.rel @p0 .LBB2_1-.Ltmp5, $4  }
0x111: {  	[hbm4b:s10+s3] =	stream.linear.scatter [tilespmem:s15], [sflag:$0x3], $0x1400, $0x38;
	[tilespmem:$0x9E20] =	vst v63  }
0x112: {  	_ =	swait.ge [sflag:s12], $0x1400  }
0x113: {  	[sflag:s12] =	ssyncset.done $0x0  }
0x114: {  	[sflag:s12] =	ssyncadd.s32 $0xFFFFEC00  }
0x115: {  	_ =	sfence.sel $0x180000  }
0x116: {  	[bflag:$0x0] =	sbarrier.arrive $0xFFFF  }
0x117: {  	p0 =	sne.s32 s0, $0x0;
	_ =	strace $0x9000004D  }
0x118: {  	s0 =	sadd.s32 @!p0 $0x100000, s1;
	[bflag:$0x2] =	sbarrier.arrive $0xFFFF  }
0x119: {  	[sflag:s0] =	ssyncadd.tile.s32 @!p0 $0x1;
	_ =	shalt  }
.Lfunc_end2:
_tile_overlayer_lowered:
.L_overlay_start_2:
0x11a: {  	(tag) =	ssettag $0x2  }
0x11b: {  	s0 =	rddreg [dreg:$0x0];
	s2 =	stileid.u32  }
0x11c: {  	s1 =	rddreg [dreg:$0x1];
	p0 =	sne.s32 s2, $0x0  }
0x11d: {  	s3 =	rddreg [dreg:$0x2];
	[bflag:$0x3] =	sbarrier.arrive $0xFFFF;
	s2 =	simm.s32 @!p0 $0x1C03  }
0x11e: {  	[timem:s3], [sflag:s2] =	dma.local @!p0 [hbm:s0], s1  }
0x11f: {  	s0 =	simm.s32 @!p0 $0x3  }
0x120: {  	_ =	swait.ge @!p0 [sflag:s0], s1  }
0x121: {  	s1 =	ssub.s32 @!p0 $0x0, s1;
	[sflag:s0] =	ssyncset.done @!p0 $0x0  }
0x122: {  	[sflag:s0] =	ssyncadd.s32 @!p0 s1  }
0x123: {  	[bflag:$0x3] =	sbarrier.arrive $0xFFFF  }
0x124: {  	_ =	shalt  }

// kernel: kernel.20.cloned.1.call-start
scs
__scs_entry_jumppad:
0x0: {  	(pc) =	sbr.rel $0x88, $3  }
0x1: {  	(tag) =	ssettag $0x0;
	lr =	simm.s32 $0x1  }
0x2: {  	[smem:$0x3F8F] =	sst lr;
	_ =	strace $0xD0000000  }
0x3: {  	_ = 	snop  }
0x4: {  	_ = 	snop  }
0x5: {  	_ = 	snop  }
0x6: {  	_ = 	snop  }
0x7: {  	_ = 	snop  }
__scs_overlays_trampoline_lowered:
0x8: {  	[smem:$0x3F9E] =	sst s0  }
0x9: {  	[smem:$0x3F9F] =	sst s1  }
0xa: {  	[smem:$0x3FA0] =	sst s2  }
0xb: {  	[smem:$0x3FA1] =	sst s3  }
0xc: {  	[smem:$0x3FA2] =	sst s4  }
0xd: {  	[smem:$0x3FA3] =	sst s5  }
0xe: {  	[smem:$0x3FA4] =	sst s6  }
0xf: {  	[smem:$0x3FA5] =	sst s7  }
0x10: {  	[smem:$0x3FA6] =	sst s8  }
0x11: {  	[smem:$0x3FA7] =	sst s9;
	s0 =	simm.s32 @!p0 $0x0  }
0x12: {  	s1 =	sld [smem:$0x3F8D];
	s0 =	simm.s32 @p0 $0x1  }
0x13: {  	[smem:$0x3FA8] =	sst s0;
	s0 =	simm.s32 @!p1 $0x0  }
0x14: {  	s2 =	sld [smem:$0x3F8C];
	s0 =	simm.s32 @p1 $0x1  }
0x15: {  	[smem:$0x3FA9] =	sst s0;
	s0 =	simm.s32 @!p2 $0x0  }
0x16: {  	s3 =	sld [smem:$0x3FDB];
	s0 =	simm.s32 @p2 $0x1  }
0x17: {  	s4 =	simm.s32 $0x1BF5;
	[smem:$0x3FAB] =	sst s0  }
0x18: {  	s0 =	sld [smem:$0x3F8E];
	_ =	swait.ge [sflag:s4], $0x0  }
0x19: {  	s7 =	sld [smem:$0x3F8F]  }
0x1a: {  	s8 =	sadd.s32 $0xFFFFE003, lr  }
0x1b: {  	s9 =	sadd.s32 $0xFFFFFEF7, lr;
	s5 =	simm.s32 $0xFFFFFFFF;
	p2 =	slt.u32 s8, $0xFFFFF086  }
0x1c: {  	p1 =	slt.u32 s9, $0xF7A;
	s5 =	simm.s32 @!p2 $0x0  }
0x1d: {  	s5 =	simm.s32 @p1 $0x1;
	p0 =	seq.s32 s7, s2  }
0x1e: {  	s7 =	smul.u32 @!p0 $0xF7A, s2;
	p2 =	seq.s32 @!p0 s5, $0x0  }
0x1f: {  	s9 =	smul.u32 $0xF7A, s1;
	s8 =	simm.s32 @!p0 $0x1BF5;
	p2 =	por !p2, p0  }
0x20: {  	[sflag:s8] =	ssyncset.s32 @!p0 $0xFFFFF086;
	s6 =	sadd.s32 @!p0 s3, s7;
	s7 =	simm.s32 @!p0 $0x108  }
0x21: {  	s3 =	sadd.s32 s3, s9;
	s6 =	sadd.s32 @!p0 $0x88, s6;
	s7 =	simm.s32 @p2 $0x1082  }
0x22: {  	[simem:s7], [sflag:s8] =	dma.local @!p0 [hbm:s6], $0xF7A  }
0x23: {  	s9 =	sor.u32 $0xD0000000, s2;
	s6 =	simm.s32 $0x108;
	_ =	swait.ge @!p0 [sflag:s8], $0x0  }
0x24: {  	s3 =	sadd.s32 $0x88, s3;
	s6 =	simm.s32 @!p1 $0x1082;
	[sflag:s4] =	ssyncset.s32 $0xFFFFF086  }
0x25: {  	[simem:s6], [sflag:s4] =	dma.local [hbm:s3], $0xF7A  }
0x26: {  	[smem:$0x3F8F] =	sst s1;
	(tag) =	ssettag s2;
	_ =	strace s9  }
0x27: {  	s1 =	sld [smem:$0x3F9F]  }
0x28: {  	s2 =	sld [smem:$0x3FA0]  }
0x29: {  	s4 =	sld [smem:$0x3FA2]  }
0x2a: {  	p0 =	seq.s32 s5, $0x0;
	s5 =	sld [smem:$0x3FA3]  }
0x2b: {  	s6 =	sld [smem:$0x3FA4]  }
0x2c: {  	s7 =	sld [smem:$0x3FA5]  }
0x2d: {  	s3 =	simm.s32 $0x108;
	s8 =	sld [smem:$0x3FA6]  }
0x2e: {  	s3 =	simm.s32 @!p0 $0x1082;
	s9 =	sld [smem:$0x3FA7]  }
0x2f: {  	lr =	sadd.s32 s0, s3;
	s0 =	sld [smem:$0x3F9E]  }
0x30: {  	s3 =	sld [smem:$0x3FA1]  }
0x31: {  	[smem:$0x3FAA] =	sst s10  }
0x32: {  	s10 =	sld [smem:$0x3FA8];
	_ =	sdelay $0x3  }
0x33: {  	p0 =	seq.s32 s10, $0x1;
	s10 =	sld [smem:$0x3FAA];
	_ =	sdelay $0x3  }
0x34: {  	[smem:$0x3FAA] =	sst s10  }
0x35: {  	s10 =	sld [smem:$0x3FA9];
	_ =	sdelay $0x3  }
0x36: {  	p1 =	seq.s32 s10, $0x1;
	s10 =	sld [smem:$0x3FAA];
	_ =	sdelay $0x3  }
0x37: {  	[smem:$0x3FAA] =	sst s10  }
0x38: {  	s10 =	sld [smem:$0x3FAB]  }
0x39: {  	_ = 	snop;
	(pc) =	sbr.ind lr, $3  }
0x3a: {  	_ = 	snop  }
0x3b: {  	_ = 	snop  }
0x3c: {  	p2 =	seq.s32 s10, $0x1;
	s10 =	sld [smem:$0x3FAA]  }
0x3d: {  	_ =	shalt  }
0x3e: {  	_ =	shalt  }
0x3f: {  	_ =	shalt  }
0x40: {  	_ =	shalt  }
0x41: {  	_ =	shalt  }
0x42: {  	_ =	shalt  }
0x43: {  	_ =	shalt  }
0x44: {  	_ =	shalt  }
0x45: {  	_ =	shalt  }
0x46: {  	_ =	shalt  }
0x47: {  	_ =	shalt  }
0x48: {  	_ =	shalt  }
0x49: {  	_ =	shalt  }
0x4a: {  	_ =	shalt  }
0x4b: {  	_ =	shalt  }
0x4c: {  	_ =	shalt  }
0x4d: {  	_ =	shalt  }
0x4e: {  	_ =	shalt  }
0x4f: {  	_ =	shalt  }
0x50: {  	_ =	shalt  }
0x51: {  	_ =	shalt  }
0x52: {  	_ =	shalt  }
0x53: {  	_ =	shalt  }
0x54: {  	_ =	shalt  }
0x55: {  	_ =	shalt  }
0x56: {  	_ =	shalt  }
0x57: {  	_ =	shalt  }
0x58: {  	_ =	shalt  }
0x59: {  	_ =	shalt  }
0x5a: {  	_ =	shalt  }
0x5b: {  	_ =	shalt  }
0x5c: {  	_ =	shalt  }
0x5d: {  	_ =	shalt  }
0x5e: {  	_ =	shalt  }
0x5f: {  	_ =	shalt  }
0x60: {  	_ =	shalt  }
0x61: {  	_ =	shalt  }
0x62: {  	_ =	shalt  }
0x63: {  	_ =	shalt  }
0x64: {  	_ =	shalt  }
0x65: {  	_ =	shalt  }
0x66: {  	_ =	shalt  }
0x67: {  	_ =	shalt  }
0x68: {  	_ =	shalt  }
0x69: {  	_ =	shalt  }
0x6a: {  	_ =	shalt  }
0x6b: {  	_ =	shalt  }
0x6c: {  	_ =	shalt  }
0x6d: {  	_ =	shalt  }
0x6e: {  	_ =	shalt  }
0x6f: {  	_ =	shalt  }
0x70: {  	_ =	shalt  }
0x71: {  	_ =	shalt  }
0x72: {  	_ =	shalt  }
0x73: {  	_ =	shalt  }
0x74: {  	_ =	shalt  }
0x75: {  	_ =	shalt  }
0x76: {  	_ =	shalt  }
0x77: {  	_ =	shalt  }
0x78: {  	_ =	shalt  }
0x79: {  	_ =	shalt  }
0x7a: {  	_ =	shalt  }
0x7b: {  	_ =	shalt  }
0x7c: {  	_ =	shalt  }
0x7d: {  	_ =	shalt  }
0x7e: {  	_ =	shalt  }
0x7f: {  	_ =	shalt  }
0x80: {  	_ =	shalt  }
0x81: {  	_ =	shalt  }
0x82: {  	_ =	shalt  }
0x83: {  	_ =	shalt  }
0x84: {  	_ =	shalt  }
0x85: {  	_ =	shalt  }
0x86: {  	_ =	shalt  }
0x87: {  	_ =	shalt  }
.Lfunc_end0:
.L_simem_size_0:
called_computation.3_lowered:
.L_overlay_start_0:
0x88: {  	s2 =	sld [smem:$0x3FD9]  }
0x89: {  	s3 =	sld [smem:$0x3FFE];
	_ =	sdelay $0x1  }
0x8a: {  	s1 =	srdreg.scid  }
0x8b: {  	s0 =	sand.u32 $0x1, s1  }
0x8c: {  	s16 =	sshll.u32 s0, $0xA;
	s2 =	sadd.s32 s3, s2  }
0x8d: {  	s2 =	sadd.s32 s2, s16  }
0x8e: {  	[smem:$0x3FB6] =	sst s2  }
0x8f: {  	_ = 	snop  }
0x90: {  	(tm) =	ssettm $0x1  }
0x91: {  	s17 =	sld [smem:$0x3FFB];
	_ =	sdelay $0x3  }
0x92: {  	_ =	strace s17  }
0x93: {  	s2 =	sld [smem:$0x3FFC];
	_ =	sdelay $0x3  }
0x94: {  	_ =	strace s2  }
0x95: {  	s2 =	sld [smem:$0x3FFD];
	_ =	sdelay $0x3  }
0x96: {  	_ =	strace s2  }
0x97: {  	_ =	strace $0x8FFFFFFF  }
0x98: {  	s18 =	sld [smem:$0x3FDB];
	_ =	sdelay $0x1  }
0x99: {  	s19 =	simm.s32 $_scs_section_size  }
0x9a: {  	s4 =	simm.s32 $_size__tile_overlayer_lowered;
	s5 =	simm.s32 $_tile_overlayer_lowered  }
0x9b: {  	s22 =	simm.s32 $0x1BFF;
	s21 =	sshll.u32 s5, $0x1;
	s2 =	sadd.s32 s19, s18  }
0x9c: {  	s6 =	simm.s32 $0x0;
	s20 =	sshll.u32 s4, $0x1;
	s4 =	sadd.s32 s21, s2  }
0x9d: {  	[timem:s6], [sflag:s22] =	dma.local [hbm:s4], s20  }
0x9e: {  	_ =	swait.ge [sflag:s22], s20  }
0x9f: {  	s3 =	ssub.s32 $0x0, s20;
	[sflag:s22] =	ssyncset.done $0x0  }
0xa0: {  	[sflag:s22] =	ssyncadd.s32 s3;
	_ =	sdelay $0x1  }
0xa1: {  	s23 =	simm.s32 $0x1B8B  }
0xa2: {  	_ =	swait.ge [sflag:s23], $0x1  }
0xa3: {  	[sflag:s23] =	ssyncset.done $0x0  }
0xa4: {  	s25 =	simm.s32 $0x1B8E;
	s24 =	sld [smem:$0x3FFE];
	[sflag:s23] =	ssyncadd.s32 $0xFFFFFFFF  }
0xa5: {  	s26 =	simm.s32 $execute0_lowered;
	[smem:$0x3FD2] =	sst s25  }
0xa6: {  	s4 =	sshll.u32 s26, $0x1;
	_ =	strace $0x8000004F;
	[dreg:$0x1] =	wrdreg $0xFFFFFFFF  }
0xa7: {  	s28 =	simm.s32 $_size_execute0_lowered;
	s2 =	sadd.s32 s2, s4;
	[dreg:$0x0] =	wrdreg $0x0  }
0xa8: {  	s4 =	sshll.u32 s28, $0x1;
	[dreg:$0x2] =	wrdreg s2  }
0xa9: {  	[dreg:$0x3] =	wrdreg s4  }
0xaa: {  	[dreg:$0x4] =	wrdreg $0xC0  }
0xab: {  	_ =	task [dreg:s6], $0x5FFFF  }
0xac: {  	[dreg:$0x1] =	wrdreg $0xFFFFFFFF  }
0xad: {  	[dreg:$0x0] =	wrdreg $0x60  }
0xae: {  	[dreg:$0x2] =	wrdreg s24  }
0xaf: {  	[dreg:$0x3] =	wrdreg $0xEF100  }
0xb0: {  	[dreg:$0x4] =	wrdreg $0x9  }
0xb1: {  	_ =	task.clear_ibuf [dreg:s6], $0x5FFFF;
	_ =	strace $0x9000004F  }
0xb2: {  	s29 =	simm.s32 $0x9;
	_ =	strace $0x80000051  }
0xb3: {  	_ =	swait.ge [sflag:s29], $0x1  }
0xb4: {  	[sflag:s29] =	ssyncadd.s32 $0xFFFFFFFF  }
0xb5: {  	_ =	strace $0x90000051  }
0xb6: {  	_ =	sfence  }
0xb7: {  	s30 =	sld [smem:$0x0];
	_ =	sdelay $0x2  }
0xb8: {  	s31 =	sshll.u32 s1, $0xD;
	s1 =	sshrl.u32 s1, $0x2  }
0xb9: {  	s3 =	sand.u32 $0x4000, s31;
	s1 =	sadd.s32 s1, s30  }
0xba: {  	s0 =	sor.u32 s3, s0;
	s1 =	sshll.u32 s1, $0x11  }
0xbb: {  	s0 =	sor.u32 s1, s0  }
0xbc: {  	s0 =	sadd.s32 $0x8F2B, s0  }
0xbd: {  	[sflag:s0] =	ssyncadd.remote.s32 $0x1  }
0xbe: {  	_ =	sfence.sel $0xFFFF  }
0xbf: {  	[dreg:$0x0] =	wrdreg $0xFFFFFFFF;
	(pc) =	sbr.abs _section_cstart, $3  }
0xc0: {  	[dreg:$0x1] =	wrdreg $0xFFFFFFFF  }
0xc1: {  	_ =	task.clear_ibuf [dreg:s6], $0x2FFFF;
	_ =	strace $0x9FFFFFFF  }
0xc2: {  	(tm) =	ssettm $0x7FFFFFFF  }
0xc3: {  	_ =	shalt  }
tec
execute0_lowered:
.L_overlay_start_1:
0x0: {  	(tag) =	ssettag $0x1  }
0x1: {  	s1 =	srdreg.scid;
	s5 =	rddreg [dreg:$0x0]  }
0x2: {  	s0 =	stileid.u32;
	s2 =	rddreg [dreg:$0x1]  }
0x3: {  	s3 =	simm.s32 $0x0;
	s15 =	simm.s32 $0x2710;
	s16 =	simm.s32 $0x3B10  }
0x4: {  	s17 =	simm.s32 $0x1;
	s18 =	simm.s32 $0x50;
	s19 =	simm.s32 $0x2  }
0x5: {  	s20 =	simm.s32 $0x2620;
	s21 =	simm.s32 $0x2670;
	s8 =	smul.u32 $0xA000, s0  }
0x6: {  	s22 =	simm.s32 $0x26C0;
	s4 =	sand.u32 $0x1, s1;
	s13 =	smul.u32 $0x4E20, s0  }
0x7: {  	s23 =	simm.s32 $0x0;
	s25 =	sshll.u32 s0, $0x1;
	s9 =	smul.u32 $0xA0000, s4  }
0x8: {  	s1 =	rddreg [dreg:$0x2];
	s6 =	sor.u32 s4, s25;
	s14 =	smul.u32 $0x2710, s4  }
0x9: {  	[smem:$0x7FF] =	sst s3;
	s10 =	sadd.s32 $0x2ED400, s5;
	s7 =	smul.u32 $0x2710, s6  }
0xa: {  	_ =	strace $0x80000050;
	s12 =	ssub.s32 $0x2, s4;
	s11 =	smul.u32 $0x9C400, s6  }
0xb: {  	s26 =	sshrl.u32 s12, $0x1;
	s4 =	sadd.s32 s8, s2;
	s6 =	smul.u32 $0x13880, s6  }
0xc: {  	s9 =	sadd.s32 s8, s9;
	s12 =	ssub.s32 s12, s26;
	s29 =	sadd.s32 s14, s13  }
0xd: {  	s13 =	simm.s32 $0x4F10;
	s14 =	simm.s32 $0x3;
	s7 =	sshrl.u32 s7, $0x3  }
0xe: {  	s9 =	sshrl.u32 s9, $0x3;
	s28 =	sshrl.u32 s11, $0x3;
	s6 =	sadd.s32 s10, s6  }
0xf: {  	s30 =	sshll.u32 s29, $0x3;
	s7 =	sadd.s32 s7, s5;
	s9 =	sadd.s32 s9, s5  }
0x10: {  	s31 =	sadd.s32 s10, s30;
	s5 =	sadd.s32 $0xEC00, s7;
	s7 =	sadd.s32 s10, s28  }
0x11: {  	s8 =	sadd.s32 $0x68A00, s9;
	s9 =	smax.u32 s12, $0x1;
	s10 =	sadd.s32 $0x13600, s6  }
0x12: {  	v0 =	vimm.f32 $0.0e+00;
	s11 =	sadd.s32 $0x780, s31;
	s12 =	sadd.s32 $0x500, s31;
	s7 =	sadd.s32 $0x280, s7  }
.LBB2_1:
0x13: {  	s25 =	simm.s32 $0x100;
	s24 =	simm.s32 $0x0  }
.LBB2_2:
0x14: {  	p0 =	sne.s32 s25, $0x27F00;
	[tilespmem:s24+$0x4F40] =	vst v0;
	s26 =	smov.u32 s25;
	s25 =	sadd.s32 $0x100, s25  }
.Ltmp0:
0x15: {  	[tilespmem:s24+$0x4F30] =	vst v0;
	(pc) =	sbr.rel @p0 .LBB2_2-.Ltmp0, $3  }
0x16: {  	[tilespmem:s24+$0x4F10] =	vst v0  }
0x17: {  	[tilespmem:s24+$0x4F20] =	vst v0;
	_ =	sdelay $0x1  }
0x18: {  	s24 =	sshra.s32 s26, $0x2  }
0x19: {  	[tilespmem:s24+$0x4F40] =	vst v0  }
0x1a: {  	[tilespmem:s24+$0x4F30] =	vst v0  }
0x1b: {  	[tilespmem:s24+$0x4F10] =	vst v0  }
0x1c: {  	[tilespmem:s24+$0x4F20] =	vst v0  }
0x1d: {  	[spmem:s4] =	stream.linear.scatter [tilespmem:s13], [sflag:$0x3], $0xA000, $0x38;
	[tilespmem:$0x18F10] =	vst v63  }
0x1e: {  	_ =	swait.ge [sflag:s14], $0xA000  }
0x1f: {  	[sflag:s14] =	ssyncset.done $0x0  }
0x20: {  	[sflag:s14] =	ssyncadd.s32 $0xFFFF6000  }
0x21: {  	s28 =	simm.s32 $0x0;
	[bflag:$0x0] =	sbarrier.arrive $0xFFFF  }
0x22: {  	[tilespmem:s28], [sflag:$0x3] =	stream.linear.gather [hbm4b:s5+s28], $0x2710, $0x38;
	[tilespmem:$0x18F10] =	vst v63  }
0x23: {  	_ =	swait.ge [sflag:s14], $0x2710  }
0x24: {  	[sflag:s14] =	ssyncset.done $0x0  }
0x25: {  	[sflag:s14] =	ssyncadd.s32 $0xFFFFD8F0  }
0x26: {  	[tilespmem:s15], [sflag:$0x1] =	stream.linear.gather [hbm4b:s6+s28], $0x1400, $0x38;
	[tilespmem:$0x18F10] =	vst v63  }
0x27: {  	_ = 	snop  }
0x28: {  	[tilespmem:s16], [sflag:$0x2] =	stream.linear.gather [hbm4b:s7+s28], $0x1400, $0x38;
	[tilespmem:$0x18F10] =	vst v63  }
0x29: {  	_ =	swait.ge [sflag:s17], $0x1400  }
0x2a: {  	[sflag:s17] =	ssyncset.done $0x0  }
0x2b: {  	s29 =	simm.s32 $0x0;
	[sflag:s17] =	ssyncadd.s32 $0xFFFFEC00  }
0x2c: {  	[spmem:s2] =	stream.indirect.scatter.add.f32 [tilespmem:s15], [sflag:$0x3], $0x40, s29, s18, $0xb8;
	[tilespmem:$0x18F10] =	vst v63  }
0x2d: {  	_ =	swait.ge [sflag:s14], $0x1400  }
0x2e: {  	[sflag:s14] =	ssyncset.done $0x0  }
0x2f: {  	s30 =	sadd.s32 $0x0, s12;
	[sflag:s14] =	ssyncadd.s32 $0xFFFFEC00  }
0x30: {  	[tilespmem:s15], [sflag:$0x1] =	stream.linear.gather [hbm4b:s30+s3], $0x1400, $0x38;
	[tilespmem:$0x18F10] =	vst v63  }
0x31: {  	_ =	swait.ge [sflag:s19], $0x1400  }
0x32: {  	[sflag:s19] =	ssyncset.done $0x0  }
0x33: {  	s31 =	simm.s32 $0x50;
	[sflag:s19] =	ssyncadd.s32 $0xFFFFEC00  }
0x34: {  	[spmem:s2] =	stream.indirect.scatter.add.f32 [tilespmem:s16], [sflag:$0x3], $0x40, s31, s18, $0xb8;
	[tilespmem:$0x18F10] =	vst v63  }
0x35: {  	_ =	swait.ge [sflag:s14], $0x1400  }
0x36: {  	s24 =	simm.s32 $0x500;
	[sflag:s14] =	ssyncset.done $0x0  }
0x37: {  	s26 =	sadd.s32 $0x0, s11;
	s25 =	simm.s32 $0xF0;
	[sflag:s14] =	ssyncadd.s32 $0xFFFFEC00  }
.LBB2_4:
0x38: {  	[tilespmem:s16], [sflag:$0x2] =	stream.linear.gather [hbm4b:s26+s3], $0x1400, $0x38;
	[tilespmem:$0x18F10] =	vst v63  }
0x39: {  	s26 =	smov.u32 s24  }
0x3a: {  	p0 =	sne.s32 s24, $0x12C00;
	s24 =	sadd.s32 $0x500, s24;
	_ =	swait.ge [sflag:s17], $0x1400  }
0x3b: {  	[sflag:s17] =	ssyncset.done $0x0  }
0x3c: {  	s28 =	sadd.s32 $0xFFFFFFB0, s25;
	[sflag:s17] =	ssyncadd.s32 $0xFFFFEC00  }
0x3d: {  	[spmem:s2] =	stream.indirect.scatter.add.f32 [tilespmem:s15], [sflag:$0x3], $0x40, s28, s18, $0xb8;
	[tilespmem:$0x18F10] =	vst v63  }
0x3e: {  	_ =	swait.ge [sflag:s14], $0x1400  }
0x3f: {  	[sflag:s14] =	ssyncset.done $0x0  }
0x40: {  	s28 =	sadd.s32 s26, s12;
	[sflag:s14] =	ssyncadd.s32 $0xFFFFEC00  }
0x41: {  	[tilespmem:s15], [sflag:$0x1] =	stream.linear.gather [hbm4b:s28+s3], $0x1400, $0x38;
	[tilespmem:$0x18F10] =	vst v63  }
0x42: {  	_ =	swait.ge [sflag:s19], $0x1400  }
0x43: {  	[sflag:s19] =	ssyncset.done $0x0  }
.Ltmp1:
0x44: {  	[sflag:s19] =	ssyncadd.s32 $0xFFFFEC00;
	(pc) =	sbr.rel @p0 .LBB2_4-.Ltmp1, $4  }
0x45: {  	[spmem:s2] =	stream.indirect.scatter.add.f32 [tilespmem:s16], [sflag:$0x3], $0x40, s25, s18, $0xb8;
	[tilespmem:$0x18F10] =	vst v63  }
0x46: {  	_ =	swait.ge [sflag:s14], $0x1400  }
0x47: {  	[sflag:s14] =	ssyncset.done $0x0  }
0x48: {  	s26 =	sadd.s32 s26, s11;
	s25 =	sadd.s32 $0xA0, s25;
	[sflag:s14] =	ssyncadd.s32 $0xFFFFEC00  }
0x49: {  	[tilespmem:s16], [sflag:$0x2] =	stream.linear.gather [hbm4b:s26+s3], $0x1400, $0x38;
	[tilespmem:$0x18F10] =	vst v63  }
0x4a: {  	_ =	swait.ge [sflag:s17], $0x1400  }
0x4b: {  	[sflag:s17] =	ssyncset.done $0x0  }
0x4c: {  	[sflag:s17] =	ssyncadd.s32 $0xFFFFEC00  }
0x4d: {  	[spmem:s2] =	stream.indirect.scatter.add.f32 [tilespmem:s15], [sflag:$0x3], $0x40, s20, s18, $0xb8;
	[tilespmem:$0x18F10] =	vst v63  }
0x4e: {  	_ =	swait.ge [sflag:s14], $0x1400  }
0x4f: {  	[sflag:s14] =	ssyncset.done $0x0  }
0x50: {  	[sflag:s14] =	ssyncadd.s32 $0xFFFFEC00  }
0x51: {  	[tilespmem:s15], [sflag:$0x1] =	stream.linear.gather [hbm4b:s10+s3], $0x1400, $0x38;
	[tilespmem:$0x18F10] =	vst v63  }
0x52: {  	_ =	swait.ge [sflag:s19], $0x1400  }
0x53: {  	[sflag:s19] =	ssyncset.done $0x0  }
0x54: {  	[sflag:s19] =	ssyncadd.s32 $0xFFFFEC00  }
0x55: {  	[spmem:s2] =	stream.indirect.scatter.add.f32 [tilespmem:s16], [sflag:$0x3], $0x40, s21, s18, $0xb8;
	[tilespmem:$0x18F10] =	vst v63  }
0x56: {  	_ =	swait.ge [sflag:s14], $0x1400  }
0x57: {  	[sflag:s14] =	ssyncset.done $0x0  }
0x58: {  	[sflag:s14] =	ssyncadd.s32 $0xFFFFEC00  }
0x59: {  	_ =	swait.ge [sflag:s17], $0x1400  }
0x5a: {  	[sflag:s17] =	ssyncset.done $0x0  }
0x5b: {  	[sflag:s17] =	ssyncadd.s32 $0xFFFFEC00  }
0x5c: {  	[spmem:s2] =	stream.indirect.scatter.add.f32 [tilespmem:s15], [sflag:$0x3], $0x40, s22, s18, $0xb8;
	[tilespmem:$0x18F10] =	vst v63  }
0x5d: {  	_ =	swait.ge [sflag:s14], $0x1400  }
0x5e: {  	[sflag:s14] =	ssyncset.done $0x0  }
0x5f: {  	[sflag:s14] =	ssyncadd.s32 $0xFFFFEC00  }
0x60: {  	[bflag:$0x0] =	sbarrier.arrive $0xFFFF  }
0x61: {  	[tilespmem:s13], [sflag:$0x3] =	stream.linear.gather [spmem:s4], $0xA000, $0x38;
	[tilespmem:$0x18F10] =	vst v63  }
0x62: {  	s23 =	sadd.s32 $0x1, s23;
	_ =	swait.ge [sflag:s14], $0xA000  }
0x63: {  	p0 =	sne.s32 s23, s9;
	[sflag:s14] =	ssyncset.done $0x0  }
.Ltmp2:
0x64: {  	[sflag:s14] =	ssyncadd.s32 $0xFFFF6000;
	(pc) =	sbr.rel @p0 .LBB2_1-.Ltmp2, $4  }
0x65: {  	[hbm4b:s8+s3] =	stream.linear.scatter [tilespmem:s13], [sflag:$0x3], $0xA000, $0x38;
	[tilespmem:$0x18F10] =	vst v63  }
0x66: {  	_ =	swait.ge [sflag:s14], $0xA000  }
0x67: {  	[sflag:s14] =	ssyncset.done $0x0  }
0x68: {  	[sflag:s14] =	ssyncadd.s32 $0xFFFF6000  }
0x69: {  	_ =	sfence.sel $0x180000  }
0x6a: {  	[bflag:$0x0] =	sbarrier.arrive $0xFFFF  }
0x6b: {  	p0 =	sne.s32 s0, $0x0;
	_ =	strace $0x90000050  }
0x6c: {  	s0 =	sadd.s32 @!p0 $0x100000, s1;
	[bflag:$0x2] =	sbarrier.arrive $0xFFFF  }
0x6d: {  	[sflag:s0] =	ssyncadd.tile.s32 @!p0 $0x1;
	_ =	shalt  }
.Lfunc_end2:
_tile_overlayer_lowered:
.L_overlay_start_2:
0x6e: {  	(tag) =	ssettag $0x2  }
0x6f: {  	s0 =	rddreg [dreg:$0x0];
	s2 =	stileid.u32  }
0x70: {  	s1 =	rddreg [dreg:$0x1];
	p0 =	sne.s32 s2, $0x0  }
0x71: {  	s3 =	rddreg [dreg:$0x2];
	[bflag:$0x3] =	sbarrier.arrive $0xFFFF;
	s2 =	simm.s32 @!p0 $0x1C03  }
0x72: {  	[timem:s3], [sflag:s2] =	dma.local @!p0 [hbm:s0], s1  }
0x73: {  	s0 =	simm.s32 @!p0 $0x3  }
0x74: {  	_ =	swait.ge @!p0 [sflag:s0], s1  }
0x75: {  	s1 =	ssub.s32 @!p0 $0x0, s1;
	[sflag:s0] =	ssyncset.done @!p0 $0x0  }
0x76: {  	[sflag:s0] =	ssyncadd.s32 @!p0 s1  }
0x77: {  	[bflag:$0x3] =	sbarrier.arrive $0xFFFF  }
0x78: {  	_ =	shalt  }

</sc_bundles>
